<compile_context>
chip_gen: v7x
topology: tpu7x:2x2x1
jax: 0.10.2.dev20260603
libtpu: 0.0.44.dev20260713+nightly
codegen_flags: <defaults>
</compile_context>

<pallas_src>
import functools

import jax
import jax.numpy as jnp
from jax import lax
from jax.experimental import pallas as pl
from jax.experimental.pallas import tpu as pltpu
from jax.experimental.pallas import tpu_sc as plsc

N_NODES = 10000
N_EDGES = 160000
IN_CH = 256
OUT_CH = 256
HALF = 128
NC = 2
NS = 16
KB = 125
KC = 125
A_BATCHES = N_EDGES // (NC * NS * KB)
NQ = 4
QB = 20
NPAD = 10240
SEG = NPAD // NS
RPT = 624
TAIL = N_NODES - NS * RPT

_MESH = dict(core_axis_name="c", subcore_axis_name="s")


def _deg_body(dsta, ones_h, zern, out, idx_v, ones_v, cbuf, acc, sem):
    c = lax.axis_index("c")
    s = lax.axis_index("s")
    w = s * NC + c
    pltpu.sync_copy(dsta.at[w], idx_v)
    pltpu.sync_copy(ones_h, ones_v)
    pltpu.sync_copy(zern, cbuf)
    pltpu.sync_copy(cbuf, acc.at[pl.ds(s * SEG, SEG)])
    plsc.subcore_barrier()

    @pl.loop(0, A_BATCHES)
    def _(j):
        pltpu.sync_copy(ones_v, acc.at[idx_v.at[j]], add=True)

    plsc.subcore_barrier()
    pltpu.sync_copy(acc.at[pl.ds(s * SEG, SEG)], cbuf)
    pltpu.sync_copy(cbuf, out.at[c, pl.ds(s * SEG, SEG)])
    del sem


def _deg_call(dsta, ones_h, zern):
    mesh = plsc.VectorSubcoreMesh(**_MESH)
    fn = functools.partial(
        pl.kernel,
        out_type=jax.ShapeDtypeStruct((NC, NPAD), jnp.float32),
        mesh=mesh,
        scratch_types=[
            pltpu.VMEM((A_BATCHES, KB), jnp.int32),
            pltpu.VMEM((KB,), jnp.float32),
            pltpu.VMEM((SEG,), jnp.float32),
            pltpu.VMEM_SHARED((NPAD,), jnp.float32),
            pltpu.SemaphoreType.DMA,
        ],
    )(_deg_body)
    return fn(dsta, ones_h, zern)


def _agg_body(g_flat, srcq, dstq, out,
              is0, id0, is1, id1, rows0, rows1, acc,
              semi0, semi1, semg0, semg1):
    c = lax.axis_index("c")
    s = lax.axis_index("s")
    pltpu.sync_copy(g_flat.at[pl.ds(c * N_NODES + s * RPT, RPT)],
                    acc.at[pl.ds(s * RPT, RPT)])

    @pl.when(s == 0)
    def _():
        pltpu.sync_copy(g_flat.at[pl.ds(c * N_NODES + NS * RPT, TAIL)],
                        acc.at[pl.ds(NS * RPT, TAIL)])

    plsc.subcore_barrier()

    pltpu.sync_copy(srcq.at[c, s, 0], is0)
    pltpu.sync_copy(dstq.at[s, 0], id0)
    pltpu.async_copy(srcq.at[c, s, 1], is1, semi1)
    pltpu.async_copy(dstq.at[s, 1], id1, semi1)

    def chunk(q, is_, id_, semi, first):
        if not first:
            @pl.when(q > 0)
            def _():
                pltpu.make_async_copy(srcq.at[c, s, q], is_, semi).wait()
                pltpu.make_async_copy(dstq.at[s, q], id_, semi).wait()
        else:
            pltpu.make_async_copy(srcq.at[c, s, q], is_, semi).wait()
            pltpu.make_async_copy(dstq.at[s, q], id_, semi).wait()
        pltpu.async_copy(g_flat.at[is_.at[0]], rows0, semg0)
        pltpu.async_copy(g_flat.at[is_.at[1]], rows1, semg1)
        for b in range(QB):
            rb, sg = (rows0, semg0) if b % 2 == 0 else (rows1, semg1)
            pltpu.make_async_copy(g_flat.at[is_.at[b]], rb, sg).wait()
            pltpu.sync_copy(rb, acc.at[id_.at[b]], add=True)
            if b + 2 < QB:
                pltpu.async_copy(g_flat.at[is_.at[b + 2]], rb, sg)
        @pl.when(q + 2 < NQ)
        def _():
            pltpu.async_copy(srcq.at[c, s, q + 2], is_, semi)
            pltpu.async_copy(dstq.at[s, q + 2], id_, semi)

    @pl.loop(0, NQ, step=2)
    def _(q):
        chunk(q, is0, id0, semi0, False)
        chunk(q + 1, is1, id1, semi1, True)

    plsc.subcore_barrier()
    pltpu.sync_copy(acc.at[pl.ds(s * RPT, RPT)], out.at[c, pl.ds(s * RPT, RPT)])

    @pl.when(s == 0)
    def _():
        pltpu.sync_copy(acc.at[pl.ds(NS * RPT, TAIL)],
                        out.at[c, pl.ds(NS * RPT, TAIL)])


def _agg_call(g_flat, srcq, dstq):
    mesh = plsc.VectorSubcoreMesh(**_MESH)
    fn = functools.partial(
        pl.kernel,
        out_type=jax.ShapeDtypeStruct((NC, N_NODES, HALF), jnp.float32),
        mesh=mesh,
        scratch_types=[
            pltpu.VMEM((QB, KC), jnp.int32),
            pltpu.VMEM((QB, KC), jnp.int32),
            pltpu.VMEM((QB, KC), jnp.int32),
            pltpu.VMEM((QB, KC), jnp.int32),
            pltpu.VMEM((KC, HALF), jnp.float32),
            pltpu.VMEM((KC, HALF), jnp.float32),
            pltpu.VMEM_SHARED((N_NODES, HALF), jnp.float32),
            pltpu.SemaphoreType.DMA,
            pltpu.SemaphoreType.DMA,
            pltpu.SemaphoreType.DMA,
            pltpu.SemaphoreType.DMA,
        ],
    )(_agg_body)
    return fn(g_flat, srcq, dstq)


_ROWS_BLK = 5000


def _mm_body(x_ref, w_ref, degt_ref, g_ref):
    d = degt_ref[:, 0:1] + degt_ref[:, 1:2] + 1.0
    dinv = lax.rsqrt(d)
    h = jnp.dot(x_ref[...], w_ref[...], preferred_element_type=jnp.float32)
    g = h * dinv
    g_ref[0] = g[:, :HALF]
    g_ref[1] = g[:, HALF:]


def _mm_call(x, W, degt):
    return pl.pallas_call(
        _mm_body,
        grid=(N_NODES // _ROWS_BLK,),
        in_specs=[
            pl.BlockSpec((_ROWS_BLK, IN_CH), lambda i: (i, 0)),
            pl.BlockSpec((IN_CH, OUT_CH), lambda i: (0, 0)),
            pl.BlockSpec((_ROWS_BLK, NC), lambda i: (i, 0)),
        ],
        out_specs=pl.BlockSpec((NC, _ROWS_BLK, HALF), lambda i: (0, i, 0)),
        out_shape=jax.ShapeDtypeStruct((NC, N_NODES, HALF), jnp.float32),
    )(x, W, degt)


def _fin_body(acc_ref, degt_ref, b_ref, o_ref):
    d = degt_ref[:, 0:1] + degt_ref[:, 1:2] + 1.0
    dinv = lax.rsqrt(d)
    o_ref[:, :HALF] = acc_ref[0] * dinv + b_ref[:, :HALF]
    o_ref[:, HALF:] = acc_ref[1] * dinv + b_ref[:, HALF:]


def _fin_call(acc, degt, b2):
    return pl.pallas_call(
        _fin_body,
        grid=(N_NODES // _ROWS_BLK,),
        in_specs=[
            pl.BlockSpec((NC, _ROWS_BLK, HALF), lambda i: (0, i, 0)),
            pl.BlockSpec((_ROWS_BLK, NC), lambda i: (i, 0)),
            pl.BlockSpec((1, OUT_CH), lambda i: (0, 0)),
        ],
        out_specs=pl.BlockSpec((_ROWS_BLK, OUT_CH), lambda i: (i, 0)),
        out_shape=jax.ShapeDtypeStruct((N_NODES, OUT_CH), jnp.float32),
    )(acc, degt, b2)


def kernel(x, edge_index, W, b):
    ei = edge_index.astype(jnp.int32)
    src, dst = ei[0], ei[1]
    dsta = dst.reshape(NC * NS, A_BATCHES, KB)
    srcc = src.reshape(NS, NQ, QB, KC)
    srcq = jnp.stack([srcc, srcc + N_NODES], axis=0)
    dstq = dst.reshape(NS, NQ, QB, KC)
    zern = jnp.zeros((SEG,), jnp.float32)
    ones_h = jnp.ones((KB,), jnp.float32)

    degp = _deg_call(dsta, ones_h, zern)
    degt = degp[:, :N_NODES].T
    g = _mm_call(x, W, degt)
    acc = _agg_call(g.reshape(NC * N_NODES, HALF), srcq, dstq)
    return _fin_call(acc, degt, b.reshape(1, OUT_CH))

# --- scband reference (transcript-rebuilt; emitter-appended) ---
"""Pipeline reference for scband-linear-encoder-18433999634989 (READ-ONLY COPY).

The authoritative reference and input builder live on the scoring server;
editing this copy changes nothing except your own understanding.
"""

import jax, jax.numpy as jnp
import numpy as np

N_NODES = 10000
N_EDGES = 160000
IN_CH = 256
OUT_CH = 256


def setup_inputs(seed: int = 0) -> dict:
    key = jax.random.key(seed)
    k1, k2, k3, k4 = jax.random.split(key, 4)
    x = jax.random.normal(k1, (N_NODES, IN_CH), dtype=jnp.float32)
    edge_index = jax.random.randint(k2, (2, N_EDGES), 0, N_NODES, dtype=jnp.int64)
    # GCNConv params: linear weight (glorot) stored as [in, out] for x @ W, plus bias [out]
    limit = float(np.sqrt(6.0 / (IN_CH + OUT_CH)))
    W = jax.random.uniform(k3, (IN_CH, OUT_CH), dtype=jnp.float32, minval=-limit, maxval=limit)
    b = jnp.zeros((OUT_CH,), dtype=jnp.float32)
    return {"x": x, "edge_index": edge_index, "W": W, "b": b}


def reference(x, edge_index, W, b):
    # Faithful GCNConv (PyG defaults: add_self_loops=True, normalize=True,
    # improved=False, cached=False, flow=source_to_target, aggr=add).
    N = x.shape[0]
    src = edge_index[0]
    dst = edge_index[1]
    # add self-loops
    loop = jnp.arange(N, dtype=edge_index.dtype)
    src = jnp.concatenate([src, loop])
    dst = jnp.concatenate([dst, loop])
    # symmetric normalization: deg computed over target (col) with edge_weight=1
    ones = jnp.ones(src.shape[0], dtype=x.dtype)
    deg = jnp.zeros((N,), dtype=x.dtype).at[dst].add(ones)
    deg_inv_sqrt = jnp.where(deg > 0, deg ** -0.5, 0.0)
    norm = deg_inv_sqrt[src] * deg_inv_sqrt[dst]
    # linear transform
    h = x @ W
    # message passing: out[dst] += norm * h[src]
    msg = h[src] * norm[:, None]
    out = jnp.zeros((N, h.shape[1]), dtype=x.dtype).at[dst].add(msg)
    out = out + b
    return out

if __name__ == "__main__":
    import jax
    _d = setup_inputs()
    print(jax.jit(kernel)(*tuple(_d.values())))

</pallas_src>

<mosaic_0001>
#map = affine_map<(d0, d1) -> (0, 0)>
#map1 = affine_map<(d0, d1) -> (0, 0, 0, 0, 0)>
#map2 = affine_map<(d0, d1) -> (0, 0, 0, 0)>
#map3 = affine_map<(d0, d1) -> (0, 0, 0)>
module attributes {stable_mosaic.version = 14 : i64} {
  func.func @_agg_body(%arg0: i32, %arg1: i32, %arg2: memref<20000x128xf32, #tpu.memory_space<hbm>>, %arg3: memref<2x16x4x20x125xi32, #tpu.memory_space<hbm>>, %arg4: memref<16x4x20x125xi32, #tpu.memory_space<hbm>>, %arg5: memref<2x10000x128xf32, #tpu.memory_space<hbm>>, %arg6: memref<20x125xi32, #tpu.memory_space<vmem>>, %arg7: memref<20x125xi32, #tpu.memory_space<vmem>>, %arg8: memref<20x125xi32, #tpu.memory_space<vmem>>, %arg9: memref<20x125xi32, #tpu.memory_space<vmem>>, %arg10: memref<125x128xf32, #tpu.memory_space<vmem>>, %arg11: memref<125x128xf32, #tpu.memory_space<vmem>>, %arg12: memref<10000x128xf32, #tpu.memory_space<vmem_shared>>, %arg13: memref<!tpu.dma_semaphore, #tpu.memory_space<semaphore_mem>>, %arg14: memref<!tpu.dma_semaphore, #tpu.memory_space<semaphore_mem>>, %arg15: memref<!tpu.dma_semaphore, #tpu.memory_space<semaphore_mem>>, %arg16: memref<!tpu.dma_semaphore, #tpu.memory_space<semaphore_mem>>) attributes {dimension_semantics = [#tpu.dimension_semantics<core_parallel>, #tpu.dimension_semantics<subcore_parallel>], iteration_bounds = array<i64: 2, 16>, scalar_prefetch = 0 : i64, scratch_operands = 11 : i64, tpu.core_type = #tpu.core_type<sc_vector_subcore>, window_params = [{transform_indices = #map}, {transform_indices = #map1}, {transform_indices = #map2}, {transform_indices = #map3}]} {
    %mul3A = arith.constant 10000 : i32
    %mul3A_0 = arith.muli %arg0, %mul3A : i32
    %mul3A_1 = arith.constant 624 : i32
    %mul3A_2 = arith.muli %arg1, %mul3A_1 : i32
    %add3A = arith.addi %mul3A_0, %mul3A_2 : i32
    %mul3A_3 = arith.constant 624 : i32
    %mul3A_4 = arith.muli %arg1, %mul3A_3 : i32
    "tpu.region"() ({
      %run_scoped3A_39 = tpu.sem_alloc : memref<!tpu.dma_semaphore, #tpu.memory_space<semaphore_mem>>
      %dma_start3A_40 = arith.constant 0 : i32
      %dma_start3A_41 = tpu.memref_slice %arg12[%mul3A_4, %dma_start3A_40] : memref<10000x128xf32, #tpu.memory_space<vmem_shared>> -> memref<624x128xf32, #tpu.memory_space<vmem_shared>>
      %dma_start3A_42 = arith.constant 0 : i32
      %dma_start3A_43 = tpu.memref_slice %arg2[%add3A, %dma_start3A_42] : memref<20000x128xf32, #tpu.memory_space<hbm>> -> memref<624x128xf32, #tpu.memory_space<hbm>>
      tpu.enqueue_dma source(%dma_start3A_43 : memref<624x128xf32, #tpu.memory_space<hbm>>) target(%dma_start3A_41 : memref<624x128xf32, #tpu.memory_space<vmem_shared>>) target_semaphore(%run_scoped3A_39 : memref<!tpu.dma_semaphore, #tpu.memory_space<semaphore_mem>>)
      %dma_wait3A = arith.constant 0 : i32
      %dma_wait3A_44 = tpu.memref_slice %arg12[%mul3A_4, %dma_wait3A] : memref<10000x128xf32, #tpu.memory_space<vmem_shared>> -> memref<624x128xf32, #tpu.memory_space<vmem_shared>>
      %dma_wait3A_45 = arith.constant 0 : i32
      %dma_wait3A_46 = tpu.memref_slice %arg2[%add3A, %dma_wait3A_45] : memref<20000x128xf32, #tpu.memory_space<hbm>> -> memref<624x128xf32, #tpu.memory_space<hbm>>
      tpu.wait_dma2 semaphore(%run_scoped3A_39 : memref<!tpu.dma_semaphore, #tpu.memory_space<semaphore_mem>>) src(%dma_wait3A_46 : memref<624x128xf32, #tpu.memory_space<hbm>>) dst(%dma_wait3A_44 : memref<624x128xf32, #tpu.memory_space<vmem_shared>>)
      tpu.yield
    }) : () -> ()
    %eq3A = arith.constant 0 : i32
    %eq3A_5 = arith.cmpi eq, %arg1, %eq3A : i32
    %convert_element_type3A = arith.extui %eq3A_5 : i1 to i32
    %cond3A = arith.constant 0 : i32
    %cond3A_6 = arith.cmpi ne, %convert_element_type3A, %cond3A : i32
    scf.if %cond3A_6 {
      %mul3A_39 = arith.constant 10000 : i32
      %mul3A_40 = arith.muli %arg0, %mul3A_39 : i32
      %add3A_41 = arith.constant 9984 : i32
      %add3A_42 = arith.addi %mul3A_40, %add3A_41 : i32
      "tpu.region"() ({
        %run_scoped3A_43 = tpu.sem_alloc : memref<!tpu.dma_semaphore, #tpu.memory_space<semaphore_mem>>
        %dma_start3A_44 = arith.constant 9984 : i32
        %dma_start3A_45 = arith.constant 0 : i32
        %dma_start3A_46 = tpu.memref_slice %arg12[%dma_start3A_44, %dma_start3A_45] : memref<10000x128xf32, #tpu.memory_space<vmem_shared>> -> memref<16x128xf32, #tpu.memory_space<vmem_shared>>
        %dma_start3A_47 = arith.constant 0 : i32
        %dma_start3A_48 = tpu.memref_slice %arg2[%add3A_42, %dma_start3A_47] : memref<20000x128xf32, #tpu.memory_space<hbm>> -> memref<16x128xf32, #tpu.memory_space<hbm>>
        tpu.enqueue_dma source(%dma_start3A_48 : memref<16x128xf32, #tpu.memory_space<hbm>>) target(%dma_start3A_46 : memref<16x128xf32, #tpu.memory_space<vmem_shared>>) target_semaphore(%run_scoped3A_43 : memref<!tpu.dma_semaphore, #tpu.memory_space<semaphore_mem>>)
        %dma_wait3A = arith.constant 9984 : i32
        %dma_wait3A_49 = arith.constant 0 : i32
        %dma_wait3A_50 = tpu.memref_slice %arg12[%dma_wait3A, %dma_wait3A_49] : memref<10000x128xf32, #tpu.memory_space<vmem_shared>> -> memref<16x128xf32, #tpu.memory_space<vmem_shared>>
        %dma_wait3A_51 = arith.constant 0 : i32
        %dma_wait3A_52 = tpu.memref_slice %arg2[%add3A_42, %dma_wait3A_51] : memref<20000x128xf32, #tpu.memory_space<hbm>> -> memref<16x128xf32, #tpu.memory_space<hbm>>
        tpu.wait_dma2 semaphore(%run_scoped3A_43 : memref<!tpu.dma_semaphore, #tpu.memory_space<semaphore_mem>>) src(%dma_wait3A_52 : memref<16x128xf32, #tpu.memory_space<hbm>>) dst(%dma_wait3A_50 : memref<16x128xf32, #tpu.memory_space<vmem_shared>>)
        tpu.yield
      }) : () -> ()
    } else {
    }
    %barrier3A = arith.constant 0 : index
    tpu.barrier barrier_id(%barrier3A)
    %run_scoped3A = arith.constant 0 : i32
    "tpu.region"() ({
      %run_scoped3A_39 = tpu.sem_alloc : memref<!tpu.dma_semaphore, #tpu.memory_space<semaphore_mem>>
      %dma_start3A_40 = arith.constant 0 : i32
      %dma_start3A_41 = arith.constant 0 : i32
      %dma_start3A_42 = tpu.memref_slice %arg3[%arg0, %arg1, %run_scoped3A, %dma_start3A_40, %dma_start3A_41] : memref<2x16x4x20x125xi32, #tpu.memory_space<hbm>> -> memref<1x1x1x20x125xi32, #tpu.memory_space<hbm>>
      %dma_start3A_43 = tpu.memref_squeeze %dma_start3A_42 : memref<1x1x1x20x125xi32, #tpu.memory_space<hbm>> -> memref<20x125xi32, #tpu.memory_space<hbm>>
      %dma_start3A_44 = arith.constant 0 : i32
      %dma_start3A_45 = arith.constant 0 : i32
      %dma_start3A_46 = tpu.memref_slice %arg3[%arg0, %arg1, %run_scoped3A, %dma_start3A_44, %dma_start3A_45] : memref<2x16x4x20x125xi32, #tpu.memory_space<hbm>> -> memref<1x1x1x20x125xi32, #tpu.memory_space<hbm>>
      %dma_start3A_47 = tpu.memref_squeeze %dma_start3A_46 : memref<1x1x1x20x125xi32, #tpu.memory_space<hbm>> -> memref<20x125xi32, #tpu.memory_space<hbm>>
      tpu.enqueue_dma source(%dma_start3A_47 : memref<20x125xi32, #tpu.memory_space<hbm>>) target(%arg6 : memref<20x125xi32, #tpu.memory_space<vmem>>) target_semaphore(%run_scoped3A_39 : memref<!tpu.dma_semaphore, #tpu.memory_space<semaphore_mem>>)
      %dma_wait3A = arith.constant 0 : i32
      %dma_wait3A_48 = arith.constant 0 : i32
      %dma_wait3A_49 = tpu.memref_slice %arg3[%arg0, %arg1, %run_scoped3A, %dma_wait3A, %dma_wait3A_48] : memref<2x16x4x20x125xi32, #tpu.memory_space<hbm>> -> memref<1x1x1x20x125xi32, #tpu.memory_space<hbm>>
      %dma_wait3A_50 = tpu.memref_squeeze %dma_wait3A_49 : memref<1x1x1x20x125xi32, #tpu.memory_space<hbm>> -> memref<20x125xi32, #tpu.memory_space<hbm>>
      %dma_wait3A_51 = arith.constant 0 : i32
      %dma_wait3A_52 = arith.constant 0 : i32
      %dma_wait3A_53 = tpu.memref_slice %arg3[%arg0, %arg1, %run_scoped3A, %dma_wait3A_51, %dma_wait3A_52] : memref<2x16x4x20x125xi32, #tpu.memory_space<hbm>> -> memref<1x1x1x20x125xi32, #tpu.memory_space<hbm>>
      %dma_wait3A_54 = tpu.memref_squeeze %dma_wait3A_53 : memref<1x1x1x20x125xi32, #tpu.memory_space<hbm>> -> memref<20x125xi32, #tpu.memory_space<hbm>>
      tpu.wait_dma2 semaphore(%run_scoped3A_39 : memref<!tpu.dma_semaphore, #tpu.memory_space<semaphore_mem>>) src(%dma_wait3A_54 : memref<20x125xi32, #tpu.memory_space<hbm>>) dst(%arg6 : memref<20x125xi32, #tpu.memory_space<vmem>>)
      tpu.yield
    }) : () -> ()
    %run_scoped3A_7 = arith.constant 0 : i32
    "tpu.region"() ({
      %run_scoped3A_39 = tpu.sem_alloc : memref<!tpu.dma_semaphore, #tpu.memory_space<semaphore_mem>>
      %dma_start3A_40 = arith.constant 0 : i32
      %dma_start3A_41 = arith.constant 0 : i32
      %dma_start3A_42 = tpu.memref_slice %arg4[%arg1, %run_scoped3A_7, %dma_start3A_40, %dma_start3A_41] : memref<16x4x20x125xi32, #tpu.memory_space<hbm>> -> memref<1x1x20x125xi32, #tpu.memory_space<hbm>>
      %dma_start3A_43 = tpu.memref_squeeze %dma_start3A_42 : memref<1x1x20x125xi32, #tpu.memory_space<hbm>> -> memref<20x125xi32, #tpu.memory_space<hbm>>
      %dma_start3A_44 = arith.constant 0 : i32
      %dma_start3A_45 = arith.constant 0 : i32
      %dma_start3A_46 = tpu.memref_slice %arg4[%arg1, %run_scoped3A_7, %dma_start3A_44, %dma_start3A_45] : memref<16x4x20x125xi32, #tpu.memory_space<hbm>> -> memref<1x1x20x125xi32, #tpu.memory_space<hbm>>
      %dma_start3A_47 = tpu.memref_squeeze %dma_start3A_46 : memref<1x1x20x125xi32, #tpu.memory_space<hbm>> -> memref<20x125xi32, #tpu.memory_space<hbm>>
      tpu.enqueue_dma source(%dma_start3A_47 : memref<20x125xi32, #tpu.memory_space<hbm>>) target(%arg7 : memref<20x125xi32, #tpu.memory_space<vmem>>) target_semaphore(%run_scoped3A_39 : memref<!tpu.dma_semaphore, #tpu.memory_space<semaphore_mem>>)
      %dma_wait3A = arith.constant 0 : i32
      %dma_wait3A_48 = arith.constant 0 : i32
      %dma_wait3A_49 = tpu.memref_slice %arg4[%arg1, %run_scoped3A_7, %dma_wait3A, %dma_wait3A_48] : memref<16x4x20x125xi32, #tpu.memory_space<hbm>> -> memref<1x1x20x125xi32, #tpu.memory_space<hbm>>
      %dma_wait3A_50 = tpu.memref_squeeze %dma_wait3A_49 : memref<1x1x20x125xi32, #tpu.memory_space<hbm>> -> memref<20x125xi32, #tpu.memory_space<hbm>>
      %dma_wait3A_51 = arith.constant 0 : i32
      %dma_wait3A_52 = arith.constant 0 : i32
      %dma_wait3A_53 = tpu.memref_slice %arg4[%arg1, %run_scoped3A_7, %dma_wait3A_51, %dma_wait3A_52] : memref<16x4x20x125xi32, #tpu.memory_space<hbm>> -> memref<1x1x20x125xi32, #tpu.memory_space<hbm>>
      %dma_wait3A_54 = tpu.memref_squeeze %dma_wait3A_53 : memref<1x1x20x125xi32, #tpu.memory_space<hbm>> -> memref<20x125xi32, #tpu.memory_space<hbm>>
      tpu.wait_dma2 semaphore(%run_scoped3A_39 : memref<!tpu.dma_semaphore, #tpu.memory_space<semaphore_mem>>) src(%dma_wait3A_54 : memref<20x125xi32, #tpu.memory_space<hbm>>) dst(%arg7 : memref<20x125xi32, #tpu.memory_space<vmem>>)
      tpu.yield
    }) : () -> ()
    %dma_start3A = arith.constant 1 : i32
    %dma_start3A_8 = arith.constant 0 : i32
    %dma_start3A_9 = arith.constant 0 : i32
    %dma_start3A_10 = tpu.memref_slice %arg3[%arg0, %arg1, %dma_start3A, %dma_start3A_8, %dma_start3A_9] : memref<2x16x4x20x125xi32, #tpu.memory_space<hbm>> -> memref<1x1x1x20x125xi32, #tpu.memory_space<hbm>>
    %dma_start3A_11 = tpu.memref_squeeze %dma_start3A_10 : memref<1x1x1x20x125xi32, #tpu.memory_space<hbm>> -> memref<20x125xi32, #tpu.memory_space<hbm>>
    %dma_start3A_12 = arith.constant 0 : i32
    %dma_start3A_13 = arith.constant 0 : i32
    %dma_start3A_14 = tpu.memref_slice %arg3[%arg0, %arg1, %dma_start3A, %dma_start3A_12, %dma_start3A_13] : memref<2x16x4x20x125xi32, #tpu.memory_space<hbm>> -> memref<1x1x1x20x125xi32, #tpu.memory_space<hbm>>
    %dma_start3A_15 = tpu.memref_squeeze %dma_start3A_14 : memref<1x1x1x20x125xi32, #tpu.memory_space<hbm>> -> memref<20x125xi32, #tpu.memory_space<hbm>>
    tpu.enqueue_dma source(%dma_start3A_15 : memref<20x125xi32, #tpu.memory_space<hbm>>) target(%arg8 : memref<20x125xi32, #tpu.memory_space<vmem>>) target_semaphore(%arg14 : memref<!tpu.dma_semaphore, #tpu.memory_space<semaphore_mem>>)
    %dma_start3A_16 = arith.constant 1 : i32
    %dma_start3A_17 = arith.constant 0 : i32
    %dma_start3A_18 = arith.constant 0 : i32
    %dma_start3A_19 = tpu.memref_slice %arg4[%arg1, %dma_start3A_16, %dma_start3A_17, %dma_start3A_18] : memref<16x4x20x125xi32, #tpu.memory_space<hbm>> -> memref<1x1x20x125xi32, #tpu.memory_space<hbm>>
    %dma_start3A_20 = tpu.memref_squeeze %dma_start3A_19 : memref<1x1x20x125xi32, #tpu.memory_space<hbm>> -> memref<20x125xi32, #tpu.memory_space<hbm>>
    %dma_start3A_21 = arith.constant 0 : i32
    %dma_start3A_22 = arith.constant 0 : i32
    %dma_start3A_23 = tpu.memref_slice %arg4[%arg1, %dma_start3A_16, %dma_start3A_21, %dma_start3A_22] : memref<16x4x20x125xi32, #tpu.memory_space<hbm>> -> memref<1x1x20x125xi32, #tpu.memory_space<hbm>>
    %dma_start3A_24 = tpu.memref_squeeze %dma_start3A_23 : memref<1x1x20x125xi32, #tpu.memory_space<hbm>> -> memref<20x125xi32, #tpu.memory_space<hbm>>
    tpu.enqueue_dma source(%dma_start3A_24 : memref<20x125xi32, #tpu.memory_space<hbm>>) target(%arg9 : memref<20x125xi32, #tpu.memory_space<vmem>>) target_semaphore(%arg14 : memref<!tpu.dma_semaphore, #tpu.memory_space<semaphore_mem>>)
    %scan3A = arith.constant 0 : i32
    %scan3A_25 = arith.constant 2 : i32
    %scan3A_26 = arith.addi %scan3A, %scan3A_25 : i32
    %scan3A_27 = arith.constant 1 : i32
    scf.for %scan3A_39 = %scan3A to %scan3A_26 step %scan3A_27  : i32 {
      %mul3A_40 = arith.constant 2 : i32
      %mul3A_41 = arith.muli %scan3A_39, %mul3A_40 : i32
      %add3A_42 = arith.constant 0 : i32
      %add3A_43 = arith.addi %add3A_42, %mul3A_41 : i32
      %gt3A = arith.constant 0 : i32
      %gt3A_44 = arith.cmpi sgt, %add3A_43, %gt3A : i32
      %convert_element_type3A_45 = arith.extui %gt3A_44 : i1 to i32
      %cond3A_46 = arith.constant 0 : i32
      %cond3A_47 = arith.cmpi ne, %convert_element_type3A_45, %cond3A_46 : i32
      scf.if %cond3A_47 {
        %dma_wait3A_678 = arith.constant 0 : i32
        %dma_wait3A_679 = arith.constant 0 : i32
        %dma_wait3A_680 = tpu.memref_slice %arg3[%arg0, %arg1, %add3A_43, %dma_wait3A_678, %dma_wait3A_679] : memref<2x16x4x20x125xi32, #tpu.memory_space<hbm>> -> memref<1x1x1x20x125xi32, #tpu.memory_space<hbm>>
        %dma_wait3A_681 = tpu.memref_squeeze %dma_wait3A_680 : memref<1x1x1x20x125xi32, #tpu.memory_space<hbm>> -> memref<20x125xi32, #tpu.memory_space<hbm>>
        %dma_wait3A_682 = arith.constant 0 : i32
        %dma_wait3A_683 = arith.constant 0 : i32
        %dma_wait3A_684 = tpu.memref_slice %arg3[%arg0, %arg1, %add3A_43, %dma_wait3A_682, %dma_wait3A_683] : memref<2x16x4x20x125xi32, #tpu.memory_space<hbm>> -> memref<1x1x1x20x125xi32, #tpu.memory_space<hbm>>
        %dma_wait3A_685 = tpu.memref_squeeze %dma_wait3A_684 : memref<1x1x1x20x125xi32, #tpu.memory_space<hbm>> -> memref<20x125xi32, #tpu.memory_space<hbm>>
        tpu.wait_dma2 semaphore(%arg13 : memref<!tpu.dma_semaphore, #tpu.memory_space<semaphore_mem>>) src(%dma_wait3A_685 : memref<20x125xi32, #tpu.memory_space<hbm>>) dst(%arg6 : memref<20x125xi32, #tpu.memory_space<vmem>>)
        %dma_wait3A_686 = arith.constant 0 : i32
        %dma_wait3A_687 = arith.constant 0 : i32
        %dma_wait3A_688 = tpu.memref_slice %arg4[%arg1, %add3A_43, %dma_wait3A_686, %dma_wait3A_687] : memref<16x4x20x125xi32, #tpu.memory_space<hbm>> -> memref<1x1x20x125xi32, #tpu.memory_space<hbm>>
        %dma_wait3A_689 = tpu.memref_squeeze %dma_wait3A_688 : memref<1x1x20x125xi32, #tpu.memory_space<hbm>> -> memref<20x125xi32, #tpu.memory_space<hbm>>
        %dma_wait3A_690 = arith.constant 0 : i32
        %dma_wait3A_691 = arith.constant 0 : i32
        %dma_wait3A_692 = tpu.memref_slice %arg4[%arg1, %add3A_43, %dma_wait3A_690, %dma_wait3A_691] : memref<16x4x20x125xi32, #tpu.memory_space<hbm>> -> memref<1x1x20x125xi32, #tpu.memory_space<hbm>>
        %dma_wait3A_693 = tpu.memref_squeeze %dma_wait3A_692 : memref<1x1x20x125xi32, #tpu.memory_space<hbm>> -> memref<20x125xi32, #tpu.memory_space<hbm>>
        tpu.wait_dma2 semaphore(%arg13 : memref<!tpu.dma_semaphore, #tpu.memory_space<semaphore_mem>>) src(%dma_wait3A_693 : memref<20x125xi32, #tpu.memory_space<hbm>>) dst(%arg7 : memref<20x125xi32, #tpu.memory_space<vmem>>)
      } else {
      }
      %dma_start3A_48 = arith.constant 0 : i32
      %dma_start3A_49 = arith.constant 0 : i32
      %dma_start3A_50 = tpu.memref_slice %arg6[%dma_start3A_48, %dma_start3A_49] : memref<20x125xi32, #tpu.memory_space<vmem>> -> memref<1x125xi32, #tpu.memory_space<vmem>>
      %dma_start3A_51 = tpu.memref_squeeze %dma_start3A_50 : memref<1x125xi32, #tpu.memory_space<vmem>> -> memref<125xi32, #tpu.memory_space<vmem>>
      %dma_start3A_52 = arith.constant 0 : i32
      %dma_start3A_53 = arith.constant 0 : i32
      %dma_start3A_54 = tpu.memref_slice %arg2[%dma_start3A_52, %dma_start3A_53] : memref<20000x128xf32, #tpu.memory_space<hbm>> -> memref<20000x128xf32, #tpu.memory_space<hbm>>
      tpu.enqueue_indirect_dma source(%dma_start3A_54 : memref<20000x128xf32, #tpu.memory_space<hbm>>) target(%arg10 : memref<125x128xf32, #tpu.memory_space<vmem>>) offsets(%dma_start3A_51 : memref<125xi32, #tpu.memory_space<vmem>>) semaphore(%arg15 : memref<!tpu.dma_semaphore, #tpu.memory_space<semaphore_mem>>)
      %dma_start3A_55 = arith.constant 1 : i32
      %dma_start3A_56 = arith.constant 0 : i32
      %dma_start3A_57 = tpu.memref_slice %arg6[%dma_start3A_55, %dma_start3A_56] : memref<20x125xi32, #tpu.memory_space<vmem>> -> memref<1x125xi32, #tpu.memory_space<vmem>>
      %dma_start3A_58 = tpu.memref_squeeze %dma_start3A_57 : memref<1x125xi32, #tpu.memory_space<vmem>> -> memref<125xi32, #tpu.memory_space<vmem>>
      %dma_start3A_59 = arith.constant 0 : i32
      %dma_start3A_60 = arith.constant 0 : i32
      %dma_start3A_61 = tpu.memref_slice %arg2[%dma_start3A_59, %dma_start3A_60] : memref<20000x128xf32, #tpu.memory_space<hbm>> -> memref<20000x128xf32, #tpu.memory_space<hbm>>
      tpu.enqueue_indirect_dma source(%dma_start3A_61 : memref<20000x128xf32, #tpu.memory_space<hbm>>) target(%arg11 : memref<125x128xf32, #tpu.memory_space<vmem>>) offsets(%dma_start3A_58 : memref<125xi32, #tpu.memory_space<vmem>>) semaphore(%arg16 : memref<!tpu.dma_semaphore, #tpu.memory_space<semaphore_mem>>)
      %dma_wait3A = arith.constant 0 : i32
      %dma_wait3A_62 = arith.constant 0 : i32
      %dma_wait3A_63 = tpu.memref_slice %arg6[%dma_wait3A, %dma_wait3A_62] : memref<20x125xi32, #tpu.memory_space<vmem>> -> memref<1x125xi32, #tpu.memory_space<vmem>>
      %dma_wait3A_64 = tpu.memref_squeeze %dma_wait3A_63 : memref<1x125xi32, #tpu.memory_space<vmem>> -> memref<125xi32, #tpu.memory_space<vmem>>
      %dma_wait3A_65 = arith.constant 0 : i32
      %dma_wait3A_66 = arith.constant 0 : i32
      %dma_wait3A_67 = tpu.memref_slice %arg2[%dma_wait3A_65, %dma_wait3A_66] : memref<20000x128xf32, #tpu.memory_space<hbm>> -> memref<20000x128xf32, #tpu.memory_space<hbm>>
      tpu.wait_indirect_dma semaphore(%arg15 : memref<!tpu.dma_semaphore, #tpu.memory_space<semaphore_mem>>) src(%dma_wait3A_67 : memref<20000x128xf32, #tpu.memory_space<hbm>>) dst(%arg10 : memref<125x128xf32, #tpu.memory_space<vmem>>)
      %run_scoped3A_68 = arith.constant 0 : i32
      "tpu.region"() ({
        %run_scoped3A_678 = tpu.sem_alloc : memref<!tpu.dma_semaphore, #tpu.memory_space<semaphore_mem>>
        %dma_start3A_679 = arith.constant 0 : i32
        %dma_start3A_680 = tpu.memref_slice %arg7[%run_scoped3A_68, %dma_start3A_679] : memref<20x125xi32, #tpu.memory_space<vmem>> -> memref<1x125xi32, #tpu.memory_space<vmem>>
        %dma_start3A_681 = tpu.memref_squeeze %dma_start3A_680 : memref<1x125xi32, #tpu.memory_space<vmem>> -> memref<125xi32, #tpu.memory_space<vmem>>
        %dma_start3A_682 = arith.constant 0 : i32
        %dma_start3A_683 = arith.constant 0 : i32
        %dma_start3A_684 = tpu.memref_slice %arg12[%dma_start3A_682, %dma_start3A_683] : memref<10000x128xf32, #tpu.memory_space<vmem_shared>> -> memref<10000x128xf32, #tpu.memory_space<vmem_shared>>
        tpu.enqueue_indirect_dma source(%arg10 : memref<125x128xf32, #tpu.memory_space<vmem>>) target(%dma_start3A_684 : memref<10000x128xf32, #tpu.memory_space<vmem_shared>>) offsets(%dma_start3A_681 : memref<125xi32, #tpu.memory_space<vmem>>) semaphore(%run_scoped3A_678 : memref<!tpu.dma_semaphore, #tpu.memory_space<semaphore_mem>>) {add = true}
        %dma_wait3A_685 = arith.constant 0 : i32
        %dma_wait3A_686 = tpu.memref_slice %arg7[%run_scoped3A_68, %dma_wait3A_685] : memref<20x125xi32, #tpu.memory_space<vmem>> -> memref<1x125xi32, #tpu.memory_space<vmem>>
        %dma_wait3A_687 = tpu.memref_squeeze %dma_wait3A_686 : memref<1x125xi32, #tpu.memory_space<vmem>> -> memref<125xi32, #tpu.memory_space<vmem>>
        %dma_wait3A_688 = arith.constant 0 : i32
        %dma_wait3A_689 = arith.constant 0 : i32
        %dma_wait3A_690 = tpu.memref_slice %arg12[%dma_wait3A_688, %dma_wait3A_689] : memref<10000x128xf32, #tpu.memory_space<vmem_shared>> -> memref<10000x128xf32, #tpu.memory_space<vmem_shared>>
        tpu.wait_indirect_dma semaphore(%run_scoped3A_678 : memref<!tpu.dma_semaphore, #tpu.memory_space<semaphore_mem>>) src(%arg10 : memref<125x128xf32, #tpu.memory_space<vmem>>) dst(%dma_wait3A_690 : memref<10000x128xf32, #tpu.memory_space<vmem_shared>>)
        tpu.yield
      }) : () -> ()
      %dma_start3A_69 = arith.constant 2 : i32
      %dma_start3A_70 = arith.constant 0 : i32
      %dma_start3A_71 = tpu.memref_slice %arg6[%dma_start3A_69, %dma_start3A_70] : memref<20x125xi32, #tpu.memory_space<vmem>> -> memref<1x125xi32, #tpu.memory_space<vmem>>
      %dma_start3A_72 = tpu.memref_squeeze %dma_start3A_71 : memref<1x125xi32, #tpu.memory_space<vmem>> -> memref<125xi32, #tpu.memory_space<vmem>>
      %dma_start3A_73 = arith.constant 0 : i32
      %dma_start3A_74 = arith.constant 0 : i32
      %dma_start3A_75 = tpu.memref_slice %arg2[%dma_start3A_73, %dma_start3A_74] : memref<20000x128xf32, #tpu.memory_space<hbm>> -> memref<20000x128xf32, #tpu.memory_space<hbm>>
      tpu.enqueue_indirect_dma source(%dma_start3A_75 : memref<20000x128xf32, #tpu.memory_space<hbm>>) target(%arg10 : memref<125x128xf32, #tpu.memory_space<vmem>>) offsets(%dma_start3A_72 : memref<125xi32, #tpu.memory_space<vmem>>) semaphore(%arg15 : memref<!tpu.dma_semaphore, #tpu.memory_space<semaphore_mem>>)
      %dma_wait3A_76 = arith.constant 1 : i32
      %dma_wait3A_77 = arith.constant 0 : i32
      %dma_wait3A_78 = tpu.memref_slice %arg6[%dma_wait3A_76, %dma_wait3A_77] : memref<20x125xi32, #tpu.memory_space<vmem>> -> memref<1x125xi32, #tpu.memory_space<vmem>>
      %dma_wait3A_79 = tpu.memref_squeeze %dma_wait3A_78 : memref<1x125xi32, #tpu.memory_space<vmem>> -> memref<125xi32, #tpu.memory_space<vmem>>
      %dma_wait3A_80 = arith.constant 0 : i32
      %dma_wait3A_81 = arith.constant 0 : i32
      %dma_wait3A_82 = tpu.memref_slice %arg2[%dma_wait3A_80, %dma_wait3A_81] : memref<20000x128xf32, #tpu.memory_space<hbm>> -> memref<20000x128xf32, #tpu.memory_space<hbm>>
      tpu.wait_indirect_dma semaphore(%arg16 : memref<!tpu.dma_semaphore, #tpu.memory_space<semaphore_mem>>) src(%dma_wait3A_82 : memref<20000x128xf32, #tpu.memory_space<hbm>>) dst(%arg11 : memref<125x128xf32, #tpu.memory_space<vmem>>)
      %run_scoped3A_83 = arith.constant 1 : i32
      "tpu.region"() ({
        %run_scoped3A_678 = tpu.sem_alloc : memref<!tpu.dma_semaphore, #tpu.memory_space<semaphore_mem>>
        %dma_start3A_679 = arith.constant 0 : i32
        %dma_start3A_680 = tpu.memref_slice %arg7[%run_scoped3A_83, %dma_start3A_679] : memref<20x125xi32, #tpu.memory_space<vmem>> -> memref<1x125xi32, #tpu.memory_space<vmem>>
        %dma_start3A_681 = tpu.memref_squeeze %dma_start3A_680 : memref<1x125xi32, #tpu.memory_space<vmem>> -> memref<125xi32, #tpu.memory_space<vmem>>
        %dma_start3A_682 = arith.constant 0 : i32
        %dma_start3A_683 = arith.constant 0 : i32
        %dma_start3A_684 = tpu.memref_slice %arg12[%dma_start3A_682, %dma_start3A_683] : memref<10000x128xf32, #tpu.memory_space<vmem_shared>> -> memref<10000x128xf32, #tpu.memory_space<vmem_shared>>
        tpu.enqueue_indirect_dma source(%arg11 : memref<125x128xf32, #tpu.memory_space<vmem>>) target(%dma_start3A_684 : memref<10000x128xf32, #tpu.memory_space<vmem_shared>>) offsets(%dma_start3A_681 : memref<125xi32, #tpu.memory_space<vmem>>) semaphore(%run_scoped3A_678 : memref<!tpu.dma_semaphore, #tpu.memory_space<semaphore_mem>>) {add = true}
        %dma_wait3A_685 = arith.constant 0 : i32
        %dma_wait3A_686 = tpu.memref_slice %arg7[%run_scoped3A_83, %dma_wait3A_685] : memref<20x125xi32, #tpu.memory_space<vmem>> -> memref<1x125xi32, #tpu.memory_space<vmem>>
        %dma_wait3A_687 = tpu.memref_squeeze %dma_wait3A_686 : memref<1x125xi32, #tpu.memory_space<vmem>> -> memref<125xi32, #tpu.memory_space<vmem>>
        %dma_wait3A_688 = arith.constant 0 : i32
        %dma_wait3A_689 = arith.constant 0 : i32
        %dma_wait3A_690 = tpu.memref_slice %arg12[%dma_wait3A_688, %dma_wait3A_689] : memref<10000x128xf32, #tpu.memory_space<vmem_shared>> -> memref<10000x128xf32, #tpu.memory_space<vmem_shared>>
        tpu.wait_indirect_dma semaphore(%run_scoped3A_678 : memref<!tpu.dma_semaphore, #tpu.memory_space<semaphore_mem>>) src(%arg11 : memref<125x128xf32, #tpu.memory_space<vmem>>) dst(%dma_wait3A_690 : memref<10000x128xf32, #tpu.memory_space<vmem_shared>>)
        tpu.yield
      }) : () -> ()
      %dma_start3A_84 = arith.constant 3 : i32
      %dma_start3A_85 = arith.constant 0 : i32
      %dma_start3A_86 = tpu.memref_slice %arg6[%dma_start3A_84, %dma_start3A_85] : memref<20x125xi32, #tpu.memory_space<vmem>> -> memref<1x125xi32, #tpu.memory_space<vmem>>
      %dma_start3A_87 = tpu.memref_squeeze %dma_start3A_86 : memref<1x125xi32, #tpu.memory_space<vmem>> -> memref<125xi32, #tpu.memory_space<vmem>>
      %dma_start3A_88 = arith.constant 0 : i32
      %dma_start3A_89 = arith.constant 0 : i32
      %dma_start3A_90 = tpu.memref_slice %arg2[%dma_start3A_88, %dma_start3A_89] : memref<20000x128xf32, #tpu.memory_space<hbm>> -> memref<20000x128xf32, #tpu.memory_space<hbm>>
      tpu.enqueue_indirect_dma source(%dma_start3A_90 : memref<20000x128xf32, #tpu.memory_space<hbm>>) target(%arg11 : memref<125x128xf32, #tpu.memory_space<vmem>>) offsets(%dma_start3A_87 : memref<125xi32, #tpu.memory_space<vmem>>) semaphore(%arg16 : memref<!tpu.dma_semaphore, #tpu.memory_space<semaphore_mem>>)
      %dma_wait3A_91 = arith.constant 2 : i32
      %dma_wait3A_92 = arith.constant 0 : i32
      %dma_wait3A_93 = tpu.memref_slice %arg6[%dma_wait3A_91, %dma_wait3A_92] : memref<20x125xi32, #tpu.memory_space<vmem>> -> memref<1x125xi32, #tpu.memory_space<vmem>>
      %dma_wait3A_94 = tpu.memref_squeeze %dma_wait3A_93 : memref<1x125xi32, #tpu.memory_space<vmem>> -> memref<125xi32, #tpu.memory_space<vmem>>
      %dma_wait3A_95 = arith.constant 0 : i32
      %dma_wait3A_96 = arith.constant 0 : i32
      %dma_wait3A_97 = tpu.memref_slice %arg2[%dma_wait3A_95, %dma_wait3A_96] : memref<20000x128xf32, #tpu.memory_space<hbm>> -> memref<20000x128xf32, #tpu.memory_space<hbm>>
      tpu.wait_indirect_dma semaphore(%arg15 : memref<!tpu.dma_semaphore, #tpu.memory_space<semaphore_mem>>) src(%dma_wait3A_97 : memref<20000x128xf32, #tpu.memory_space<hbm>>) dst(%arg10 : memref<125x128xf32, #tpu.memory_space<vmem>>)
      %run_scoped3A_98 = arith.constant 2 : i32
      "tpu.region"() ({
        %run_scoped3A_678 = tpu.sem_alloc : memref<!tpu.dma_semaphore, #tpu.memory_space<semaphore_mem>>
        %dma_start3A_679 = arith.constant 0 : i32
        %dma_start3A_680 = tpu.memref_slice %arg7[%run_scoped3A_98, %dma_start3A_679] : memref<20x125xi32, #tpu.memory_space<vmem>> -> memref<1x125xi32, #tpu.memory_space<vmem>>
        %dma_start3A_681 = tpu.memref_squeeze %dma_start3A_680 : memref<1x125xi32, #tpu.memory_space<vmem>> -> memref<125xi32, #tpu.memory_space<vmem>>
        %dma_start3A_682 = arith.constant 0 : i32
        %dma_start3A_683 = arith.constant 0 : i32
        %dma_start3A_684 = tpu.memref_slice %arg12[%dma_start3A_682, %dma_start3A_683] : memref<10000x128xf32, #tpu.memory_space<vmem_shared>> -> memref<10000x128xf32, #tpu.memory_space<vmem_shared>>
        tpu.enqueue_indirect_dma source(%arg10 : memref<125x128xf32, #tpu.memory_space<vmem>>) target(%dma_start3A_684 : memref<10000x128xf32, #tpu.memory_space<vmem_shared>>) offsets(%dma_start3A_681 : memref<125xi32, #tpu.memory_space<vmem>>) semaphore(%run_scoped3A_678 : memref<!tpu.dma_semaphore, #tpu.memory_space<semaphore_mem>>) {add = true}
        %dma_wait3A_685 = arith.constant 0 : i32
        %dma_wait3A_686 = tpu.memref_slice %arg7[%run_scoped3A_98, %dma_wait3A_685] : memref<20x125xi32, #tpu.memory_space<vmem>> -> memref<1x125xi32, #tpu.memory_space<vmem>>
        %dma_wait3A_687 = tpu.memref_squeeze %dma_wait3A_686 : memref<1x125xi32, #tpu.memory_space<vmem>> -> memref<125xi32, #tpu.memory_space<vmem>>
        %dma_wait3A_688 = arith.constant 0 : i32
        %dma_wait3A_689 = arith.constant 0 : i32
        %dma_wait3A_690 = tpu.memref_slice %arg12[%dma_wait3A_688, %dma_wait3A_689] : memref<10000x128xf32, #tpu.memory_space<vmem_shared>> -> memref<10000x128xf32, #tpu.memory_space<vmem_shared>>
        tpu.wait_indirect_dma semaphore(%run_scoped3A_678 : memref<!tpu.dma_semaphore, #tpu.memory_space<semaphore_mem>>) src(%arg10 : memref<125x128xf32, #tpu.memory_space<vmem>>) dst(%dma_wait3A_690 : memref<10000x128xf32, #tpu.memory_space<vmem_shared>>)
        tpu.yield
      }) : () -> ()
      %dma_start3A_99 = arith.constant 4 : i32
      %dma_start3A_100 = arith.constant 0 : i32
      %dma_start3A_101 = tpu.memref_slice %arg6[%dma_start3A_99, %dma_start3A_100] : memref<20x125xi32, #tpu.memory_space<vmem>> -> memref<1x125xi32, #tpu.memory_space<vmem>>
      %dma_start3A_102 = tpu.memref_squeeze %dma_start3A_101 : memref<1x125xi32, #tpu.memory_space<vmem>> -> memref<125xi32, #tpu.memory_space<vmem>>
      %dma_start3A_103 = arith.constant 0 : i32
      %dma_start3A_104 = arith.constant 0 : i32
      %dma_start3A_105 = tpu.memref_slice %arg2[%dma_start3A_103, %dma_start3A_104] : memref<20000x128xf32, #tpu.memory_space<hbm>> -> memref<20000x128xf32, #tpu.memory_space<hbm>>
      tpu.enqueue_indirect_dma source(%dma_start3A_105 : memref<20000x128xf32, #tpu.memory_space<hbm>>) target(%arg10 : memref<125x128xf32, #tpu.memory_space<vmem>>) offsets(%dma_start3A_102 : memref<125xi32, #tpu.memory_space<vmem>>) semaphore(%arg15 : memref<!tpu.dma_semaphore, #tpu.memory_space<semaphore_mem>>)
      %dma_wait3A_106 = arith.constant 3 : i32
      %dma_wait3A_107 = arith.constant 0 : i32
      %dma_wait3A_108 = tpu.memref_slice %arg6[%dma_wait3A_106, %dma_wait3A_107] : memref<20x125xi32, #tpu.memory_space<vmem>> -> memref<1x125xi32, #tpu.memory_space<vmem>>
      %dma_wait3A_109 = tpu.memref_squeeze %dma_wait3A_108 : memref<1x125xi32, #tpu.memory_space<vmem>> -> memref<125xi32, #tpu.memory_space<vmem>>
      %dma_wait3A_110 = arith.constant 0 : i32
      %dma_wait3A_111 = arith.constant 0 : i32
      %dma_wait3A_112 = tpu.memref_slice %arg2[%dma_wait3A_110, %dma_wait3A_111] : memref<20000x128xf32, #tpu.memory_space<hbm>> -> memref<20000x128xf32, #tpu.memory_space<hbm>>
      tpu.wait_indirect_dma semaphore(%arg16 : memref<!tpu.dma_semaphore, #tpu.memory_space<semaphore_mem>>) src(%dma_wait3A_112 : memref<20000x128xf32, #tpu.memory_space<hbm>>) dst(%arg11 : memref<125x128xf32, #tpu.memory_space<vmem>>)
      %run_scoped3A_113 = arith.constant 3 : i32
      "tpu.region"() ({
        %run_scoped3A_678 = tpu.sem_alloc : memref<!tpu.dma_semaphore, #tpu.memory_space<semaphore_mem>>
        %dma_start3A_679 = arith.constant 0 : i32
        %dma_start3A_680 = tpu.memref_slice %arg7[%run_scoped3A_113, %dma_start3A_679] : memref<20x125xi32, #tpu.memory_space<vmem>> -> memref<1x125xi32, #tpu.memory_space<vmem>>
        %dma_start3A_681 = tpu.memref_squeeze %dma_start3A_680 : memref<1x125xi32, #tpu.memory_space<vmem>> -> memref<125xi32, #tpu.memory_space<vmem>>
        %dma_start3A_682 = arith.constant 0 : i32
        %dma_start3A_683 = arith.constant 0 : i32
        %dma_start3A_684 = tpu.memref_slice %arg12[%dma_start3A_682, %dma_start3A_683] : memref<10000x128xf32, #tpu.memory_space<vmem_shared>> -> memref<10000x128xf32, #tpu.memory_space<vmem_shared>>
        tpu.enqueue_indirect_dma source(%arg11 : memref<125x128xf32, #tpu.memory_space<vmem>>) target(%dma_start3A_684 : memref<10000x128xf32, #tpu.memory_space<vmem_shared>>) offsets(%dma_start3A_681 : memref<125xi32, #tpu.memory_space<vmem>>) semaphore(%run_scoped3A_678 : memref<!tpu.dma_semaphore, #tpu.memory_space<semaphore_mem>>) {add = true}
        %dma_wait3A_685 = arith.constant 0 : i32
        %dma_wait3A_686 = tpu.memref_slice %arg7[%run_scoped3A_113, %dma_wait3A_685] : memref<20x125xi32, #tpu.memory_space<vmem>> -> memref<1x125xi32, #tpu.memory_space<vmem>>
        %dma_wait3A_687 = tpu.memref_squeeze %dma_wait3A_686 : memref<1x125xi32, #tpu.memory_space<vmem>> -> memref<125xi32, #tpu.memory_space<vmem>>
        %dma_wait3A_688 = arith.constant 0 : i32
        %dma_wait3A_689 = arith.constant 0 : i32
        %dma_wait3A_690 = tpu.memref_slice %arg12[%dma_wait3A_688, %dma_wait3A_689] : memref<10000x128xf32, #tpu.memory_space<vmem_shared>> -> memref<10000x128xf32, #tpu.memory_space<vmem_shared>>
        tpu.wait_indirect_dma semaphore(%run_scoped3A_678 : memref<!tpu.dma_semaphore, #tpu.memory_space<semaphore_mem>>) src(%arg11 : memref<125x128xf32, #tpu.memory_space<vmem>>) dst(%dma_wait3A_690 : memref<10000x128xf32, #tpu.memory_space<vmem_shared>>)
        tpu.yield
      }) : () -> ()
      %dma_start3A_114 = arith.constant 5 : i32
      %dma_start3A_115 = arith.constant 0 : i32
      %dma_start3A_116 = tpu.memref_slice %arg6[%dma_start3A_114, %dma_start3A_115] : memref<20x125xi32, #tpu.memory_space<vmem>> -> memref<1x125xi32, #tpu.memory_space<vmem>>
      %dma_start3A_117 = tpu.memref_squeeze %dma_start3A_116 : memref<1x125xi32, #tpu.memory_space<vmem>> -> memref<125xi32, #tpu.memory_space<vmem>>
      %dma_start3A_118 = arith.constant 0 : i32
      %dma_start3A_119 = arith.constant 0 : i32
      %dma_start3A_120 = tpu.memref_slice %arg2[%dma_start3A_118, %dma_start3A_119] : memref<20000x128xf32, #tpu.memory_space<hbm>> -> memref<20000x128xf32, #tpu.memory_space<hbm>>
      tpu.enqueue_indirect_dma source(%dma_start3A_120 : memref<20000x128xf32, #tpu.memory_space<hbm>>) target(%arg11 : memref<125x128xf32, #tpu.memory_space<vmem>>) offsets(%dma_start3A_117 : memref<125xi32, #tpu.memory_space<vmem>>) semaphore(%arg16 : memref<!tpu.dma_semaphore, #tpu.memory_space<semaphore_mem>>)
      %dma_wait3A_121 = arith.constant 4 : i32
      %dma_wait3A_122 = arith.constant 0 : i32
      %dma_wait3A_123 = tpu.memref_slice %arg6[%dma_wait3A_121, %dma_wait3A_122] : memref<20x125xi32, #tpu.memory_space<vmem>> -> memref<1x125xi32, #tpu.memory_space<vmem>>
      %dma_wait3A_124 = tpu.memref_squeeze %dma_wait3A_123 : memref<1x125xi32, #tpu.memory_space<vmem>> -> memref<125xi32, #tpu.memory_space<vmem>>
      %dma_wait3A_125 = arith.constant 0 : i32
      %dma_wait3A_126 = arith.constant 0 : i32
      %dma_wait3A_127 = tpu.memref_slice %arg2[%dma_wait3A_125, %dma_wait3A_126] : memref<20000x128xf32, #tpu.memory_space<hbm>> -> memref<20000x128xf32, #tpu.memory_space<hbm>>
      tpu.wait_indirect_dma semaphore(%arg15 : memref<!tpu.dma_semaphore, #tpu.memory_space<semaphore_mem>>) src(%dma_wait3A_127 : memref<20000x128xf32, #tpu.memory_space<hbm>>) dst(%arg10 : memref<125x128xf32, #tpu.memory_space<vmem>>)
      %run_scoped3A_128 = arith.constant 4 : i32
      "tpu.region"() ({
        %run_scoped3A_678 = tpu.sem_alloc : memref<!tpu.dma_semaphore, #tpu.memory_space<semaphore_mem>>
        %dma_start3A_679 = arith.constant 0 : i32
        %dma_start3A_680 = tpu.memref_slice %arg7[%run_scoped3A_128, %dma_start3A_679] : memref<20x125xi32, #tpu.memory_space<vmem>> -> memref<1x125xi32, #tpu.memory_space<vmem>>
        %dma_start3A_681 = tpu.memref_squeeze %dma_start3A_680 : memref<1x125xi32, #tpu.memory_space<vmem>> -> memref<125xi32, #tpu.memory_space<vmem>>
        %dma_start3A_682 = arith.constant 0 : i32
        %dma_start3A_683 = arith.constant 0 : i32
        %dma_start3A_684 = tpu.memref_slice %arg12[%dma_start3A_682, %dma_start3A_683] : memref<10000x128xf32, #tpu.memory_space<vmem_shared>> -> memref<10000x128xf32, #tpu.memory_space<vmem_shared>>
        tpu.enqueue_indirect_dma source(%arg10 : memref<125x128xf32, #tpu.memory_space<vmem>>) target(%dma_start3A_684 : memref<10000x128xf32, #tpu.memory_space<vmem_shared>>) offsets(%dma_start3A_681 : memref<125xi32, #tpu.memory_space<vmem>>) semaphore(%run_scoped3A_678 : memref<!tpu.dma_semaphore, #tpu.memory_space<semaphore_mem>>) {add = true}
        %dma_wait3A_685 = arith.constant 0 : i32
        %dma_wait3A_686 = tpu.memref_slice %arg7[%run_scoped3A_128, %dma_wait3A_685] : memref<20x125xi32, #tpu.memory_space<vmem>> -> memref<1x125xi32, #tpu.memory_space<vmem>>
        %dma_wait3A_687 = tpu.memref_squeeze %dma_wait3A_686 : memref<1x125xi32, #tpu.memory_space<vmem>> -> memref<125xi32, #tpu.memory_space<vmem>>
        %dma_wait3A_688 = arith.constant 0 : i32
        %dma_wait3A_689 = arith.constant 0 : i32
        %dma_wait3A_690 = tpu.memref_slice %arg12[%dma_wait3A_688, %dma_wait3A_689] : memref<10000x128xf32, #tpu.memory_space<vmem_shared>> -> memref<10000x128xf32, #tpu.memory_space<vmem_shared>>
        tpu.wait_indirect_dma semaphore(%run_scoped3A_678 : memref<!tpu.dma_semaphore, #tpu.memory_space<semaphore_mem>>) src(%arg10 : memref<125x128xf32, #tpu.memory_space<vmem>>) dst(%dma_wait3A_690 : memref<10000x128xf32, #tpu.memory_space<vmem_shared>>)
        tpu.yield
      }) : () -> ()
      %dma_start3A_129 = arith.constant 6 : i32
      %dma_start3A_130 = arith.constant 0 : i32
      %dma_start3A_131 = tpu.memref_slice %arg6[%dma_start3A_129, %dma_start3A_130] : memref<20x125xi32, #tpu.memory_space<vmem>> -> memref<1x125xi32, #tpu.memory_space<vmem>>
      %dma_start3A_132 = tpu.memref_squeeze %dma_start3A_131 : memref<1x125xi32, #tpu.memory_space<vmem>> -> memref<125xi32, #tpu.memory_space<vmem>>
      %dma_start3A_133 = arith.constant 0 : i32
      %dma_start3A_134 = arith.constant 0 : i32
      %dma_start3A_135 = tpu.memref_slice %arg2[%dma_start3A_133, %dma_start3A_134] : memref<20000x128xf32, #tpu.memory_space<hbm>> -> memref<20000x128xf32, #tpu.memory_space<hbm>>
      tpu.enqueue_indirect_dma source(%dma_start3A_135 : memref<20000x128xf32, #tpu.memory_space<hbm>>) target(%arg10 : memref<125x128xf32, #tpu.memory_space<vmem>>) offsets(%dma_start3A_132 : memref<125xi32, #tpu.memory_space<vmem>>) semaphore(%arg15 : memref<!tpu.dma_semaphore, #tpu.memory_space<semaphore_mem>>)
      %dma_wait3A_136 = arith.constant 5 : i32
      %dma_wait3A_137 = arith.constant 0 : i32
      %dma_wait3A_138 = tpu.memref_slice %arg6[%dma_wait3A_136, %dma_wait3A_137] : memref<20x125xi32, #tpu.memory_space<vmem>> -> memref<1x125xi32, #tpu.memory_space<vmem>>
      %dma_wait3A_139 = tpu.memref_squeeze %dma_wait3A_138 : memref<1x125xi32, #tpu.memory_space<vmem>> -> memref<125xi32, #tpu.memory_space<vmem>>
      %dma_wait3A_140 = arith.constant 0 : i32
      %dma_wait3A_141 = arith.constant 0 : i32
      %dma_wait3A_142 = tpu.memref_slice %arg2[%dma_wait3A_140, %dma_wait3A_141] : memref<20000x128xf32, #tpu.memory_space<hbm>> -> memref<20000x128xf32, #tpu.memory_space<hbm>>
      tpu.wait_indirect_dma semaphore(%arg16 : memref<!tpu.dma_semaphore, #tpu.memory_space<semaphore_mem>>) src(%dma_wait3A_142 : memref<20000x128xf32, #tpu.memory_space<hbm>>) dst(%arg11 : memref<125x128xf32, #tpu.memory_space<vmem>>)
      %run_scoped3A_143 = arith.constant 5 : i32
      "tpu.region"() ({
        %run_scoped3A_678 = tpu.sem_alloc : memref<!tpu.dma_semaphore, #tpu.memory_space<semaphore_mem>>
        %dma_start3A_679 = arith.constant 0 : i32
        %dma_start3A_680 = tpu.memref_slice %arg7[%run_scoped3A_143, %dma_start3A_679] : memref<20x125xi32, #tpu.memory_space<vmem>> -> memref<1x125xi32, #tpu.memory_space<vmem>>
        %dma_start3A_681 = tpu.memref_squeeze %dma_start3A_680 : memref<1x125xi32, #tpu.memory_space<vmem>> -> memref<125xi32, #tpu.memory_space<vmem>>
        %dma_start3A_682 = arith.constant 0 : i32
        %dma_start3A_683 = arith.constant 0 : i32
        %dma_start3A_684 = tpu.memref_slice %arg12[%dma_start3A_682, %dma_start3A_683] : memref<10000x128xf32, #tpu.memory_space<vmem_shared>> -> memref<10000x128xf32, #tpu.memory_space<vmem_shared>>
        tpu.enqueue_indirect_dma source(%arg11 : memref<125x128xf32, #tpu.memory_space<vmem>>) target(%dma_start3A_684 : memref<10000x128xf32, #tpu.memory_space<vmem_shared>>) offsets(%dma_start3A_681 : memref<125xi32, #tpu.memory_space<vmem>>) semaphore(%run_scoped3A_678 : memref<!tpu.dma_semaphore, #tpu.memory_space<semaphore_mem>>) {add = true}
        %dma_wait3A_685 = arith.constant 0 : i32
        %dma_wait3A_686 = tpu.memref_slice %arg7[%run_scoped3A_143, %dma_wait3A_685] : memref<20x125xi32, #tpu.memory_space<vmem>> -> memref<1x125xi32, #tpu.memory_space<vmem>>
        %dma_wait3A_687 = tpu.memref_squeeze %dma_wait3A_686 : memref<1x125xi32, #tpu.memory_space<vmem>> -> memref<125xi32, #tpu.memory_space<vmem>>
        %dma_wait3A_688 = arith.constant 0 : i32
        %dma_wait3A_689 = arith.constant 0 : i32
        %dma_wait3A_690 = tpu.memref_slice %arg12[%dma_wait3A_688, %dma_wait3A_689] : memref<10000x128xf32, #tpu.memory_space<vmem_shared>> -> memref<10000x128xf32, #tpu.memory_space<vmem_shared>>
        tpu.wait_indirect_dma semaphore(%run_scoped3A_678 : memref<!tpu.dma_semaphore, #tpu.memory_space<semaphore_mem>>) src(%arg11 : memref<125x128xf32, #tpu.memory_space<vmem>>) dst(%dma_wait3A_690 : memref<10000x128xf32, #tpu.memory_space<vmem_shared>>)
        tpu.yield
      }) : () -> ()
      %dma_start3A_144 = arith.constant 7 : i32
      %dma_start3A_145 = arith.constant 0 : i32
      %dma_start3A_146 = tpu.memref_slice %arg6[%dma_start3A_144, %dma_start3A_145] : memref<20x125xi32, #tpu.memory_space<vmem>> -> memref<1x125xi32, #tpu.memory_space<vmem>>
      %dma_start3A_147 = tpu.memref_squeeze %dma_start3A_146 : memref<1x125xi32, #tpu.memory_space<vmem>> -> memref<125xi32, #tpu.memory_space<vmem>>
      %dma_start3A_148 = arith.constant 0 : i32
      %dma_start3A_149 = arith.constant 0 : i32
      %dma_start3A_150 = tpu.memref_slice %arg2[%dma_start3A_148, %dma_start3A_149] : memref<20000x128xf32, #tpu.memory_space<hbm>> -> memref<20000x128xf32, #tpu.memory_space<hbm>>
      tpu.enqueue_indirect_dma source(%dma_start3A_150 : memref<20000x128xf32, #tpu.memory_space<hbm>>) target(%arg11 : memref<125x128xf32, #tpu.memory_space<vmem>>) offsets(%dma_start3A_147 : memref<125xi32, #tpu.memory_space<vmem>>) semaphore(%arg16 : memref<!tpu.dma_semaphore, #tpu.memory_space<semaphore_mem>>)
      %dma_wait3A_151 = arith.constant 6 : i32
      %dma_wait3A_152 = arith.constant 0 : i32
      %dma_wait3A_153 = tpu.memref_slice %arg6[%dma_wait3A_151, %dma_wait3A_152] : memref<20x125xi32, #tpu.memory_space<vmem>> -> memref<1x125xi32, #tpu.memory_space<vmem>>
      %dma_wait3A_154 = tpu.memref_squeeze %dma_wait3A_153 : memref<1x125xi32, #tpu.memory_space<vmem>> -> memref<125xi32, #tpu.memory_space<vmem>>
      %dma_wait3A_155 = arith.constant 0 : i32
      %dma_wait3A_156 = arith.constant 0 : i32
      %dma_wait3A_157 = tpu.memref_slice %arg2[%dma_wait3A_155, %dma_wait3A_156] : memref<20000x128xf32, #tpu.memory_space<hbm>> -> memref<20000x128xf32, #tpu.memory_space<hbm>>
      tpu.wait_indirect_dma semaphore(%arg15 : memref<!tpu.dma_semaphore, #tpu.memory_space<semaphore_mem>>) src(%dma_wait3A_157 : memref<20000x128xf32, #tpu.memory_space<hbm>>) dst(%arg10 : memref<125x128xf32, #tpu.memory_space<vmem>>)
      %run_scoped3A_158 = arith.constant 6 : i32
      "tpu.region"() ({
        %run_scoped3A_678 = tpu.sem_alloc : memref<!tpu.dma_semaphore, #tpu.memory_space<semaphore_mem>>
        %dma_start3A_679 = arith.constant 0 : i32
        %dma_start3A_680 = tpu.memref_slice %arg7[%run_scoped3A_158, %dma_start3A_679] : memref<20x125xi32, #tpu.memory_space<vmem>> -> memref<1x125xi32, #tpu.memory_space<vmem>>
        %dma_start3A_681 = tpu.memref_squeeze %dma_start3A_680 : memref<1x125xi32, #tpu.memory_space<vmem>> -> memref<125xi32, #tpu.memory_space<vmem>>
        %dma_start3A_682 = arith.constant 0 : i32
        %dma_start3A_683 = arith.constant 0 : i32
        %dma_start3A_684 = tpu.memref_slice %arg12[%dma_start3A_682, %dma_start3A_683] : memref<10000x128xf32, #tpu.memory_space<vmem_shared>> -> memref<10000x128xf32, #tpu.memory_space<vmem_shared>>
        tpu.enqueue_indirect_dma source(%arg10 : memref<125x128xf32, #tpu.memory_space<vmem>>) target(%dma_start3A_684 : memref<10000x128xf32, #tpu.memory_space<vmem_shared>>) offsets(%dma_start3A_681 : memref<125xi32, #tpu.memory_space<vmem>>) semaphore(%run_scoped3A_678 : memref<!tpu.dma_semaphore, #tpu.memory_space<semaphore_mem>>) {add = true}
        %dma_wait3A_685 = arith.constant 0 : i32
        %dma_wait3A_686 = tpu.memref_slice %arg7[%run_scoped3A_158, %dma_wait3A_685] : memref<20x125xi32, #tpu.memory_space<vmem>> -> memref<1x125xi32, #tpu.memory_space<vmem>>
        %dma_wait3A_687 = tpu.memref_squeeze %dma_wait3A_686 : memref<1x125xi32, #tpu.memory_space<vmem>> -> memref<125xi32, #tpu.memory_space<vmem>>
        %dma_wait3A_688 = arith.constant 0 : i32
        %dma_wait3A_689 = arith.constant 0 : i32
        %dma_wait3A_690 = tpu.memref_slice %arg12[%dma_wait3A_688, %dma_wait3A_689] : memref<10000x128xf32, #tpu.memory_space<vmem_shared>> -> memref<10000x128xf32, #tpu.memory_space<vmem_shared>>
        tpu.wait_indirect_dma semaphore(%run_scoped3A_678 : memref<!tpu.dma_semaphore, #tpu.memory_space<semaphore_mem>>) src(%arg10 : memref<125x128xf32, #tpu.memory_space<vmem>>) dst(%dma_wait3A_690 : memref<10000x128xf32, #tpu.memory_space<vmem_shared>>)
        tpu.yield
      }) : () -> ()
      %dma_start3A_159 = arith.constant 8 : i32
      %dma_start3A_160 = arith.constant 0 : i32
      %dma_start3A_161 = tpu.memref_slice %arg6[%dma_start3A_159, %dma_start3A_160] : memref<20x125xi32, #tpu.memory_space<vmem>> -> memref<1x125xi32, #tpu.memory_space<vmem>>
      %dma_start3A_162 = tpu.memref_squeeze %dma_start3A_161 : memref<1x125xi32, #tpu.memory_space<vmem>> -> memref<125xi32, #tpu.memory_space<vmem>>
      %dma_start3A_163 = arith.constant 0 : i32
      %dma_start3A_164 = arith.constant 0 : i32
      %dma_start3A_165 = tpu.memref_slice %arg2[%dma_start3A_163, %dma_start3A_164] : memref<20000x128xf32, #tpu.memory_space<hbm>> -> memref<20000x128xf32, #tpu.memory_space<hbm>>
      tpu.enqueue_indirect_dma source(%dma_start3A_165 : memref<20000x128xf32, #tpu.memory_space<hbm>>) target(%arg10 : memref<125x128xf32, #tpu.memory_space<vmem>>) offsets(%dma_start3A_162 : memref<125xi32, #tpu.memory_space<vmem>>) semaphore(%arg15 : memref<!tpu.dma_semaphore, #tpu.memory_space<semaphore_mem>>)
      %dma_wait3A_166 = arith.constant 7 : i32
      %dma_wait3A_167 = arith.constant 0 : i32
      %dma_wait3A_168 = tpu.memref_slice %arg6[%dma_wait3A_166, %dma_wait3A_167] : memref<20x125xi32, #tpu.memory_space<vmem>> -> memref<1x125xi32, #tpu.memory_space<vmem>>
      %dma_wait3A_169 = tpu.memref_squeeze %dma_wait3A_168 : memref<1x125xi32, #tpu.memory_space<vmem>> -> memref<125xi32, #tpu.memory_space<vmem>>
      %dma_wait3A_170 = arith.constant 0 : i32
      %dma_wait3A_171 = arith.constant 0 : i32
      %dma_wait3A_172 = tpu.memref_slice %arg2[%dma_wait3A_170, %dma_wait3A_171] : memref<20000x128xf32, #tpu.memory_space<hbm>> -> memref<20000x128xf32, #tpu.memory_space<hbm>>
      tpu.wait_indirect_dma semaphore(%arg16 : memref<!tpu.dma_semaphore, #tpu.memory_space<semaphore_mem>>) src(%dma_wait3A_172 : memref<20000x128xf32, #tpu.memory_space<hbm>>) dst(%arg11 : memref<125x128xf32, #tpu.memory_space<vmem>>)
      %run_scoped3A_173 = arith.constant 7 : i32
      "tpu.region"() ({
        %run_scoped3A_678 = tpu.sem_alloc : memref<!tpu.dma_semaphore, #tpu.memory_space<semaphore_mem>>
        %dma_start3A_679 = arith.constant 0 : i32
        %dma_start3A_680 = tpu.memref_slice %arg7[%run_scoped3A_173, %dma_start3A_679] : memref<20x125xi32, #tpu.memory_space<vmem>> -> memref<1x125xi32, #tpu.memory_space<vmem>>
        %dma_start3A_681 = tpu.memref_squeeze %dma_start3A_680 : memref<1x125xi32, #tpu.memory_space<vmem>> -> memref<125xi32, #tpu.memory_space<vmem>>
        %dma_start3A_682 = arith.constant 0 : i32
        %dma_start3A_683 = arith.constant 0 : i32
        %dma_start3A_684 = tpu.memref_slice %arg12[%dma_start3A_682, %dma_start3A_683] : memref<10000x128xf32, #tpu.memory_space<vmem_shared>> -> memref<10000x128xf32, #tpu.memory_space<vmem_shared>>
        tpu.enqueue_indirect_dma source(%arg11 : memref<125x128xf32, #tpu.memory_space<vmem>>) target(%dma_start3A_684 : memref<10000x128xf32, #tpu.memory_space<vmem_shared>>) offsets(%dma_start3A_681 : memref<125xi32, #tpu.memory_space<vmem>>) semaphore(%run_scoped3A_678 : memref<!tpu.dma_semaphore, #tpu.memory_space<semaphore_mem>>) {add = true}
        %dma_wait3A_685 = arith.constant 0 : i32
        %dma_wait3A_686 = tpu.memref_slice %arg7[%run_scoped3A_173, %dma_wait3A_685] : memref<20x125xi32, #tpu.memory_space<vmem>> -> memref<1x125xi32, #tpu.memory_space<vmem>>
        %dma_wait3A_687 = tpu.memref_squeeze %dma_wait3A_686 : memref<1x125xi32, #tpu.memory_space<vmem>> -> memref<125xi32, #tpu.memory_space<vmem>>
        %dma_wait3A_688 = arith.constant 0 : i32
        %dma_wait3A_689 = arith.constant 0 : i32
        %dma_wait3A_690 = tpu.memref_slice %arg12[%dma_wait3A_688, %dma_wait3A_689] : memref<10000x128xf32, #tpu.memory_space<vmem_shared>> -> memref<10000x128xf32, #tpu.memory_space<vmem_shared>>
        tpu.wait_indirect_dma semaphore(%run_scoped3A_678 : memref<!tpu.dma_semaphore, #tpu.memory_space<semaphore_mem>>) src(%arg11 : memref<125x128xf32, #tpu.memory_space<vmem>>) dst(%dma_wait3A_690 : memref<10000x128xf32, #tpu.memory_space<vmem_shared>>)
        tpu.yield
      }) : () -> ()
      %dma_start3A_174 = arith.constant 9 : i32
      %dma_start3A_175 = arith.constant 0 : i32
      %dma_start3A_176 = tpu.memref_slice %arg6[%dma_start3A_174, %dma_start3A_175] : memref<20x125xi32, #tpu.memory_space<vmem>> -> memref<1x125xi32, #tpu.memory_space<vmem>>
      %dma_start3A_177 = tpu.memref_squeeze %dma_start3A_176 : memref<1x125xi32, #tpu.memory_space<vmem>> -> memref<125xi32, #tpu.memory_space<vmem>>
      %dma_start3A_178 = arith.constant 0 : i32
      %dma_start3A_179 = arith.constant 0 : i32
      %dma_start3A_180 = tpu.memref_slice %arg2[%dma_start3A_178, %dma_start3A_179] : memref<20000x128xf32, #tpu.memory_space<hbm>> -> memref<20000x128xf32, #tpu.memory_space<hbm>>
      tpu.enqueue_indirect_dma source(%dma_start3A_180 : memref<20000x128xf32, #tpu.memory_space<hbm>>) target(%arg11 : memref<125x128xf32, #tpu.memory_space<vmem>>) offsets(%dma_start3A_177 : memref<125xi32, #tpu.memory_space<vmem>>) semaphore(%arg16 : memref<!tpu.dma_semaphore, #tpu.memory_space<semaphore_mem>>)
      %dma_wait3A_181 = arith.constant 8 : i32
      %dma_wait3A_182 = arith.constant 0 : i32
      %dma_wait3A_183 = tpu.memref_slice %arg6[%dma_wait3A_181, %dma_wait3A_182] : memref<20x125xi32, #tpu.memory_space<vmem>> -> memref<1x125xi32, #tpu.memory_space<vmem>>
      %dma_wait3A_184 = tpu.memref_squeeze %dma_wait3A_183 : memref<1x125xi32, #tpu.memory_space<vmem>> -> memref<125xi32, #tpu.memory_space<vmem>>
      %dma_wait3A_185 = arith.constant 0 : i32
      %dma_wait3A_186 = arith.constant 0 : i32
      %dma_wait3A_187 = tpu.memref_slice %arg2[%dma_wait3A_185, %dma_wait3A_186] : memref<20000x128xf32, #tpu.memory_space<hbm>> -> memref<20000x128xf32, #tpu.memory_space<hbm>>
      tpu.wait_indirect_dma semaphore(%arg15 : memref<!tpu.dma_semaphore, #tpu.memory_space<semaphore_mem>>) src(%dma_wait3A_187 : memref<20000x128xf32, #tpu.memory_space<hbm>>) dst(%arg10 : memref<125x128xf32, #tpu.memory_space<vmem>>)
      %run_scoped3A_188 = arith.constant 8 : i32
      "tpu.region"() ({
        %run_scoped3A_678 = tpu.sem_alloc : memref<!tpu.dma_semaphore, #tpu.memory_space<semaphore_mem>>
        %dma_start3A_679 = arith.constant 0 : i32
        %dma_start3A_680 = tpu.memref_slice %arg7[%run_scoped3A_188, %dma_start3A_679] : memref<20x125xi32, #tpu.memory_space<vmem>> -> memref<1x125xi32, #tpu.memory_space<vmem>>
        %dma_start3A_681 = tpu.memref_squeeze %dma_start3A_680 : memref<1x125xi32, #tpu.memory_space<vmem>> -> memref<125xi32, #tpu.memory_space<vmem>>
        %dma_start3A_682 = arith.constant 0 : i32
        %dma_start3A_683 = arith.constant 0 : i32
        %dma_start3A_684 = tpu.memref_slice %arg12[%dma_start3A_682, %dma_start3A_683] : memref<10000x128xf32, #tpu.memory_space<vmem_shared>> -> memref<10000x128xf32, #tpu.memory_space<vmem_shared>>
        tpu.enqueue_indirect_dma source(%arg10 : memref<125x128xf32, #tpu.memory_space<vmem>>) target(%dma_start3A_684 : memref<10000x128xf32, #tpu.memory_space<vmem_shared>>) offsets(%dma_start3A_681 : memref<125xi32, #tpu.memory_space<vmem>>) semaphore(%run_scoped3A_678 : memref<!tpu.dma_semaphore, #tpu.memory_space<semaphore_mem>>) {add = true}
        %dma_wait3A_685 = arith.constant 0 : i32
        %dma_wait3A_686 = tpu.memref_slice %arg7[%run_scoped3A_188, %dma_wait3A_685] : memref<20x125xi32, #tpu.memory_space<vmem>> -> memref<1x125xi32, #tpu.memory_space<vmem>>
        %dma_wait3A_687 = tpu.memref_squeeze %dma_wait3A_686 : memref<1x125xi32, #tpu.memory_space<vmem>> -> memref<125xi32, #tpu.memory_space<vmem>>
        %dma_wait3A_688 = arith.constant 0 : i32
        %dma_wait3A_689 = arith.constant 0 : i32
        %dma_wait3A_690 = tpu.memref_slice %arg12[%dma_wait3A_688, %dma_wait3A_689] : memref<10000x128xf32, #tpu.memory_space<vmem_shared>> -> memref<10000x128xf32, #tpu.memory_space<vmem_shared>>
        tpu.wait_indirect_dma semaphore(%run_scoped3A_678 : memref<!tpu.dma_semaphore, #tpu.memory_space<semaphore_mem>>) src(%arg10 : memref<125x128xf32, #tpu.memory_space<vmem>>) dst(%dma_wait3A_690 : memref<10000x128xf32, #tpu.memory_space<vmem_shared>>)
        tpu.yield
      }) : () -> ()
      %dma_start3A_189 = arith.constant 10 : i32
      %dma_start3A_190 = arith.constant 0 : i32
      %dma_start3A_191 = tpu.memref_slice %arg6[%dma_start3A_189, %dma_start3A_190] : memref<20x125xi32, #tpu.memory_space<vmem>> -> memref<1x125xi32, #tpu.memory_space<vmem>>
      %dma_start3A_192 = tpu.memref_squeeze %dma_start3A_191 : memref<1x125xi32, #tpu.memory_space<vmem>> -> memref<125xi32, #tpu.memory_space<vmem>>
      %dma_start3A_193 = arith.constant 0 : i32
      %dma_start3A_194 = arith.constant 0 : i32
      %dma_start3A_195 = tpu.memref_slice %arg2[%dma_start3A_193, %dma_start3A_194] : memref<20000x128xf32, #tpu.memory_space<hbm>> -> memref<20000x128xf32, #tpu.memory_space<hbm>>
      tpu.enqueue_indirect_dma source(%dma_start3A_195 : memref<20000x128xf32, #tpu.memory_space<hbm>>) target(%arg10 : memref<125x128xf32, #tpu.memory_space<vmem>>) offsets(%dma_start3A_192 : memref<125xi32, #tpu.memory_space<vmem>>) semaphore(%arg15 : memref<!tpu.dma_semaphore, #tpu.memory_space<semaphore_mem>>)
      %dma_wait3A_196 = arith.constant 9 : i32
      %dma_wait3A_197 = arith.constant 0 : i32
      %dma_wait3A_198 = tpu.memref_slice %arg6[%dma_wait3A_196, %dma_wait3A_197] : memref<20x125xi32, #tpu.memory_space<vmem>> -> memref<1x125xi32, #tpu.memory_space<vmem>>
      %dma_wait3A_199 = tpu.memref_squeeze %dma_wait3A_198 : memref<1x125xi32, #tpu.memory_space<vmem>> -> memref<125xi32, #tpu.memory_space<vmem>>
      %dma_wait3A_200 = arith.constant 0 : i32
      %dma_wait3A_201 = arith.constant 0 : i32
      %dma_wait3A_202 = tpu.memref_slice %arg2[%dma_wait3A_200, %dma_wait3A_201] : memref<20000x128xf32, #tpu.memory_space<hbm>> -> memref<20000x128xf32, #tpu.memory_space<hbm>>
      tpu.wait_indirect_dma semaphore(%arg16 : memref<!tpu.dma_semaphore, #tpu.memory_space<semaphore_mem>>) src(%dma_wait3A_202 : memref<20000x128xf32, #tpu.memory_space<hbm>>) dst(%arg11 : memref<125x128xf32, #tpu.memory_space<vmem>>)
      %run_scoped3A_203 = arith.constant 9 : i32
      "tpu.region"() ({
        %run_scoped3A_678 = tpu.sem_alloc : memref<!tpu.dma_semaphore, #tpu.memory_space<semaphore_mem>>
        %dma_start3A_679 = arith.constant 0 : i32
        %dma_start3A_680 = tpu.memref_slice %arg7[%run_scoped3A_203, %dma_start3A_679] : memref<20x125xi32, #tpu.memory_space<vmem>> -> memref<1x125xi32, #tpu.memory_space<vmem>>
        %dma_start3A_681 = tpu.memref_squeeze %dma_start3A_680 : memref<1x125xi32, #tpu.memory_space<vmem>> -> memref<125xi32, #tpu.memory_space<vmem>>
        %dma_start3A_682 = arith.constant 0 : i32
        %dma_start3A_683 = arith.constant 0 : i32
        %dma_start3A_684 = tpu.memref_slice %arg12[%dma_start3A_682, %dma_start3A_683] : memref<10000x128xf32, #tpu.memory_space<vmem_shared>> -> memref<10000x128xf32, #tpu.memory_space<vmem_shared>>
        tpu.enqueue_indirect_dma source(%arg11 : memref<125x128xf32, #tpu.memory_space<vmem>>) target(%dma_start3A_684 : memref<10000x128xf32, #tpu.memory_space<vmem_shared>>) offsets(%dma_start3A_681 : memref<125xi32, #tpu.memory_space<vmem>>) semaphore(%run_scoped3A_678 : memref<!tpu.dma_semaphore, #tpu.memory_space<semaphore_mem>>) {add = true}
        %dma_wait3A_685 = arith.constant 0 : i32
        %dma_wait3A_686 = tpu.memref_slice %arg7[%run_scoped3A_203, %dma_wait3A_685] : memref<20x125xi32, #tpu.memory_space<vmem>> -> memref<1x125xi32, #tpu.memory_space<vmem>>
        %dma_wait3A_687 = tpu.memref_squeeze %dma_wait3A_686 : memref<1x125xi32, #tpu.memory_space<vmem>> -> memref<125xi32, #tpu.memory_space<vmem>>
        %dma_wait3A_688 = arith.constant 0 : i32
        %dma_wait3A_689 = arith.constant 0 : i32
        %dma_wait3A_690 = tpu.memref_slice %arg12[%dma_wait3A_688, %dma_wait3A_689] : memref<10000x128xf32, #tpu.memory_space<vmem_shared>> -> memref<10000x128xf32, #tpu.memory_space<vmem_shared>>
        tpu.wait_indirect_dma semaphore(%run_scoped3A_678 : memref<!tpu.dma_semaphore, #tpu.memory_space<semaphore_mem>>) src(%arg11 : memref<125x128xf32, #tpu.memory_space<vmem>>) dst(%dma_wait3A_690 : memref<10000x128xf32, #tpu.memory_space<vmem_shared>>)
        tpu.yield
      }) : () -> ()
      %dma_start3A_204 = arith.constant 11 : i32
      %dma_start3A_205 = arith.constant 0 : i32
      %dma_start3A_206 = tpu.memref_slice %arg6[%dma_start3A_204, %dma_start3A_205] : memref<20x125xi32, #tpu.memory_space<vmem>> -> memref<1x125xi32, #tpu.memory_space<vmem>>
      %dma_start3A_207 = tpu.memref_squeeze %dma_start3A_206 : memref<1x125xi32, #tpu.memory_space<vmem>> -> memref<125xi32, #tpu.memory_space<vmem>>
      %dma_start3A_208 = arith.constant 0 : i32
      %dma_start3A_209 = arith.constant 0 : i32
      %dma_start3A_210 = tpu.memref_slice %arg2[%dma_start3A_208, %dma_start3A_209] : memref<20000x128xf32, #tpu.memory_space<hbm>> -> memref<20000x128xf32, #tpu.memory_space<hbm>>
      tpu.enqueue_indirect_dma source(%dma_start3A_210 : memref<20000x128xf32, #tpu.memory_space<hbm>>) target(%arg11 : memref<125x128xf32, #tpu.memory_space<vmem>>) offsets(%dma_start3A_207 : memref<125xi32, #tpu.memory_space<vmem>>) semaphore(%arg16 : memref<!tpu.dma_semaphore, #tpu.memory_space<semaphore_mem>>)
      %dma_wait3A_211 = arith.constant 10 : i32
      %dma_wait3A_212 = arith.constant 0 : i32
      %dma_wait3A_213 = tpu.memref_slice %arg6[%dma_wait3A_211, %dma_wait3A_212] : memref<20x125xi32, #tpu.memory_space<vmem>> -> memref<1x125xi32, #tpu.memory_space<vmem>>
      %dma_wait3A_214 = tpu.memref_squeeze %dma_wait3A_213 : memref<1x125xi32, #tpu.memory_space<vmem>> -> memref<125xi32, #tpu.memory_space<vmem>>
      %dma_wait3A_215 = arith.constant 0 : i32
      %dma_wait3A_216 = arith.constant 0 : i32
      %dma_wait3A_217 = tpu.memref_slice %arg2[%dma_wait3A_215, %dma_wait3A_216] : memref<20000x128xf32, #tpu.memory_space<hbm>> -> memref<20000x128xf32, #tpu.memory_space<hbm>>
      tpu.wait_indirect_dma semaphore(%arg15 : memref<!tpu.dma_semaphore, #tpu.memory_space<semaphore_mem>>) src(%dma_wait3A_217 : memref<20000x128xf32, #tpu.memory_space<hbm>>) dst(%arg10 : memref<125x128xf32, #tpu.memory_space<vmem>>)
      %run_scoped3A_218 = arith.constant 10 : i32
      "tpu.region"() ({
        %run_scoped3A_678 = tpu.sem_alloc : memref<!tpu.dma_semaphore, #tpu.memory_space<semaphore_mem>>
        %dma_start3A_679 = arith.constant 0 : i32
        %dma_start3A_680 = tpu.memref_slice %arg7[%run_scoped3A_218, %dma_start3A_679] : memref<20x125xi32, #tpu.memory_space<vmem>> -> memref<1x125xi32, #tpu.memory_space<vmem>>
        %dma_start3A_681 = tpu.memref_squeeze %dma_start3A_680 : memref<1x125xi32, #tpu.memory_space<vmem>> -> memref<125xi32, #tpu.memory_space<vmem>>
        %dma_start3A_682 = arith.constant 0 : i32
        %dma_start3A_683 = arith.constant 0 : i32
        %dma_start3A_684 = tpu.memref_slice %arg12[%dma_start3A_682, %dma_start3A_683] : memref<10000x128xf32, #tpu.memory_space<vmem_shared>> -> memref<10000x128xf32, #tpu.memory_space<vmem_shared>>
        tpu.enqueue_indirect_dma source(%arg10 : memref<125x128xf32, #tpu.memory_space<vmem>>) target(%dma_start3A_684 : memref<10000x128xf32, #tpu.memory_space<vmem_shared>>) offsets(%dma_start3A_681 : memref<125xi32, #tpu.memory_space<vmem>>) semaphore(%run_scoped3A_678 : memref<!tpu.dma_semaphore, #tpu.memory_space<semaphore_mem>>) {add = true}
        %dma_wait3A_685 = arith.constant 0 : i32
        %dma_wait3A_686 = tpu.memref_slice %arg7[%run_scoped3A_218, %dma_wait3A_685] : memref<20x125xi32, #tpu.memory_space<vmem>> -> memref<1x125xi32, #tpu.memory_space<vmem>>
        %dma_wait3A_687 = tpu.memref_squeeze %dma_wait3A_686 : memref<1x125xi32, #tpu.memory_space<vmem>> -> memref<125xi32, #tpu.memory_space<vmem>>
        %dma_wait3A_688 = arith.constant 0 : i32
        %dma_wait3A_689 = arith.constant 0 : i32
        %dma_wait3A_690 = tpu.memref_slice %arg12[%dma_wait3A_688, %dma_wait3A_689] : memref<10000x128xf32, #tpu.memory_space<vmem_shared>> -> memref<10000x128xf32, #tpu.memory_space<vmem_shared>>
        tpu.wait_indirect_dma semaphore(%run_scoped3A_678 : memref<!tpu.dma_semaphore, #tpu.memory_space<semaphore_mem>>) src(%arg10 : memref<125x128xf32, #tpu.memory_space<vmem>>) dst(%dma_wait3A_690 : memref<10000x128xf32, #tpu.memory_space<vmem_shared>>)
        tpu.yield
      }) : () -> ()
      %dma_start3A_219 = arith.constant 12 : i32
      %dma_start3A_220 = arith.constant 0 : i32
      %dma_start3A_221 = tpu.memref_slice %arg6[%dma_start3A_219, %dma_start3A_220] : memref<20x125xi32, #tpu.memory_space<vmem>> -> memref<1x125xi32, #tpu.memory_space<vmem>>
      %dma_start3A_222 = tpu.memref_squeeze %dma_start3A_221 : memref<1x125xi32, #tpu.memory_space<vmem>> -> memref<125xi32, #tpu.memory_space<vmem>>
      %dma_start3A_223 = arith.constant 0 : i32
      %dma_start3A_224 = arith.constant 0 : i32
      %dma_start3A_225 = tpu.memref_slice %arg2[%dma_start3A_223, %dma_start3A_224] : memref<20000x128xf32, #tpu.memory_space<hbm>> -> memref<20000x128xf32, #tpu.memory_space<hbm>>
      tpu.enqueue_indirect_dma source(%dma_start3A_225 : memref<20000x128xf32, #tpu.memory_space<hbm>>) target(%arg10 : memref<125x128xf32, #tpu.memory_space<vmem>>) offsets(%dma_start3A_222 : memref<125xi32, #tpu.memory_space<vmem>>) semaphore(%arg15 : memref<!tpu.dma_semaphore, #tpu.memory_space<semaphore_mem>>)
      %dma_wait3A_226 = arith.constant 11 : i32
      %dma_wait3A_227 = arith.constant 0 : i32
      %dma_wait3A_228 = tpu.memref_slice %arg6[%dma_wait3A_226, %dma_wait3A_227] : memref<20x125xi32, #tpu.memory_space<vmem>> -> memref<1x125xi32, #tpu.memory_space<vmem>>
      %dma_wait3A_229 = tpu.memref_squeeze %dma_wait3A_228 : memref<1x125xi32, #tpu.memory_space<vmem>> -> memref<125xi32, #tpu.memory_space<vmem>>
      %dma_wait3A_230 = arith.constant 0 : i32
      %dma_wait3A_231 = arith.constant 0 : i32
      %dma_wait3A_232 = tpu.memref_slice %arg2[%dma_wait3A_230, %dma_wait3A_231] : memref<20000x128xf32, #tpu.memory_space<hbm>> -> memref<20000x128xf32, #tpu.memory_space<hbm>>
      tpu.wait_indirect_dma semaphore(%arg16 : memref<!tpu.dma_semaphore, #tpu.memory_space<semaphore_mem>>) src(%dma_wait3A_232 : memref<20000x128xf32, #tpu.memory_space<hbm>>) dst(%arg11 : memref<125x128xf32, #tpu.memory_space<vmem>>)
      %run_scoped3A_233 = arith.constant 11 : i32
      "tpu.region"() ({
        %run_scoped3A_678 = tpu.sem_alloc : memref<!tpu.dma_semaphore, #tpu.memory_space<semaphore_mem>>
        %dma_start3A_679 = arith.constant 0 : i32
        %dma_start3A_680 = tpu.memref_slice %arg7[%run_scoped3A_233, %dma_start3A_679] : memref<20x125xi32, #tpu.memory_space<vmem>> -> memref<1x125xi32, #tpu.memory_space<vmem>>
        %dma_start3A_681 = tpu.memref_squeeze %dma_start3A_680 : memref<1x125xi32, #tpu.memory_space<vmem>> -> memref<125xi32, #tpu.memory_space<vmem>>
        %dma_start3A_682 = arith.constant 0 : i32
        %dma_start3A_683 = arith.constant 0 : i32
        %dma_start3A_684 = tpu.memref_slice %arg12[%dma_start3A_682, %dma_start3A_683] : memref<10000x128xf32, #tpu.memory_space<vmem_shared>> -> memref<10000x128xf32, #tpu.memory_space<vmem_shared>>
        tpu.enqueue_indirect_dma source(%arg11 : memref<125x128xf32, #tpu.memory_space<vmem>>) target(%dma_start3A_684 : memref<10000x128xf32, #tpu.memory_space<vmem_shared>>) offsets(%dma_start3A_681 : memref<125xi32, #tpu.memory_space<vmem>>) semaphore(%run_scoped3A_678 : memref<!tpu.dma_semaphore, #tpu.memory_space<semaphore_mem>>) {add = true}
        %dma_wait3A_685 = arith.constant 0 : i32
        %dma_wait3A_686 = tpu.memref_slice %arg7[%run_scoped3A_233, %dma_wait3A_685] : memref<20x125xi32, #tpu.memory_space<vmem>> -> memref<1x125xi32, #tpu.memory_space<vmem>>
        %dma_wait3A_687 = tpu.memref_squeeze %dma_wait3A_686 : memref<1x125xi32, #tpu.memory_space<vmem>> -> memref<125xi32, #tpu.memory_space<vmem>>
        %dma_wait3A_688 = arith.constant 0 : i32
        %dma_wait3A_689 = arith.constant 0 : i32
        %dma_wait3A_690 = tpu.memref_slice %arg12[%dma_wait3A_688, %dma_wait3A_689] : memref<10000x128xf32, #tpu.memory_space<vmem_shared>> -> memref<10000x128xf32, #tpu.memory_space<vmem_shared>>
        tpu.wait_indirect_dma semaphore(%run_scoped3A_678 : memref<!tpu.dma_semaphore, #tpu.memory_space<semaphore_mem>>) src(%arg11 : memref<125x128xf32, #tpu.memory_space<vmem>>) dst(%dma_wait3A_690 : memref<10000x128xf32, #tpu.memory_space<vmem_shared>>)
        tpu.yield
      }) : () -> ()
      %dma_start3A_234 = arith.constant 13 : i32
      %dma_start3A_235 = arith.constant 0 : i32
      %dma_start3A_236 = tpu.memref_slice %arg6[%dma_start3A_234, %dma_start3A_235] : memref<20x125xi32, #tpu.memory_space<vmem>> -> memref<1x125xi32, #tpu.memory_space<vmem>>
      %dma_start3A_237 = tpu.memref_squeeze %dma_start3A_236 : memref<1x125xi32, #tpu.memory_space<vmem>> -> memref<125xi32, #tpu.memory_space<vmem>>
      %dma_start3A_238 = arith.constant 0 : i32
      %dma_start3A_239 = arith.constant 0 : i32
      %dma_start3A_240 = tpu.memref_slice %arg2[%dma_start3A_238, %dma_start3A_239] : memref<20000x128xf32, #tpu.memory_space<hbm>> -> memref<20000x128xf32, #tpu.memory_space<hbm>>
      tpu.enqueue_indirect_dma source(%dma_start3A_240 : memref<20000x128xf32, #tpu.memory_space<hbm>>) target(%arg11 : memref<125x128xf32, #tpu.memory_space<vmem>>) offsets(%dma_start3A_237 : memref<125xi32, #tpu.memory_space<vmem>>) semaphore(%arg16 : memref<!tpu.dma_semaphore, #tpu.memory_space<semaphore_mem>>)
      %dma_wait3A_241 = arith.constant 12 : i32
      %dma_wait3A_242 = arith.constant 0 : i32
      %dma_wait3A_243 = tpu.memref_slice %arg6[%dma_wait3A_241, %dma_wait3A_242] : memref<20x125xi32, #tpu.memory_space<vmem>> -> memref<1x125xi32, #tpu.memory_space<vmem>>
      %dma_wait3A_244 = tpu.memref_squeeze %dma_wait3A_243 : memref<1x125xi32, #tpu.memory_space<vmem>> -> memref<125xi32, #tpu.memory_space<vmem>>
      %dma_wait3A_245 = arith.constant 0 : i32
      %dma_wait3A_246 = arith.constant 0 : i32
      %dma_wait3A_247 = tpu.memref_slice %arg2[%dma_wait3A_245, %dma_wait3A_246] : memref<20000x128xf32, #tpu.memory_space<hbm>> -> memref<20000x128xf32, #tpu.memory_space<hbm>>
      tpu.wait_indirect_dma semaphore(%arg15 : memref<!tpu.dma_semaphore, #tpu.memory_space<semaphore_mem>>) src(%dma_wait3A_247 : memref<20000x128xf32, #tpu.memory_space<hbm>>) dst(%arg10 : memref<125x128xf32, #tpu.memory_space<vmem>>)
      %run_scoped3A_248 = arith.constant 12 : i32
      "tpu.region"() ({
        %run_scoped3A_678 = tpu.sem_alloc : memref<!tpu.dma_semaphore, #tpu.memory_space<semaphore_mem>>
        %dma_start3A_679 = arith.constant 0 : i32
        %dma_start3A_680 = tpu.memref_slice %arg7[%run_scoped3A_248, %dma_start3A_679] : memref<20x125xi32, #tpu.memory_space<vmem>> -> memref<1x125xi32, #tpu.memory_space<vmem>>
        %dma_start3A_681 = tpu.memref_squeeze %dma_start3A_680 : memref<1x125xi32, #tpu.memory_space<vmem>> -> memref<125xi32, #tpu.memory_space<vmem>>
        %dma_start3A_682 = arith.constant 0 : i32
        %dma_start3A_683 = arith.constant 0 : i32
        %dma_start3A_684 = tpu.memref_slice %arg12[%dma_start3A_682, %dma_start3A_683] : memref<10000x128xf32, #tpu.memory_space<vmem_shared>> -> memref<10000x128xf32, #tpu.memory_space<vmem_shared>>
        tpu.enqueue_indirect_dma source(%arg10 : memref<125x128xf32, #tpu.memory_space<vmem>>) target(%dma_start3A_684 : memref<10000x128xf32, #tpu.memory_space<vmem_shared>>) offsets(%dma_start3A_681 : memref<125xi32, #tpu.memory_space<vmem>>) semaphore(%run_scoped3A_678 : memref<!tpu.dma_semaphore, #tpu.memory_space<semaphore_mem>>) {add = true}
        %dma_wait3A_685 = arith.constant 0 : i32
        %dma_wait3A_686 = tpu.memref_slice %arg7[%run_scoped3A_248, %dma_wait3A_685] : memref<20x125xi32, #tpu.memory_space<vmem>> -> memref<1x125xi32, #tpu.memory_space<vmem>>
        %dma_wait3A_687 = tpu.memref_squeeze %dma_wait3A_686 : memref<1x125xi32, #tpu.memory_space<vmem>> -> memref<125xi32, #tpu.memory_space<vmem>>
        %dma_wait3A_688 = arith.constant 0 : i32
        %dma_wait3A_689 = arith.constant 0 : i32
        %dma_wait3A_690 = tpu.memref_slice %arg12[%dma_wait3A_688, %dma_wait3A_689] : memref<10000x128xf32, #tpu.memory_space<vmem_shared>> -> memref<10000x128xf32, #tpu.memory_space<vmem_shared>>
        tpu.wait_indirect_dma semaphore(%run_scoped3A_678 : memref<!tpu.dma_semaphore, #tpu.memory_space<semaphore_mem>>) src(%arg10 : memref<125x128xf32, #tpu.memory_space<vmem>>) dst(%dma_wait3A_690 : memref<10000x128xf32, #tpu.memory_space<vmem_shared>>)
        tpu.yield
      }) : () -> ()
      %dma_start3A_249 = arith.constant 14 : i32
      %dma_start3A_250 = arith.constant 0 : i32
      %dma_start3A_251 = tpu.memref_slice %arg6[%dma_start3A_249, %dma_start3A_250] : memref<20x125xi32, #tpu.memory_space<vmem>> -> memref<1x125xi32, #tpu.memory_space<vmem>>
      %dma_start3A_252 = tpu.memref_squeeze %dma_start3A_251 : memref<1x125xi32, #tpu.memory_space<vmem>> -> memref<125xi32, #tpu.memory_space<vmem>>
      %dma_start3A_253 = arith.constant 0 : i32
      %dma_start3A_254 = arith.constant 0 : i32
      %dma_start3A_255 = tpu.memref_slice %arg2[%dma_start3A_253, %dma_start3A_254] : memref<20000x128xf32, #tpu.memory_space<hbm>> -> memref<20000x128xf32, #tpu.memory_space<hbm>>
      tpu.enqueue_indirect_dma source(%dma_start3A_255 : memref<20000x128xf32, #tpu.memory_space<hbm>>) target(%arg10 : memref<125x128xf32, #tpu.memory_space<vmem>>) offsets(%dma_start3A_252 : memref<125xi32, #tpu.memory_space<vmem>>) semaphore(%arg15 : memref<!tpu.dma_semaphore, #tpu.memory_space<semaphore_mem>>)
      %dma_wait3A_256 = arith.constant 13 : i32
      %dma_wait3A_257 = arith.constant 0 : i32
      %dma_wait3A_258 = tpu.memref_slice %arg6[%dma_wait3A_256, %dma_wait3A_257] : memref<20x125xi32, #tpu.memory_space<vmem>> -> memref<1x125xi32, #tpu.memory_space<vmem>>
      %dma_wait3A_259 = tpu.memref_squeeze %dma_wait3A_258 : memref<1x125xi32, #tpu.memory_space<vmem>> -> memref<125xi32, #tpu.memory_space<vmem>>
      %dma_wait3A_260 = arith.constant 0 : i32
      %dma_wait3A_261 = arith.constant 0 : i32
      %dma_wait3A_262 = tpu.memref_slice %arg2[%dma_wait3A_260, %dma_wait3A_261] : memref<20000x128xf32, #tpu.memory_space<hbm>> -> memref<20000x128xf32, #tpu.memory_space<hbm>>
      tpu.wait_indirect_dma semaphore(%arg16 : memref<!tpu.dma_semaphore, #tpu.memory_space<semaphore_mem>>) src(%dma_wait3A_262 : memref<20000x128xf32, #tpu.memory_space<hbm>>) dst(%arg11 : memref<125x128xf32, #tpu.memory_space<vmem>>)
      %run_scoped3A_263 = arith.constant 13 : i32
      "tpu.region"() ({
        %run_scoped3A_678 = tpu.sem_alloc : memref<!tpu.dma_semaphore, #tpu.memory_space<semaphore_mem>>
        %dma_start3A_679 = arith.constant 0 : i32
        %dma_start3A_680 = tpu.memref_slice %arg7[%run_scoped3A_263, %dma_start3A_679] : memref<20x125xi32, #tpu.memory_space<vmem>> -> memref<1x125xi32, #tpu.memory_space<vmem>>
        %dma_start3A_681 = tpu.memref_squeeze %dma_start3A_680 : memref<1x125xi32, #tpu.memory_space<vmem>> -> memref<125xi32, #tpu.memory_space<vmem>>
        %dma_start3A_682 = arith.constant 0 : i32
        %dma_start3A_683 = arith.constant 0 : i32
        %dma_start3A_684 = tpu.memref_slice %arg12[%dma_start3A_682, %dma_start3A_683] : memref<10000x128xf32, #tpu.memory_space<vmem_shared>> -> memref<10000x128xf32, #tpu.memory_space<vmem_shared>>
        tpu.enqueue_indirect_dma source(%arg11 : memref<125x128xf32, #tpu.memory_space<vmem>>) target(%dma_start3A_684 : memref<10000x128xf32, #tpu.memory_space<vmem_shared>>) offsets(%dma_start3A_681 : memref<125xi32, #tpu.memory_space<vmem>>) semaphore(%run_scoped3A_678 : memref<!tpu.dma_semaphore, #tpu.memory_space<semaphore_mem>>) {add = true}
        %dma_wait3A_685 = arith.constant 0 : i32
        %dma_wait3A_686 = tpu.memref_slice %arg7[%run_scoped3A_263, %dma_wait3A_685] : memref<20x125xi32, #tpu.memory_space<vmem>> -> memref<1x125xi32, #tpu.memory_space<vmem>>
        %dma_wait3A_687 = tpu.memref_squeeze %dma_wait3A_686 : memref<1x125xi32, #tpu.memory_space<vmem>> -> memref<125xi32, #tpu.memory_space<vmem>>
        %dma_wait3A_688 = arith.constant 0 : i32
        %dma_wait3A_689 = arith.constant 0 : i32
        %dma_wait3A_690 = tpu.memref_slice %arg12[%dma_wait3A_688, %dma_wait3A_689] : memref<10000x128xf32, #tpu.memory_space<vmem_shared>> -> memref<10000x128xf32, #tpu.memory_space<vmem_shared>>
        tpu.wait_indirect_dma semaphore(%run_scoped3A_678 : memref<!tpu.dma_semaphore, #tpu.memory_space<semaphore_mem>>) src(%arg11 : memref<125x128xf32, #tpu.memory_space<vmem>>) dst(%dma_wait3A_690 : memref<10000x128xf32, #tpu.memory_space<vmem_shared>>)
        tpu.yield
      }) : () -> ()
      %dma_start3A_264 = arith.constant 15 : i32
      %dma_start3A_265 = arith.constant 0 : i32
      %dma_start3A_266 = tpu.memref_slice %arg6[%dma_start3A_264, %dma_start3A_265] : memref<20x125xi32, #tpu.memory_space<vmem>> -> memref<1x125xi32, #tpu.memory_space<vmem>>
      %dma_start3A_267 = tpu.memref_squeeze %dma_start3A_266 : memref<1x125xi32, #tpu.memory_space<vmem>> -> memref<125xi32, #tpu.memory_space<vmem>>
      %dma_start3A_268 = arith.constant 0 : i32
      %dma_start3A_269 = arith.constant 0 : i32
      %dma_start3A_270 = tpu.memref_slice %arg2[%dma_start3A_268, %dma_start3A_269] : memref<20000x128xf32, #tpu.memory_space<hbm>> -> memref<20000x128xf32, #tpu.memory_space<hbm>>
      tpu.enqueue_indirect_dma source(%dma_start3A_270 : memref<20000x128xf32, #tpu.memory_space<hbm>>) target(%arg11 : memref<125x128xf32, #tpu.memory_space<vmem>>) offsets(%dma_start3A_267 : memref<125xi32, #tpu.memory_space<vmem>>) semaphore(%arg16 : memref<!tpu.dma_semaphore, #tpu.memory_space<semaphore_mem>>)
      %dma_wait3A_271 = arith.constant 14 : i32
      %dma_wait3A_272 = arith.constant 0 : i32
      %dma_wait3A_273 = tpu.memref_slice %arg6[%dma_wait3A_271, %dma_wait3A_272] : memref<20x125xi32, #tpu.memory_space<vmem>> -> memref<1x125xi32, #tpu.memory_space<vmem>>
      %dma_wait3A_274 = tpu.memref_squeeze %dma_wait3A_273 : memref<1x125xi32, #tpu.memory_space<vmem>> -> memref<125xi32, #tpu.memory_space<vmem>>
      %dma_wait3A_275 = arith.constant 0 : i32
      %dma_wait3A_276 = arith.constant 0 : i32
      %dma_wait3A_277 = tpu.memref_slice %arg2[%dma_wait3A_275, %dma_wait3A_276] : memref<20000x128xf32, #tpu.memory_space<hbm>> -> memref<20000x128xf32, #tpu.memory_space<hbm>>
      tpu.wait_indirect_dma semaphore(%arg15 : memref<!tpu.dma_semaphore, #tpu.memory_space<semaphore_mem>>) src(%dma_wait3A_277 : memref<20000x128xf32, #tpu.memory_space<hbm>>) dst(%arg10 : memref<125x128xf32, #tpu.memory_space<vmem>>)
      %run_scoped3A_278 = arith.constant 14 : i32
      "tpu.region"() ({
        %run_scoped3A_678 = tpu.sem_alloc : memref<!tpu.dma_semaphore, #tpu.memory_space<semaphore_mem>>
        %dma_start3A_679 = arith.constant 0 : i32
        %dma_start3A_680 = tpu.memref_slice %arg7[%run_scoped3A_278, %dma_start3A_679] : memref<20x125xi32, #tpu.memory_space<vmem>> -> memref<1x125xi32, #tpu.memory_space<vmem>>
        %dma_start3A_681 = tpu.memref_squeeze %dma_start3A_680 : memref<1x125xi32, #tpu.memory_space<vmem>> -> memref<125xi32, #tpu.memory_space<vmem>>
        %dma_start3A_682 = arith.constant 0 : i32
        %dma_start3A_683 = arith.constant 0 : i32
        %dma_start3A_684 = tpu.memref_slice %arg12[%dma_start3A_682, %dma_start3A_683] : memref<10000x128xf32, #tpu.memory_space<vmem_shared>> -> memref<10000x128xf32, #tpu.memory_space<vmem_shared>>
        tpu.enqueue_indirect_dma source(%arg10 : memref<125x128xf32, #tpu.memory_space<vmem>>) target(%dma_start3A_684 : memref<10000x128xf32, #tpu.memory_space<vmem_shared>>) offsets(%dma_start3A_681 : memref<125xi32, #tpu.memory_space<vmem>>) semaphore(%run_scoped3A_678 : memref<!tpu.dma_semaphore, #tpu.memory_space<semaphore_mem>>) {add = true}
        %dma_wait3A_685 = arith.constant 0 : i32
        %dma_wait3A_686 = tpu.memref_slice %arg7[%run_scoped3A_278, %dma_wait3A_685] : memref<20x125xi32, #tpu.memory_space<vmem>> -> memref<1x125xi32, #tpu.memory_space<vmem>>
        %dma_wait3A_687 = tpu.memref_squeeze %dma_wait3A_686 : memref<1x125xi32, #tpu.memory_space<vmem>> -> memref<125xi32, #tpu.memory_space<vmem>>
        %dma_wait3A_688 = arith.constant 0 : i32
        %dma_wait3A_689 = arith.constant 0 : i32
        %dma_wait3A_690 = tpu.memref_slice %arg12[%dma_wait3A_688, %dma_wait3A_689] : memref<10000x128xf32, #tpu.memory_space<vmem_shared>> -> memref<10000x128xf32, #tpu.memory_space<vmem_shared>>
        tpu.wait_indirect_dma semaphore(%run_scoped3A_678 : memref<!tpu.dma_semaphore, #tpu.memory_space<semaphore_mem>>) src(%arg10 : memref<125x128xf32, #tpu.memory_space<vmem>>) dst(%dma_wait3A_690 : memref<10000x128xf32, #tpu.memory_space<vmem_shared>>)
        tpu.yield
      }) : () -> ()
      %dma_start3A_279 = arith.constant 16 : i32
      %dma_start3A_280 = arith.constant 0 : i32
      %dma_start3A_281 = tpu.memref_slice %arg6[%dma_start3A_279, %dma_start3A_280] : memref<20x125xi32, #tpu.memory_space<vmem>> -> memref<1x125xi32, #tpu.memory_space<vmem>>
      %dma_start3A_282 = tpu.memref_squeeze %dma_start3A_281 : memref<1x125xi32, #tpu.memory_space<vmem>> -> memref<125xi32, #tpu.memory_space<vmem>>
      %dma_start3A_283 = arith.constant 0 : i32
      %dma_start3A_284 = arith.constant 0 : i32
      %dma_start3A_285 = tpu.memref_slice %arg2[%dma_start3A_283, %dma_start3A_284] : memref<20000x128xf32, #tpu.memory_space<hbm>> -> memref<20000x128xf32, #tpu.memory_space<hbm>>
      tpu.enqueue_indirect_dma source(%dma_start3A_285 : memref<20000x128xf32, #tpu.memory_space<hbm>>) target(%arg10 : memref<125x128xf32, #tpu.memory_space<vmem>>) offsets(%dma_start3A_282 : memref<125xi32, #tpu.memory_space<vmem>>) semaphore(%arg15 : memref<!tpu.dma_semaphore, #tpu.memory_space<semaphore_mem>>)
      %dma_wait3A_286 = arith.constant 15 : i32
      %dma_wait3A_287 = arith.constant 0 : i32
      %dma_wait3A_288 = tpu.memref_slice %arg6[%dma_wait3A_286, %dma_wait3A_287] : memref<20x125xi32, #tpu.memory_space<vmem>> -> memref<1x125xi32, #tpu.memory_space<vmem>>
      %dma_wait3A_289 = tpu.memref_squeeze %dma_wait3A_288 : memref<1x125xi32, #tpu.memory_space<vmem>> -> memref<125xi32, #tpu.memory_space<vmem>>
      %dma_wait3A_290 = arith.constant 0 : i32
      %dma_wait3A_291 = arith.constant 0 : i32
      %dma_wait3A_292 = tpu.memref_slice %arg2[%dma_wait3A_290, %dma_wait3A_291] : memref<20000x128xf32, #tpu.memory_space<hbm>> -> memref<20000x128xf32, #tpu.memory_space<hbm>>
      tpu.wait_indirect_dma semaphore(%arg16 : memref<!tpu.dma_semaphore, #tpu.memory_space<semaphore_mem>>) src(%dma_wait3A_292 : memref<20000x128xf32, #tpu.memory_space<hbm>>) dst(%arg11 : memref<125x128xf32, #tpu.memory_space<vmem>>)
      %run_scoped3A_293 = arith.constant 15 : i32
      "tpu.region"() ({
        %run_scoped3A_678 = tpu.sem_alloc : memref<!tpu.dma_semaphore, #tpu.memory_space<semaphore_mem>>
        %dma_start3A_679 = arith.constant 0 : i32
        %dma_start3A_680 = tpu.memref_slice %arg7[%run_scoped3A_293, %dma_start3A_679] : memref<20x125xi32, #tpu.memory_space<vmem>> -> memref<1x125xi32, #tpu.memory_space<vmem>>
        %dma_start3A_681 = tpu.memref_squeeze %dma_start3A_680 : memref<1x125xi32, #tpu.memory_space<vmem>> -> memref<125xi32, #tpu.memory_space<vmem>>
        %dma_start3A_682 = arith.constant 0 : i32
        %dma_start3A_683 = arith.constant 0 : i32
        %dma_start3A_684 = tpu.memref_slice %arg12[%dma_start3A_682, %dma_start3A_683] : memref<10000x128xf32, #tpu.memory_space<vmem_shared>> -> memref<10000x128xf32, #tpu.memory_space<vmem_shared>>
        tpu.enqueue_indirect_dma source(%arg11 : memref<125x128xf32, #tpu.memory_space<vmem>>) target(%dma_start3A_684 : memref<10000x128xf32, #tpu.memory_space<vmem_shared>>) offsets(%dma_start3A_681 : memref<125xi32, #tpu.memory_space<vmem>>) semaphore(%run_scoped3A_678 : memref<!tpu.dma_semaphore, #tpu.memory_space<semaphore_mem>>) {add = true}
        %dma_wait3A_685 = arith.constant 0 : i32
        %dma_wait3A_686 = tpu.memref_slice %arg7[%run_scoped3A_293, %dma_wait3A_685] : memref<20x125xi32, #tpu.memory_space<vmem>> -> memref<1x125xi32, #tpu.memory_space<vmem>>
        %dma_wait3A_687 = tpu.memref_squeeze %dma_wait3A_686 : memref<1x125xi32, #tpu.memory_space<vmem>> -> memref<125xi32, #tpu.memory_space<vmem>>
        %dma_wait3A_688 = arith.constant 0 : i32
        %dma_wait3A_689 = arith.constant 0 : i32
        %dma_wait3A_690 = tpu.memref_slice %arg12[%dma_wait3A_688, %dma_wait3A_689] : memref<10000x128xf32, #tpu.memory_space<vmem_shared>> -> memref<10000x128xf32, #tpu.memory_space<vmem_shared>>
        tpu.wait_indirect_dma semaphore(%run_scoped3A_678 : memref<!tpu.dma_semaphore, #tpu.memory_space<semaphore_mem>>) src(%arg11 : memref<125x128xf32, #tpu.memory_space<vmem>>) dst(%dma_wait3A_690 : memref<10000x128xf32, #tpu.memory_space<vmem_shared>>)
        tpu.yield
      }) : () -> ()
      %dma_start3A_294 = arith.constant 17 : i32
      %dma_start3A_295 = arith.constant 0 : i32
      %dma_start3A_296 = tpu.memref_slice %arg6[%dma_start3A_294, %dma_start3A_295] : memref<20x125xi32, #tpu.memory_space<vmem>> -> memref<1x125xi32, #tpu.memory_space<vmem>>
      %dma_start3A_297 = tpu.memref_squeeze %dma_start3A_296 : memref<1x125xi32, #tpu.memory_space<vmem>> -> memref<125xi32, #tpu.memory_space<vmem>>
      %dma_start3A_298 = arith.constant 0 : i32
      %dma_start3A_299 = arith.constant 0 : i32
      %dma_start3A_300 = tpu.memref_slice %arg2[%dma_start3A_298, %dma_start3A_299] : memref<20000x128xf32, #tpu.memory_space<hbm>> -> memref<20000x128xf32, #tpu.memory_space<hbm>>
      tpu.enqueue_indirect_dma source(%dma_start3A_300 : memref<20000x128xf32, #tpu.memory_space<hbm>>) target(%arg11 : memref<125x128xf32, #tpu.memory_space<vmem>>) offsets(%dma_start3A_297 : memref<125xi32, #tpu.memory_space<vmem>>) semaphore(%arg16 : memref<!tpu.dma_semaphore, #tpu.memory_space<semaphore_mem>>)
      %dma_wait3A_301 = arith.constant 16 : i32
      %dma_wait3A_302 = arith.constant 0 : i32
      %dma_wait3A_303 = tpu.memref_slice %arg6[%dma_wait3A_301, %dma_wait3A_302] : memref<20x125xi32, #tpu.memory_space<vmem>> -> memref<1x125xi32, #tpu.memory_space<vmem>>
      %dma_wait3A_304 = tpu.memref_squeeze %dma_wait3A_303 : memref<1x125xi32, #tpu.memory_space<vmem>> -> memref<125xi32, #tpu.memory_space<vmem>>
      %dma_wait3A_305 = arith.constant 0 : i32
      %dma_wait3A_306 = arith.constant 0 : i32
      %dma_wait3A_307 = tpu.memref_slice %arg2[%dma_wait3A_305, %dma_wait3A_306] : memref<20000x128xf32, #tpu.memory_space<hbm>> -> memref<20000x128xf32, #tpu.memory_space<hbm>>
      tpu.wait_indirect_dma semaphore(%arg15 : memref<!tpu.dma_semaphore, #tpu.memory_space<semaphore_mem>>) src(%dma_wait3A_307 : memref<20000x128xf32, #tpu.memory_space<hbm>>) dst(%arg10 : memref<125x128xf32, #tpu.memory_space<vmem>>)
      %run_scoped3A_308 = arith.constant 16 : i32
      "tpu.region"() ({
        %run_scoped3A_678 = tpu.sem_alloc : memref<!tpu.dma_semaphore, #tpu.memory_space<semaphore_mem>>
        %dma_start3A_679 = arith.constant 0 : i32
        %dma_start3A_680 = tpu.memref_slice %arg7[%run_scoped3A_308, %dma_start3A_679] : memref<20x125xi32, #tpu.memory_space<vmem>> -> memref<1x125xi32, #tpu.memory_space<vmem>>
        %dma_start3A_681 = tpu.memref_squeeze %dma_start3A_680 : memref<1x125xi32, #tpu.memory_space<vmem>> -> memref<125xi32, #tpu.memory_space<vmem>>
        %dma_start3A_682 = arith.constant 0 : i32
        %dma_start3A_683 = arith.constant 0 : i32
        %dma_start3A_684 = tpu.memref_slice %arg12[%dma_start3A_682, %dma_start3A_683] : memref<10000x128xf32, #tpu.memory_space<vmem_shared>> -> memref<10000x128xf32, #tpu.memory_space<vmem_shared>>
        tpu.enqueue_indirect_dma source(%arg10 : memref<125x128xf32, #tpu.memory_space<vmem>>) target(%dma_start3A_684 : memref<10000x128xf32, #tpu.memory_space<vmem_shared>>) offsets(%dma_start3A_681 : memref<125xi32, #tpu.memory_space<vmem>>) semaphore(%run_scoped3A_678 : memref<!tpu.dma_semaphore, #tpu.memory_space<semaphore_mem>>) {add = true}
        %dma_wait3A_685 = arith.constant 0 : i32
        %dma_wait3A_686 = tpu.memref_slice %arg7[%run_scoped3A_308, %dma_wait3A_685] : memref<20x125xi32, #tpu.memory_space<vmem>> -> memref<1x125xi32, #tpu.memory_space<vmem>>
        %dma_wait3A_687 = tpu.memref_squeeze %dma_wait3A_686 : memref<1x125xi32, #tpu.memory_space<vmem>> -> memref<125xi32, #tpu.memory_space<vmem>>
        %dma_wait3A_688 = arith.constant 0 : i32
        %dma_wait3A_689 = arith.constant 0 : i32
        %dma_wait3A_690 = tpu.memref_slice %arg12[%dma_wait3A_688, %dma_wait3A_689] : memref<10000x128xf32, #tpu.memory_space<vmem_shared>> -> memref<10000x128xf32, #tpu.memory_space<vmem_shared>>
        tpu.wait_indirect_dma semaphore(%run_scoped3A_678 : memref<!tpu.dma_semaphore, #tpu.memory_space<semaphore_mem>>) src(%arg10 : memref<125x128xf32, #tpu.memory_space<vmem>>) dst(%dma_wait3A_690 : memref<10000x128xf32, #tpu.memory_space<vmem_shared>>)
        tpu.yield
      }) : () -> ()
      %dma_start3A_309 = arith.constant 18 : i32
      %dma_start3A_310 = arith.constant 0 : i32
      %dma_start3A_311 = tpu.memref_slice %arg6[%dma_start3A_309, %dma_start3A_310] : memref<20x125xi32, #tpu.memory_space<vmem>> -> memref<1x125xi32, #tpu.memory_space<vmem>>
      %dma_start3A_312 = tpu.memref_squeeze %dma_start3A_311 : memref<1x125xi32, #tpu.memory_space<vmem>> -> memref<125xi32, #tpu.memory_space<vmem>>
      %dma_start3A_313 = arith.constant 0 : i32
      %dma_start3A_314 = arith.constant 0 : i32
      %dma_start3A_315 = tpu.memref_slice %arg2[%dma_start3A_313, %dma_start3A_314] : memref<20000x128xf32, #tpu.memory_space<hbm>> -> memref<20000x128xf32, #tpu.memory_space<hbm>>
      tpu.enqueue_indirect_dma source(%dma_start3A_315 : memref<20000x128xf32, #tpu.memory_space<hbm>>) target(%arg10 : memref<125x128xf32, #tpu.memory_space<vmem>>) offsets(%dma_start3A_312 : memref<125xi32, #tpu.memory_space<vmem>>) semaphore(%arg15 : memref<!tpu.dma_semaphore, #tpu.memory_space<semaphore_mem>>)
      %dma_wait3A_316 = arith.constant 17 : i32
      %dma_wait3A_317 = arith.constant 0 : i32
      %dma_wait3A_318 = tpu.memref_slice %arg6[%dma_wait3A_316, %dma_wait3A_317] : memref<20x125xi32, #tpu.memory_space<vmem>> -> memref<1x125xi32, #tpu.memory_space<vmem>>
      %dma_wait3A_319 = tpu.memref_squeeze %dma_wait3A_318 : memref<1x125xi32, #tpu.memory_space<vmem>> -> memref<125xi32, #tpu.memory_space<vmem>>
      %dma_wait3A_320 = arith.constant 0 : i32
      %dma_wait3A_321 = arith.constant 0 : i32
      %dma_wait3A_322 = tpu.memref_slice %arg2[%dma_wait3A_320, %dma_wait3A_321] : memref<20000x128xf32, #tpu.memory_space<hbm>> -> memref<20000x128xf32, #tpu.memory_space<hbm>>
      tpu.wait_indirect_dma semaphore(%arg16 : memref<!tpu.dma_semaphore, #tpu.memory_space<semaphore_mem>>) src(%dma_wait3A_322 : memref<20000x128xf32, #tpu.memory_space<hbm>>) dst(%arg11 : memref<125x128xf32, #tpu.memory_space<vmem>>)
      %run_scoped3A_323 = arith.constant 17 : i32
      "tpu.region"() ({
        %run_scoped3A_678 = tpu.sem_alloc : memref<!tpu.dma_semaphore, #tpu.memory_space<semaphore_mem>>
        %dma_start3A_679 = arith.constant 0 : i32
        %dma_start3A_680 = tpu.memref_slice %arg7[%run_scoped3A_323, %dma_start3A_679] : memref<20x125xi32, #tpu.memory_space<vmem>> -> memref<1x125xi32, #tpu.memory_space<vmem>>
        %dma_start3A_681 = tpu.memref_squeeze %dma_start3A_680 : memref<1x125xi32, #tpu.memory_space<vmem>> -> memref<125xi32, #tpu.memory_space<vmem>>
        %dma_start3A_682 = arith.constant 0 : i32
        %dma_start3A_683 = arith.constant 0 : i32
        %dma_start3A_684 = tpu.memref_slice %arg12[%dma_start3A_682, %dma_start3A_683] : memref<10000x128xf32, #tpu.memory_space<vmem_shared>> -> memref<10000x128xf32, #tpu.memory_space<vmem_shared>>
        tpu.enqueue_indirect_dma source(%arg11 : memref<125x128xf32, #tpu.memory_space<vmem>>) target(%dma_start3A_684 : memref<10000x128xf32, #tpu.memory_space<vmem_shared>>) offsets(%dma_start3A_681 : memref<125xi32, #tpu.memory_space<vmem>>) semaphore(%run_scoped3A_678 : memref<!tpu.dma_semaphore, #tpu.memory_space<semaphore_mem>>) {add = true}
        %dma_wait3A_685 = arith.constant 0 : i32
        %dma_wait3A_686 = tpu.memref_slice %arg7[%run_scoped3A_323, %dma_wait3A_685] : memref<20x125xi32, #tpu.memory_space<vmem>> -> memref<1x125xi32, #tpu.memory_space<vmem>>
        %dma_wait3A_687 = tpu.memref_squeeze %dma_wait3A_686 : memref<1x125xi32, #tpu.memory_space<vmem>> -> memref<125xi32, #tpu.memory_space<vmem>>
        %dma_wait3A_688 = arith.constant 0 : i32
        %dma_wait3A_689 = arith.constant 0 : i32
        %dma_wait3A_690 = tpu.memref_slice %arg12[%dma_wait3A_688, %dma_wait3A_689] : memref<10000x128xf32, #tpu.memory_space<vmem_shared>> -> memref<10000x128xf32, #tpu.memory_space<vmem_shared>>
        tpu.wait_indirect_dma semaphore(%run_scoped3A_678 : memref<!tpu.dma_semaphore, #tpu.memory_space<semaphore_mem>>) src(%arg11 : memref<125x128xf32, #tpu.memory_space<vmem>>) dst(%dma_wait3A_690 : memref<10000x128xf32, #tpu.memory_space<vmem_shared>>)
        tpu.yield
      }) : () -> ()
      %dma_start3A_324 = arith.constant 19 : i32
      %dma_start3A_325 = arith.constant 0 : i32
      %dma_start3A_326 = tpu.memref_slice %arg6[%dma_start3A_324, %dma_start3A_325] : memref<20x125xi32, #tpu.memory_space<vmem>> -> memref<1x125xi32, #tpu.memory_space<vmem>>
      %dma_start3A_327 = tpu.memref_squeeze %dma_start3A_326 : memref<1x125xi32, #tpu.memory_space<vmem>> -> memref<125xi32, #tpu.memory_space<vmem>>
      %dma_start3A_328 = arith.constant 0 : i32
      %dma_start3A_329 = arith.constant 0 : i32
      %dma_start3A_330 = tpu.memref_slice %arg2[%dma_start3A_328, %dma_start3A_329] : memref<20000x128xf32, #tpu.memory_space<hbm>> -> memref<20000x128xf32, #tpu.memory_space<hbm>>
      tpu.enqueue_indirect_dma source(%dma_start3A_330 : memref<20000x128xf32, #tpu.memory_space<hbm>>) target(%arg11 : memref<125x128xf32, #tpu.memory_space<vmem>>) offsets(%dma_start3A_327 : memref<125xi32, #tpu.memory_space<vmem>>) semaphore(%arg16 : memref<!tpu.dma_semaphore, #tpu.memory_space<semaphore_mem>>)
      %dma_wait3A_331 = arith.constant 18 : i32
      %dma_wait3A_332 = arith.constant 0 : i32
      %dma_wait3A_333 = tpu.memref_slice %arg6[%dma_wait3A_331, %dma_wait3A_332] : memref<20x125xi32, #tpu.memory_space<vmem>> -> memref<1x125xi32, #tpu.memory_space<vmem>>
      %dma_wait3A_334 = tpu.memref_squeeze %dma_wait3A_333 : memref<1x125xi32, #tpu.memory_space<vmem>> -> memref<125xi32, #tpu.memory_space<vmem>>
      %dma_wait3A_335 = arith.constant 0 : i32
      %dma_wait3A_336 = arith.constant 0 : i32
      %dma_wait3A_337 = tpu.memref_slice %arg2[%dma_wait3A_335, %dma_wait3A_336] : memref<20000x128xf32, #tpu.memory_space<hbm>> -> memref<20000x128xf32, #tpu.memory_space<hbm>>
      tpu.wait_indirect_dma semaphore(%arg15 : memref<!tpu.dma_semaphore, #tpu.memory_space<semaphore_mem>>) src(%dma_wait3A_337 : memref<20000x128xf32, #tpu.memory_space<hbm>>) dst(%arg10 : memref<125x128xf32, #tpu.memory_space<vmem>>)
      %run_scoped3A_338 = arith.constant 18 : i32
      "tpu.region"() ({
        %run_scoped3A_678 = tpu.sem_alloc : memref<!tpu.dma_semaphore, #tpu.memory_space<semaphore_mem>>
        %dma_start3A_679 = arith.constant 0 : i32
        %dma_start3A_680 = tpu.memref_slice %arg7[%run_scoped3A_338, %dma_start3A_679] : memref<20x125xi32, #tpu.memory_space<vmem>> -> memref<1x125xi32, #tpu.memory_space<vmem>>
        %dma_start3A_681 = tpu.memref_squeeze %dma_start3A_680 : memref<1x125xi32, #tpu.memory_space<vmem>> -> memref<125xi32, #tpu.memory_space<vmem>>
        %dma_start3A_682 = arith.constant 0 : i32
        %dma_start3A_683 = arith.constant 0 : i32
        %dma_start3A_684 = tpu.memref_slice %arg12[%dma_start3A_682, %dma_start3A_683] : memref<10000x128xf32, #tpu.memory_space<vmem_shared>> -> memref<10000x128xf32, #tpu.memory_space<vmem_shared>>
        tpu.enqueue_indirect_dma source(%arg10 : memref<125x128xf32, #tpu.memory_space<vmem>>) target(%dma_start3A_684 : memref<10000x128xf32, #tpu.memory_space<vmem_shared>>) offsets(%dma_start3A_681 : memref<125xi32, #tpu.memory_space<vmem>>) semaphore(%run_scoped3A_678 : memref<!tpu.dma_semaphore, #tpu.memory_space<semaphore_mem>>) {add = true}
        %dma_wait3A_685 = arith.constant 0 : i32
        %dma_wait3A_686 = tpu.memref_slice %arg7[%run_scoped3A_338, %dma_wait3A_685] : memref<20x125xi32, #tpu.memory_space<vmem>> -> memref<1x125xi32, #tpu.memory_space<vmem>>
        %dma_wait3A_687 = tpu.memref_squeeze %dma_wait3A_686 : memref<1x125xi32, #tpu.memory_space<vmem>> -> memref<125xi32, #tpu.memory_space<vmem>>
        %dma_wait3A_688 = arith.constant 0 : i32
        %dma_wait3A_689 = arith.constant 0 : i32
        %dma_wait3A_690 = tpu.memref_slice %arg12[%dma_wait3A_688, %dma_wait3A_689] : memref<10000x128xf32, #tpu.memory_space<vmem_shared>> -> memref<10000x128xf32, #tpu.memory_space<vmem_shared>>
        tpu.wait_indirect_dma semaphore(%run_scoped3A_678 : memref<!tpu.dma_semaphore, #tpu.memory_space<semaphore_mem>>) src(%arg10 : memref<125x128xf32, #tpu.memory_space<vmem>>) dst(%dma_wait3A_690 : memref<10000x128xf32, #tpu.memory_space<vmem_shared>>)
        tpu.yield
      }) : () -> ()
      %dma_wait3A_339 = arith.constant 19 : i32
      %dma_wait3A_340 = arith.constant 0 : i32
      %dma_wait3A_341 = tpu.memref_slice %arg6[%dma_wait3A_339, %dma_wait3A_340] : memref<20x125xi32, #tpu.memory_space<vmem>> -> memref<1x125xi32, #tpu.memory_space<vmem>>
      %dma_wait3A_342 = tpu.memref_squeeze %dma_wait3A_341 : memref<1x125xi32, #tpu.memory_space<vmem>> -> memref<125xi32, #tpu.memory_space<vmem>>
      %dma_wait3A_343 = arith.constant 0 : i32
      %dma_wait3A_344 = arith.constant 0 : i32
      %dma_wait3A_345 = tpu.memref_slice %arg2[%dma_wait3A_343, %dma_wait3A_344] : memref<20000x128xf32, #tpu.memory_space<hbm>> -> memref<20000x128xf32, #tpu.memory_space<hbm>>
      tpu.wait_indirect_dma semaphore(%arg16 : memref<!tpu.dma_semaphore, #tpu.memory_space<semaphore_mem>>) src(%dma_wait3A_345 : memref<20000x128xf32, #tpu.memory_space<hbm>>) dst(%arg11 : memref<125x128xf32, #tpu.memory_space<vmem>>)
      %run_scoped3A_346 = arith.constant 19 : i32
      "tpu.region"() ({
        %run_scoped3A_678 = tpu.sem_alloc : memref<!tpu.dma_semaphore, #tpu.memory_space<semaphore_mem>>
        %dma_start3A_679 = arith.constant 0 : i32
        %dma_start3A_680 = tpu.memref_slice %arg7[%run_scoped3A_346, %dma_start3A_679] : memref<20x125xi32, #tpu.memory_space<vmem>> -> memref<1x125xi32, #tpu.memory_space<vmem>>
        %dma_start3A_681 = tpu.memref_squeeze %dma_start3A_680 : memref<1x125xi32, #tpu.memory_space<vmem>> -> memref<125xi32, #tpu.memory_space<vmem>>
        %dma_start3A_682 = arith.constant 0 : i32
        %dma_start3A_683 = arith.constant 0 : i32
        %dma_start3A_684 = tpu.memref_slice %arg12[%dma_start3A_682, %dma_start3A_683] : memref<10000x128xf32, #tpu.memory_space<vmem_shared>> -> memref<10000x128xf32, #tpu.memory_space<vmem_shared>>
        tpu.enqueue_indirect_dma source(%arg11 : memref<125x128xf32, #tpu.memory_space<vmem>>) target(%dma_start3A_684 : memref<10000x128xf32, #tpu.memory_space<vmem_shared>>) offsets(%dma_start3A_681 : memref<125xi32, #tpu.memory_space<vmem>>) semaphore(%run_scoped3A_678 : memref<!tpu.dma_semaphore, #tpu.memory_space<semaphore_mem>>) {add = true}
        %dma_wait3A_685 = arith.constant 0 : i32
        %dma_wait3A_686 = tpu.memref_slice %arg7[%run_scoped3A_346, %dma_wait3A_685] : memref<20x125xi32, #tpu.memory_space<vmem>> -> memref<1x125xi32, #tpu.memory_space<vmem>>
        %dma_wait3A_687 = tpu.memref_squeeze %dma_wait3A_686 : memref<1x125xi32, #tpu.memory_space<vmem>> -> memref<125xi32, #tpu.memory_space<vmem>>
        %dma_wait3A_688 = arith.constant 0 : i32
        %dma_wait3A_689 = arith.constant 0 : i32
        %dma_wait3A_690 = tpu.memref_slice %arg12[%dma_wait3A_688, %dma_wait3A_689] : memref<10000x128xf32, #tpu.memory_space<vmem_shared>> -> memref<10000x128xf32, #tpu.memory_space<vmem_shared>>
        tpu.wait_indirect_dma semaphore(%run_scoped3A_678 : memref<!tpu.dma_semaphore, #tpu.memory_space<semaphore_mem>>) src(%arg11 : memref<125x128xf32, #tpu.memory_space<vmem>>) dst(%dma_wait3A_690 : memref<10000x128xf32, #tpu.memory_space<vmem_shared>>)
        tpu.yield
      }) : () -> ()
      %add3A_347 = arith.constant 2 : i32
      %add3A_348 = arith.addi %add3A_43, %add3A_347 : i32
      %lt3A = arith.constant 4 : i32
      %lt3A_349 = arith.cmpi slt, %add3A_348, %lt3A : i32
      %convert_element_type3A_350 = arith.extui %lt3A_349 : i1 to i32
      %cond3A_351 = arith.constant 0 : i32
      %cond3A_352 = arith.cmpi ne, %convert_element_type3A_350, %cond3A_351 : i32
      scf.if %cond3A_352 {
        %add3A_678 = arith.constant 2 : i32
        %add3A_679 = arith.addi %add3A_43, %add3A_678 : i32
        %dma_start3A_680 = arith.constant 0 : i32
        %dma_start3A_681 = arith.constant 0 : i32
        %dma_start3A_682 = tpu.memref_slice %arg3[%arg0, %arg1, %add3A_679, %dma_start3A_680, %dma_start3A_681] : memref<2x16x4x20x125xi32, #tpu.memory_space<hbm>> -> memref<1x1x1x20x125xi32, #tpu.memory_space<hbm>>
        %dma_start3A_683 = tpu.memref_squeeze %dma_start3A_682 : memref<1x1x1x20x125xi32, #tpu.memory_space<hbm>> -> memref<20x125xi32, #tpu.memory_space<hbm>>
        %dma_start3A_684 = arith.constant 0 : i32
        %dma_start3A_685 = arith.constant 0 : i32
        %dma_start3A_686 = tpu.memref_slice %arg3[%arg0, %arg1, %add3A_679, %dma_start3A_684, %dma_start3A_685] : memref<2x16x4x20x125xi32, #tpu.memory_space<hbm>> -> memref<1x1x1x20x125xi32, #tpu.memory_space<hbm>>
        %dma_start3A_687 = tpu.memref_squeeze %dma_start3A_686 : memref<1x1x1x20x125xi32, #tpu.memory_space<hbm>> -> memref<20x125xi32, #tpu.memory_space<hbm>>
        tpu.enqueue_dma source(%dma_start3A_687 : memref<20x125xi32, #tpu.memory_space<hbm>>) target(%arg6 : memref<20x125xi32, #tpu.memory_space<vmem>>) target_semaphore(%arg13 : memref<!tpu.dma_semaphore, #tpu.memory_space<semaphore_mem>>)
        %add3A_688 = arith.constant 2 : i32
        %add3A_689 = arith.addi %add3A_43, %add3A_688 : i32
        %dma_start3A_690 = arith.constant 0 : i32
        %dma_start3A_691 = arith.constant 0 : i32
        %dma_start3A_692 = tpu.memref_slice %arg4[%arg1, %add3A_689, %dma_start3A_690, %dma_start3A_691] : memref<16x4x20x125xi32, #tpu.memory_space<hbm>> -> memref<1x1x20x125xi32, #tpu.memory_space<hbm>>
        %dma_start3A_693 = tpu.memref_squeeze %dma_start3A_692 : memref<1x1x20x125xi32, #tpu.memory_space<hbm>> -> memref<20x125xi32, #tpu.memory_space<hbm>>
        %dma_start3A_694 = arith.constant 0 : i32
        %dma_start3A_695 = arith.constant 0 : i32
        %dma_start3A_696 = tpu.memref_slice %arg4[%arg1, %add3A_689, %dma_start3A_694, %dma_start3A_695] : memref<16x4x20x125xi32, #tpu.memory_space<hbm>> -> memref<1x1x20x125xi32, #tpu.memory_space<hbm>>
        %dma_start3A_697 = tpu.memref_squeeze %dma_start3A_696 : memref<1x1x20x125xi32, #tpu.memory_space<hbm>> -> memref<20x125xi32, #tpu.memory_space<hbm>>
        tpu.enqueue_dma source(%dma_start3A_697 : memref<20x125xi32, #tpu.memory_space<hbm>>) target(%arg7 : memref<20x125xi32, #tpu.memory_space<vmem>>) target_semaphore(%arg13 : memref<!tpu.dma_semaphore, #tpu.memory_space<semaphore_mem>>)
      } else {
      }
      %add3A_353 = arith.constant 1 : i32
      %add3A_354 = arith.addi %add3A_43, %add3A_353 : i32
      %dma_wait3A_355 = arith.constant 0 : i32
      %dma_wait3A_356 = arith.constant 0 : i32
      %dma_wait3A_357 = tpu.memref_slice %arg3[%arg0, %arg1, %add3A_354, %dma_wait3A_355, %dma_wait3A_356] : memref<2x16x4x20x125xi32, #tpu.memory_space<hbm>> -> memref<1x1x1x20x125xi32, #tpu.memory_space<hbm>>
      %dma_wait3A_358 = tpu.memref_squeeze %dma_wait3A_357 : memref<1x1x1x20x125xi32, #tpu.memory_space<hbm>> -> memref<20x125xi32, #tpu.memory_space<hbm>>
      %dma_wait3A_359 = arith.constant 0 : i32
      %dma_wait3A_360 = arith.constant 0 : i32
      %dma_wait3A_361 = tpu.memref_slice %arg3[%arg0, %arg1, %add3A_354, %dma_wait3A_359, %dma_wait3A_360] : memref<2x16x4x20x125xi32, #tpu.memory_space<hbm>> -> memref<1x1x1x20x125xi32, #tpu.memory_space<hbm>>
      %dma_wait3A_362 = tpu.memref_squeeze %dma_wait3A_361 : memref<1x1x1x20x125xi32, #tpu.memory_space<hbm>> -> memref<20x125xi32, #tpu.memory_space<hbm>>
      tpu.wait_dma2 semaphore(%arg14 : memref<!tpu.dma_semaphore, #tpu.memory_space<semaphore_mem>>) src(%dma_wait3A_362 : memref<20x125xi32, #tpu.memory_space<hbm>>) dst(%arg8 : memref<20x125xi32, #tpu.memory_space<vmem>>)
      %dma_wait3A_363 = arith.constant 0 : i32
      %dma_wait3A_364 = arith.constant 0 : i32
      %dma_wait3A_365 = tpu.memref_slice %arg4[%arg1, %add3A_354, %dma_wait3A_363, %dma_wait3A_364] : memref<16x4x20x125xi32, #tpu.memory_space<hbm>> -> memref<1x1x20x125xi32, #tpu.memory_space<hbm>>
      %dma_wait3A_366 = tpu.memref_squeeze %dma_wait3A_365 : memref<1x1x20x125xi32, #tpu.memory_space<hbm>> -> memref<20x125xi32, #tpu.memory_space<hbm>>
      %dma_wait3A_367 = arith.constant 0 : i32
      %dma_wait3A_368 = arith.constant 0 : i32
      %dma_wait3A_369 = tpu.memref_slice %arg4[%arg1, %add3A_354, %dma_wait3A_367, %dma_wait3A_368] : memref<16x4x20x125xi32, #tpu.memory_space<hbm>> -> memref<1x1x20x125xi32, #tpu.memory_space<hbm>>
      %dma_wait3A_370 = tpu.memref_squeeze %dma_wait3A_369 : memref<1x1x20x125xi32, #tpu.memory_space<hbm>> -> memref<20x125xi32, #tpu.memory_space<hbm>>
      tpu.wait_dma2 semaphore(%arg14 : memref<!tpu.dma_semaphore, #tpu.memory_space<semaphore_mem>>) src(%dma_wait3A_370 : memref<20x125xi32, #tpu.memory_space<hbm>>) dst(%arg9 : memref<20x125xi32, #tpu.memory_space<vmem>>)
      %dma_start3A_371 = arith.constant 0 : i32
      %dma_start3A_372 = arith.constant 0 : i32
      %dma_start3A_373 = tpu.memref_slice %arg8[%dma_start3A_371, %dma_start3A_372] : memref<20x125xi32, #tpu.memory_space<vmem>> -> memref<1x125xi32, #tpu.memory_space<vmem>>
      %dma_start3A_374 = tpu.memref_squeeze %dma_start3A_373 : memref<1x125xi32, #tpu.memory_space<vmem>> -> memref<125xi32, #tpu.memory_space<vmem>>
      %dma_start3A_375 = arith.constant 0 : i32
      %dma_start3A_376 = arith.constant 0 : i32
      %dma_start3A_377 = tpu.memref_slice %arg2[%dma_start3A_375, %dma_start3A_376] : memref<20000x128xf32, #tpu.memory_space<hbm>> -> memref<20000x128xf32, #tpu.memory_space<hbm>>
      tpu.enqueue_indirect_dma source(%dma_start3A_377 : memref<20000x128xf32, #tpu.memory_space<hbm>>) target(%arg10 : memref<125x128xf32, #tpu.memory_space<vmem>>) offsets(%dma_start3A_374 : memref<125xi32, #tpu.memory_space<vmem>>) semaphore(%arg15 : memref<!tpu.dma_semaphore, #tpu.memory_space<semaphore_mem>>)
      %dma_start3A_378 = arith.constant 1 : i32
      %dma_start3A_379 = arith.constant 0 : i32
      %dma_start3A_380 = tpu.memref_slice %arg8[%dma_start3A_378, %dma_start3A_379] : memref<20x125xi32, #tpu.memory_space<vmem>> -> memref<1x125xi32, #tpu.memory_space<vmem>>
      %dma_start3A_381 = tpu.memref_squeeze %dma_start3A_380 : memref<1x125xi32, #tpu.memory_space<vmem>> -> memref<125xi32, #tpu.memory_space<vmem>>
      %dma_start3A_382 = arith.constant 0 : i32
      %dma_start3A_383 = arith.constant 0 : i32
      %dma_start3A_384 = tpu.memref_slice %arg2[%dma_start3A_382, %dma_start3A_383] : memref<20000x128xf32, #tpu.memory_space<hbm>> -> memref<20000x128xf32, #tpu.memory_space<hbm>>
      tpu.enqueue_indirect_dma source(%dma_start3A_384 : memref<20000x128xf32, #tpu.memory_space<hbm>>) target(%arg11 : memref<125x128xf32, #tpu.memory_space<vmem>>) offsets(%dma_start3A_381 : memref<125xi32, #tpu.memory_space<vmem>>) semaphore(%arg16 : memref<!tpu.dma_semaphore, #tpu.memory_space<semaphore_mem>>)
      %dma_wait3A_385 = arith.constant 0 : i32
      %dma_wait3A_386 = arith.constant 0 : i32
      %dma_wait3A_387 = tpu.memref_slice %arg8[%dma_wait3A_385, %dma_wait3A_386] : memref<20x125xi32, #tpu.memory_space<vmem>> -> memref<1x125xi32, #tpu.memory_space<vmem>>
      %dma_wait3A_388 = tpu.memref_squeeze %dma_wait3A_387 : memref<1x125xi32, #tpu.memory_space<vmem>> -> memref<125xi32, #tpu.memory_space<vmem>>
      %dma_wait3A_389 = arith.constant 0 : i32
      %dma_wait3A_390 = arith.constant 0 : i32
      %dma_wait3A_391 = tpu.memref_slice %arg2[%dma_wait3A_389, %dma_wait3A_390] : memref<20000x128xf32, #tpu.memory_space<hbm>> -> memref<20000x128xf32, #tpu.memory_space<hbm>>
      tpu.wait_indirect_dma semaphore(%arg15 : memref<!tpu.dma_semaphore, #tpu.memory_space<semaphore_mem>>) src(%dma_wait3A_391 : memref<20000x128xf32, #tpu.memory_space<hbm>>) dst(%arg10 : memref<125x128xf32, #tpu.memory_space<vmem>>)
      %run_scoped3A_392 = arith.constant 0 : i32
      "tpu.region"() ({
        %run_scoped3A_678 = tpu.sem_alloc : memref<!tpu.dma_semaphore, #tpu.memory_space<semaphore_mem>>
        %dma_start3A_679 = arith.constant 0 : i32
        %dma_start3A_680 = tpu.memref_slice %arg9[%run_scoped3A_392, %dma_start3A_679] : memref<20x125xi32, #tpu.memory_space<vmem>> -> memref<1x125xi32, #tpu.memory_space<vmem>>
        %dma_start3A_681 = tpu.memref_squeeze %dma_start3A_680 : memref<1x125xi32, #tpu.memory_space<vmem>> -> memref<125xi32, #tpu.memory_space<vmem>>
        %dma_start3A_682 = arith.constant 0 : i32
        %dma_start3A_683 = arith.constant 0 : i32
        %dma_start3A_684 = tpu.memref_slice %arg12[%dma_start3A_682, %dma_start3A_683] : memref<10000x128xf32, #tpu.memory_space<vmem_shared>> -> memref<10000x128xf32, #tpu.memory_space<vmem_shared>>
        tpu.enqueue_indirect_dma source(%arg10 : memref<125x128xf32, #tpu.memory_space<vmem>>) target(%dma_start3A_684 : memref<10000x128xf32, #tpu.memory_space<vmem_shared>>) offsets(%dma_start3A_681 : memref<125xi32, #tpu.memory_space<vmem>>) semaphore(%run_scoped3A_678 : memref<!tpu.dma_semaphore, #tpu.memory_space<semaphore_mem>>) {add = true}
        %dma_wait3A_685 = arith.constant 0 : i32
        %dma_wait3A_686 = tpu.memref_slice %arg9[%run_scoped3A_392, %dma_wait3A_685] : memref<20x125xi32, #tpu.memory_space<vmem>> -> memref<1x125xi32, #tpu.memory_space<vmem>>
        %dma_wait3A_687 = tpu.memref_squeeze %dma_wait3A_686 : memref<1x125xi32, #tpu.memory_space<vmem>> -> memref<125xi32, #tpu.memory_space<vmem>>
        %dma_wait3A_688 = arith.constant 0 : i32
        %dma_wait3A_689 = arith.constant 0 : i32
        %dma_wait3A_690 = tpu.memref_slice %arg12[%dma_wait3A_688, %dma_wait3A_689] : memref<10000x128xf32, #tpu.memory_space<vmem_shared>> -> memref<10000x128xf32, #tpu.memory_space<vmem_shared>>
        tpu.wait_indirect_dma semaphore(%run_scoped3A_678 : memref<!tpu.dma_semaphore, #tpu.memory_space<semaphore_mem>>) src(%arg10 : memref<125x128xf32, #tpu.memory_space<vmem>>) dst(%dma_wait3A_690 : memref<10000x128xf32, #tpu.memory_space<vmem_shared>>)
        tpu.yield
      }) : () -> ()
      %dma_start3A_393 = arith.constant 2 : i32
      %dma_start3A_394 = arith.constant 0 : i32
      %dma_start3A_395 = tpu.memref_slice %arg8[%dma_start3A_393, %dma_start3A_394] : memref<20x125xi32, #tpu.memory_space<vmem>> -> memref<1x125xi32, #tpu.memory_space<vmem>>
      %dma_start3A_396 = tpu.memref_squeeze %dma_start3A_395 : memref<1x125xi32, #tpu.memory_space<vmem>> -> memref<125xi32, #tpu.memory_space<vmem>>
      %dma_start3A_397 = arith.constant 0 : i32
      %dma_start3A_398 = arith.constant 0 : i32
      %dma_start3A_399 = tpu.memref_slice %arg2[%dma_start3A_397, %dma_start3A_398] : memref<20000x128xf32, #tpu.memory_space<hbm>> -> memref<20000x128xf32, #tpu.memory_space<hbm>>
      tpu.enqueue_indirect_dma source(%dma_start3A_399 : memref<20000x128xf32, #tpu.memory_space<hbm>>) target(%arg10 : memref<125x128xf32, #tpu.memory_space<vmem>>) offsets(%dma_start3A_396 : memref<125xi32, #tpu.memory_space<vmem>>) semaphore(%arg15 : memref<!tpu.dma_semaphore, #tpu.memory_space<semaphore_mem>>)
      %dma_wait3A_400 = arith.constant 1 : i32
      %dma_wait3A_401 = arith.constant 0 : i32
      %dma_wait3A_402 = tpu.memref_slice %arg8[%dma_wait3A_400, %dma_wait3A_401] : memref<20x125xi32, #tpu.memory_space<vmem>> -> memref<1x125xi32, #tpu.memory_space<vmem>>
      %dma_wait3A_403 = tpu.memref_squeeze %dma_wait3A_402 : memref<1x125xi32, #tpu.memory_space<vmem>> -> memref<125xi32, #tpu.memory_space<vmem>>
      %dma_wait3A_404 = arith.constant 0 : i32
      %dma_wait3A_405 = arith.constant 0 : i32
      %dma_wait3A_406 = tpu.memref_slice %arg2[%dma_wait3A_404, %dma_wait3A_405] : memref<20000x128xf32, #tpu.memory_space<hbm>> -> memref<20000x128xf32, #tpu.memory_space<hbm>>
      tpu.wait_indirect_dma semaphore(%arg16 : memref<!tpu.dma_semaphore, #tpu.memory_space<semaphore_mem>>) src(%dma_wait3A_406 : memref<20000x128xf32, #tpu.memory_space<hbm>>) dst(%arg11 : memref<125x128xf32, #tpu.memory_space<vmem>>)
      %run_scoped3A_407 = arith.constant 1 : i32
      "tpu.region"() ({
        %run_scoped3A_678 = tpu.sem_alloc : memref<!tpu.dma_semaphore, #tpu.memory_space<semaphore_mem>>
        %dma_start3A_679 = arith.constant 0 : i32
        %dma_start3A_680 = tpu.memref_slice %arg9[%run_scoped3A_407, %dma_start3A_679] : memref<20x125xi32, #tpu.memory_space<vmem>> -> memref<1x125xi32, #tpu.memory_space<vmem>>
        %dma_start3A_681 = tpu.memref_squeeze %dma_start3A_680 : memref<1x125xi32, #tpu.memory_space<vmem>> -> memref<125xi32, #tpu.memory_space<vmem>>
        %dma_start3A_682 = arith.constant 0 : i32
        %dma_start3A_683 = arith.constant 0 : i32
        %dma_start3A_684 = tpu.memref_slice %arg12[%dma_start3A_682, %dma_start3A_683] : memref<10000x128xf32, #tpu.memory_space<vmem_shared>> -> memref<10000x128xf32, #tpu.memory_space<vmem_shared>>
        tpu.enqueue_indirect_dma source(%arg11 : memref<125x128xf32, #tpu.memory_space<vmem>>) target(%dma_start3A_684 : memref<10000x128xf32, #tpu.memory_space<vmem_shared>>) offsets(%dma_start3A_681 : memref<125xi32, #tpu.memory_space<vmem>>) semaphore(%run_scoped3A_678 : memref<!tpu.dma_semaphore, #tpu.memory_space<semaphore_mem>>) {add = true}
        %dma_wait3A_685 = arith.constant 0 : i32
        %dma_wait3A_686 = tpu.memref_slice %arg9[%run_scoped3A_407, %dma_wait3A_685] : memref<20x125xi32, #tpu.memory_space<vmem>> -> memref<1x125xi32, #tpu.memory_space<vmem>>
        %dma_wait3A_687 = tpu.memref_squeeze %dma_wait3A_686 : memref<1x125xi32, #tpu.memory_space<vmem>> -> memref<125xi32, #tpu.memory_space<vmem>>
        %dma_wait3A_688 = arith.constant 0 : i32
        %dma_wait3A_689 = arith.constant 0 : i32
        %dma_wait3A_690 = tpu.memref_slice %arg12[%dma_wait3A_688, %dma_wait3A_689] : memref<10000x128xf32, #tpu.memory_space<vmem_shared>> -> memref<10000x128xf32, #tpu.memory_space<vmem_shared>>
        tpu.wait_indirect_dma semaphore(%run_scoped3A_678 : memref<!tpu.dma_semaphore, #tpu.memory_space<semaphore_mem>>) src(%arg11 : memref<125x128xf32, #tpu.memory_space<vmem>>) dst(%dma_wait3A_690 : memref<10000x128xf32, #tpu.memory_space<vmem_shared>>)
        tpu.yield
      }) : () -> ()
      %dma_start3A_408 = arith.constant 3 : i32
      %dma_start3A_409 = arith.constant 0 : i32
      %dma_start3A_410 = tpu.memref_slice %arg8[%dma_start3A_408, %dma_start3A_409] : memref<20x125xi32, #tpu.memory_space<vmem>> -> memref<1x125xi32, #tpu.memory_space<vmem>>
      %dma_start3A_411 = tpu.memref_squeeze %dma_start3A_410 : memref<1x125xi32, #tpu.memory_space<vmem>> -> memref<125xi32, #tpu.memory_space<vmem>>
      %dma_start3A_412 = arith.constant 0 : i32
      %dma_start3A_413 = arith.constant 0 : i32
      %dma_start3A_414 = tpu.memref_slice %arg2[%dma_start3A_412, %dma_start3A_413] : memref<20000x128xf32, #tpu.memory_space<hbm>> -> memref<20000x128xf32, #tpu.memory_space<hbm>>
      tpu.enqueue_indirect_dma source(%dma_start3A_414 : memref<20000x128xf32, #tpu.memory_space<hbm>>) target(%arg11 : memref<125x128xf32, #tpu.memory_space<vmem>>) offsets(%dma_start3A_411 : memref<125xi32, #tpu.memory_space<vmem>>) semaphore(%arg16 : memref<!tpu.dma_semaphore, #tpu.memory_space<semaphore_mem>>)
      %dma_wait3A_415 = arith.constant 2 : i32
      %dma_wait3A_416 = arith.constant 0 : i32
      %dma_wait3A_417 = tpu.memref_slice %arg8[%dma_wait3A_415, %dma_wait3A_416] : memref<20x125xi32, #tpu.memory_space<vmem>> -> memref<1x125xi32, #tpu.memory_space<vmem>>
      %dma_wait3A_418 = tpu.memref_squeeze %dma_wait3A_417 : memref<1x125xi32, #tpu.memory_space<vmem>> -> memref<125xi32, #tpu.memory_space<vmem>>
      %dma_wait3A_419 = arith.constant 0 : i32
      %dma_wait3A_420 = arith.constant 0 : i32
      %dma_wait3A_421 = tpu.memref_slice %arg2[%dma_wait3A_419, %dma_wait3A_420] : memref<20000x128xf32, #tpu.memory_space<hbm>> -> memref<20000x128xf32, #tpu.memory_space<hbm>>
      tpu.wait_indirect_dma semaphore(%arg15 : memref<!tpu.dma_semaphore, #tpu.memory_space<semaphore_mem>>) src(%dma_wait3A_421 : memref<20000x128xf32, #tpu.memory_space<hbm>>) dst(%arg10 : memref<125x128xf32, #tpu.memory_space<vmem>>)
      %run_scoped3A_422 = arith.constant 2 : i32
      "tpu.region"() ({
        %run_scoped3A_678 = tpu.sem_alloc : memref<!tpu.dma_semaphore, #tpu.memory_space<semaphore_mem>>
        %dma_start3A_679 = arith.constant 0 : i32
        %dma_start3A_680 = tpu.memref_slice %arg9[%run_scoped3A_422, %dma_start3A_679] : memref<20x125xi32, #tpu.memory_space<vmem>> -> memref<1x125xi32, #tpu.memory_space<vmem>>
        %dma_start3A_681 = tpu.memref_squeeze %dma_start3A_680 : memref<1x125xi32, #tpu.memory_space<vmem>> -> memref<125xi32, #tpu.memory_space<vmem>>
        %dma_start3A_682 = arith.constant 0 : i32
        %dma_start3A_683 = arith.constant 0 : i32
        %dma_start3A_684 = tpu.memref_slice %arg12[%dma_start3A_682, %dma_start3A_683] : memref<10000x128xf32, #tpu.memory_space<vmem_shared>> -> memref<10000x128xf32, #tpu.memory_space<vmem_shared>>
        tpu.enqueue_indirect_dma source(%arg10 : memref<125x128xf32, #tpu.memory_space<vmem>>) target(%dma_start3A_684 : memref<10000x128xf32, #tpu.memory_space<vmem_shared>>) offsets(%dma_start3A_681 : memref<125xi32, #tpu.memory_space<vmem>>) semaphore(%run_scoped3A_678 : memref<!tpu.dma_semaphore, #tpu.memory_space<semaphore_mem>>) {add = true}
        %dma_wait3A_685 = arith.constant 0 : i32
        %dma_wait3A_686 = tpu.memref_slice %arg9[%run_scoped3A_422, %dma_wait3A_685] : memref<20x125xi32, #tpu.memory_space<vmem>> -> memref<1x125xi32, #tpu.memory_space<vmem>>
        %dma_wait3A_687 = tpu.memref_squeeze %dma_wait3A_686 : memref<1x125xi32, #tpu.memory_space<vmem>> -> memref<125xi32, #tpu.memory_space<vmem>>
        %dma_wait3A_688 = arith.constant 0 : i32
        %dma_wait3A_689 = arith.constant 0 : i32
        %dma_wait3A_690 = tpu.memref_slice %arg12[%dma_wait3A_688, %dma_wait3A_689] : memref<10000x128xf32, #tpu.memory_space<vmem_shared>> -> memref<10000x128xf32, #tpu.memory_space<vmem_shared>>
        tpu.wait_indirect_dma semaphore(%run_scoped3A_678 : memref<!tpu.dma_semaphore, #tpu.memory_space<semaphore_mem>>) src(%arg10 : memref<125x128xf32, #tpu.memory_space<vmem>>) dst(%dma_wait3A_690 : memref<10000x128xf32, #tpu.memory_space<vmem_shared>>)
        tpu.yield
      }) : () -> ()
      %dma_start3A_423 = arith.constant 4 : i32
      %dma_start3A_424 = arith.constant 0 : i32
      %dma_start3A_425 = tpu.memref_slice %arg8[%dma_start3A_423, %dma_start3A_424] : memref<20x125xi32, #tpu.memory_space<vmem>> -> memref<1x125xi32, #tpu.memory_space<vmem>>
      %dma_start3A_426 = tpu.memref_squeeze %dma_start3A_425 : memref<1x125xi32, #tpu.memory_space<vmem>> -> memref<125xi32, #tpu.memory_space<vmem>>
      %dma_start3A_427 = arith.constant 0 : i32
      %dma_start3A_428 = arith.constant 0 : i32
      %dma_start3A_429 = tpu.memref_slice %arg2[%dma_start3A_427, %dma_start3A_428] : memref<20000x128xf32, #tpu.memory_space<hbm>> -> memref<20000x128xf32, #tpu.memory_space<hbm>>
      tpu.enqueue_indirect_dma source(%dma_start3A_429 : memref<20000x128xf32, #tpu.memory_space<hbm>>) target(%arg10 : memref<125x128xf32, #tpu.memory_space<vmem>>) offsets(%dma_start3A_426 : memref<125xi32, #tpu.memory_space<vmem>>) semaphore(%arg15 : memref<!tpu.dma_semaphore, #tpu.memory_space<semaphore_mem>>)
      %dma_wait3A_430 = arith.constant 3 : i32
      %dma_wait3A_431 = arith.constant 0 : i32
      %dma_wait3A_432 = tpu.memref_slice %arg8[%dma_wait3A_430, %dma_wait3A_431] : memref<20x125xi32, #tpu.memory_space<vmem>> -> memref<1x125xi32, #tpu.memory_space<vmem>>
      %dma_wait3A_433 = tpu.memref_squeeze %dma_wait3A_432 : memref<1x125xi32, #tpu.memory_space<vmem>> -> memref<125xi32, #tpu.memory_space<vmem>>
      %dma_wait3A_434 = arith.constant 0 : i32
      %dma_wait3A_435 = arith.constant 0 : i32
      %dma_wait3A_436 = tpu.memref_slice %arg2[%dma_wait3A_434, %dma_wait3A_435] : memref<20000x128xf32, #tpu.memory_space<hbm>> -> memref<20000x128xf32, #tpu.memory_space<hbm>>
      tpu.wait_indirect_dma semaphore(%arg16 : memref<!tpu.dma_semaphore, #tpu.memory_space<semaphore_mem>>) src(%dma_wait3A_436 : memref<20000x128xf32, #tpu.memory_space<hbm>>) dst(%arg11 : memref<125x128xf32, #tpu.memory_space<vmem>>)
      %run_scoped3A_437 = arith.constant 3 : i32
      "tpu.region"() ({
        %run_scoped3A_678 = tpu.sem_alloc : memref<!tpu.dma_semaphore, #tpu.memory_space<semaphore_mem>>
        %dma_start3A_679 = arith.constant 0 : i32
        %dma_start3A_680 = tpu.memref_slice %arg9[%run_scoped3A_437, %dma_start3A_679] : memref<20x125xi32, #tpu.memory_space<vmem>> -> memref<1x125xi32, #tpu.memory_space<vmem>>
        %dma_start3A_681 = tpu.memref_squeeze %dma_start3A_680 : memref<1x125xi32, #tpu.memory_space<vmem>> -> memref<125xi32, #tpu.memory_space<vmem>>
        %dma_start3A_682 = arith.constant 0 : i32
        %dma_start3A_683 = arith.constant 0 : i32
        %dma_start3A_684 = tpu.memref_slice %arg12[%dma_start3A_682, %dma_start3A_683] : memref<10000x128xf32, #tpu.memory_space<vmem_shared>> -> memref<10000x128xf32, #tpu.memory_space<vmem_shared>>
        tpu.enqueue_indirect_dma source(%arg11 : memref<125x128xf32, #tpu.memory_space<vmem>>) target(%dma_start3A_684 : memref<10000x128xf32, #tpu.memory_space<vmem_shared>>) offsets(%dma_start3A_681 : memref<125xi32, #tpu.memory_space<vmem>>) semaphore(%run_scoped3A_678 : memref<!tpu.dma_semaphore, #tpu.memory_space<semaphore_mem>>) {add = true}
        %dma_wait3A_685 = arith.constant 0 : i32
        %dma_wait3A_686 = tpu.memref_slice %arg9[%run_scoped3A_437, %dma_wait3A_685] : memref<20x125xi32, #tpu.memory_space<vmem>> -> memref<1x125xi32, #tpu.memory_space<vmem>>
        %dma_wait3A_687 = tpu.memref_squeeze %dma_wait3A_686 : memref<1x125xi32, #tpu.memory_space<vmem>> -> memref<125xi32, #tpu.memory_space<vmem>>
        %dma_wait3A_688 = arith.constant 0 : i32
        %dma_wait3A_689 = arith.constant 0 : i32
        %dma_wait3A_690 = tpu.memref_slice %arg12[%dma_wait3A_688, %dma_wait3A_689] : memref<10000x128xf32, #tpu.memory_space<vmem_shared>> -> memref<10000x128xf32, #tpu.memory_space<vmem_shared>>
        tpu.wait_indirect_dma semaphore(%run_scoped3A_678 : memref<!tpu.dma_semaphore, #tpu.memory_space<semaphore_mem>>) src(%arg11 : memref<125x128xf32, #tpu.memory_space<vmem>>) dst(%dma_wait3A_690 : memref<10000x128xf32, #tpu.memory_space<vmem_shared>>)
        tpu.yield
      }) : () -> ()
      %dma_start3A_438 = arith.constant 5 : i32
      %dma_start3A_439 = arith.constant 0 : i32
      %dma_start3A_440 = tpu.memref_slice %arg8[%dma_start3A_438, %dma_start3A_439] : memref<20x125xi32, #tpu.memory_space<vmem>> -> memref<1x125xi32, #tpu.memory_space<vmem>>
      %dma_start3A_441 = tpu.memref_squeeze %dma_start3A_440 : memref<1x125xi32, #tpu.memory_space<vmem>> -> memref<125xi32, #tpu.memory_space<vmem>>
      %dma_start3A_442 = arith.constant 0 : i32
      %dma_start3A_443 = arith.constant 0 : i32
      %dma_start3A_444 = tpu.memref_slice %arg2[%dma_start3A_442, %dma_start3A_443] : memref<20000x128xf32, #tpu.memory_space<hbm>> -> memref<20000x128xf32, #tpu.memory_space<hbm>>
      tpu.enqueue_indirect_dma source(%dma_start3A_444 : memref<20000x128xf32, #tpu.memory_space<hbm>>) target(%arg11 : memref<125x128xf32, #tpu.memory_space<vmem>>) offsets(%dma_start3A_441 : memref<125xi32, #tpu.memory_space<vmem>>) semaphore(%arg16 : memref<!tpu.dma_semaphore, #tpu.memory_space<semaphore_mem>>)
      %dma_wait3A_445 = arith.constant 4 : i32
      %dma_wait3A_446 = arith.constant 0 : i32
      %dma_wait3A_447 = tpu.memref_slice %arg8[%dma_wait3A_445, %dma_wait3A_446] : memref<20x125xi32, #tpu.memory_space<vmem>> -> memref<1x125xi32, #tpu.memory_space<vmem>>
      %dma_wait3A_448 = tpu.memref_squeeze %dma_wait3A_447 : memref<1x125xi32, #tpu.memory_space<vmem>> -> memref<125xi32, #tpu.memory_space<vmem>>
      %dma_wait3A_449 = arith.constant 0 : i32
      %dma_wait3A_450 = arith.constant 0 : i32
      %dma_wait3A_451 = tpu.memref_slice %arg2[%dma_wait3A_449, %dma_wait3A_450] : memref<20000x128xf32, #tpu.memory_space<hbm>> -> memref<20000x128xf32, #tpu.memory_space<hbm>>
      tpu.wait_indirect_dma semaphore(%arg15 : memref<!tpu.dma_semaphore, #tpu.memory_space<semaphore_mem>>) src(%dma_wait3A_451 : memref<20000x128xf32, #tpu.memory_space<hbm>>) dst(%arg10 : memref<125x128xf32, #tpu.memory_space<vmem>>)
      %run_scoped3A_452 = arith.constant 4 : i32
      "tpu.region"() ({
        %run_scoped3A_678 = tpu.sem_alloc : memref<!tpu.dma_semaphore, #tpu.memory_space<semaphore_mem>>
        %dma_start3A_679 = arith.constant 0 : i32
        %dma_start3A_680 = tpu.memref_slice %arg9[%run_scoped3A_452, %dma_start3A_679] : memref<20x125xi32, #tpu.memory_space<vmem>> -> memref<1x125xi32, #tpu.memory_space<vmem>>
        %dma_start3A_681 = tpu.memref_squeeze %dma_start3A_680 : memref<1x125xi32, #tpu.memory_space<vmem>> -> memref<125xi32, #tpu.memory_space<vmem>>
        %dma_start3A_682 = arith.constant 0 : i32
        %dma_start3A_683 = arith.constant 0 : i32
        %dma_start3A_684 = tpu.memref_slice %arg12[%dma_start3A_682, %dma_start3A_683] : memref<10000x128xf32, #tpu.memory_space<vmem_shared>> -> memref<10000x128xf32, #tpu.memory_space<vmem_shared>>
        tpu.enqueue_indirect_dma source(%arg10 : memref<125x128xf32, #tpu.memory_space<vmem>>) target(%dma_start3A_684 : memref<10000x128xf32, #tpu.memory_space<vmem_shared>>) offsets(%dma_start3A_681 : memref<125xi32, #tpu.memory_space<vmem>>) semaphore(%run_scoped3A_678 : memref<!tpu.dma_semaphore, #tpu.memory_space<semaphore_mem>>) {add = true}
        %dma_wait3A_685 = arith.constant 0 : i32
        %dma_wait3A_686 = tpu.memref_slice %arg9[%run_scoped3A_452, %dma_wait3A_685] : memref<20x125xi32, #tpu.memory_space<vmem>> -> memref<1x125xi32, #tpu.memory_space<vmem>>
        %dma_wait3A_687 = tpu.memref_squeeze %dma_wait3A_686 : memref<1x125xi32, #tpu.memory_space<vmem>> -> memref<125xi32, #tpu.memory_space<vmem>>
        %dma_wait3A_688 = arith.constant 0 : i32
        %dma_wait3A_689 = arith.constant 0 : i32
        %dma_wait3A_690 = tpu.memref_slice %arg12[%dma_wait3A_688, %dma_wait3A_689] : memref<10000x128xf32, #tpu.memory_space<vmem_shared>> -> memref<10000x128xf32, #tpu.memory_space<vmem_shared>>
        tpu.wait_indirect_dma semaphore(%run_scoped3A_678 : memref<!tpu.dma_semaphore, #tpu.memory_space<semaphore_mem>>) src(%arg10 : memref<125x128xf32, #tpu.memory_space<vmem>>) dst(%dma_wait3A_690 : memref<10000x128xf32, #tpu.memory_space<vmem_shared>>)
        tpu.yield
      }) : () -> ()
      %dma_start3A_453 = arith.constant 6 : i32
      %dma_start3A_454 = arith.constant 0 : i32
      %dma_start3A_455 = tpu.memref_slice %arg8[%dma_start3A_453, %dma_start3A_454] : memref<20x125xi32, #tpu.memory_space<vmem>> -> memref<1x125xi32, #tpu.memory_space<vmem>>
      %dma_start3A_456 = tpu.memref_squeeze %dma_start3A_455 : memref<1x125xi32, #tpu.memory_space<vmem>> -> memref<125xi32, #tpu.memory_space<vmem>>
      %dma_start3A_457 = arith.constant 0 : i32
      %dma_start3A_458 = arith.constant 0 : i32
      %dma_start3A_459 = tpu.memref_slice %arg2[%dma_start3A_457, %dma_start3A_458] : memref<20000x128xf32, #tpu.memory_space<hbm>> -> memref<20000x128xf32, #tpu.memory_space<hbm>>
      tpu.enqueue_indirect_dma source(%dma_start3A_459 : memref<20000x128xf32, #tpu.memory_space<hbm>>) target(%arg10 : memref<125x128xf32, #tpu.memory_space<vmem>>) offsets(%dma_start3A_456 : memref<125xi32, #tpu.memory_space<vmem>>) semaphore(%arg15 : memref<!tpu.dma_semaphore, #tpu.memory_space<semaphore_mem>>)
      %dma_wait3A_460 = arith.constant 5 : i32
      %dma_wait3A_461 = arith.constant 0 : i32
      %dma_wait3A_462 = tpu.memref_slice %arg8[%dma_wait3A_460, %dma_wait3A_461] : memref<20x125xi32, #tpu.memory_space<vmem>> -> memref<1x125xi32, #tpu.memory_space<vmem>>
      %dma_wait3A_463 = tpu.memref_squeeze %dma_wait3A_462 : memref<1x125xi32, #tpu.memory_space<vmem>> -> memref<125xi32, #tpu.memory_space<vmem>>
      %dma_wait3A_464 = arith.constant 0 : i32
      %dma_wait3A_465 = arith.constant 0 : i32
      %dma_wait3A_466 = tpu.memref_slice %arg2[%dma_wait3A_464, %dma_wait3A_465] : memref<20000x128xf32, #tpu.memory_space<hbm>> -> memref<20000x128xf32, #tpu.memory_space<hbm>>
      tpu.wait_indirect_dma semaphore(%arg16 : memref<!tpu.dma_semaphore, #tpu.memory_space<semaphore_mem>>) src(%dma_wait3A_466 : memref<20000x128xf32, #tpu.memory_space<hbm>>) dst(%arg11 : memref<125x128xf32, #tpu.memory_space<vmem>>)
      %run_scoped3A_467 = arith.constant 5 : i32
      "tpu.region"() ({
        %run_scoped3A_678 = tpu.sem_alloc : memref<!tpu.dma_semaphore, #tpu.memory_space<semaphore_mem>>
        %dma_start3A_679 = arith.constant 0 : i32
        %dma_start3A_680 = tpu.memref_slice %arg9[%run_scoped3A_467, %dma_start3A_679] : memref<20x125xi32, #tpu.memory_space<vmem>> -> memref<1x125xi32, #tpu.memory_space<vmem>>
        %dma_start3A_681 = tpu.memref_squeeze %dma_start3A_680 : memref<1x125xi32, #tpu.memory_space<vmem>> -> memref<125xi32, #tpu.memory_space<vmem>>
        %dma_start3A_682 = arith.constant 0 : i32
        %dma_start3A_683 = arith.constant 0 : i32
        %dma_start3A_684 = tpu.memref_slice %arg12[%dma_start3A_682, %dma_start3A_683] : memref<10000x128xf32, #tpu.memory_space<vmem_shared>> -> memref<10000x128xf32, #tpu.memory_space<vmem_shared>>
        tpu.enqueue_indirect_dma source(%arg11 : memref<125x128xf32, #tpu.memory_space<vmem>>) target(%dma_start3A_684 : memref<10000x128xf32, #tpu.memory_space<vmem_shared>>) offsets(%dma_start3A_681 : memref<125xi32, #tpu.memory_space<vmem>>) semaphore(%run_scoped3A_678 : memref<!tpu.dma_semaphore, #tpu.memory_space<semaphore_mem>>) {add = true}
        %dma_wait3A_685 = arith.constant 0 : i32
        %dma_wait3A_686 = tpu.memref_slice %arg9[%run_scoped3A_467, %dma_wait3A_685] : memref<20x125xi32, #tpu.memory_space<vmem>> -> memref<1x125xi32, #tpu.memory_space<vmem>>
        %dma_wait3A_687 = tpu.memref_squeeze %dma_wait3A_686 : memref<1x125xi32, #tpu.memory_space<vmem>> -> memref<125xi32, #tpu.memory_space<vmem>>
        %dma_wait3A_688 = arith.constant 0 : i32
        %dma_wait3A_689 = arith.constant 0 : i32
        %dma_wait3A_690 = tpu.memref_slice %arg12[%dma_wait3A_688, %dma_wait3A_689] : memref<10000x128xf32, #tpu.memory_space<vmem_shared>> -> memref<10000x128xf32, #tpu.memory_space<vmem_shared>>
        tpu.wait_indirect_dma semaphore(%run_scoped3A_678 : memref<!tpu.dma_semaphore, #tpu.memory_space<semaphore_mem>>) src(%arg11 : memref<125x128xf32, #tpu.memory_space<vmem>>) dst(%dma_wait3A_690 : memref<10000x128xf32, #tpu.memory_space<vmem_shared>>)
        tpu.yield
      }) : () -> ()
      %dma_start3A_468 = arith.constant 7 : i32
      %dma_start3A_469 = arith.constant 0 : i32
      %dma_start3A_470 = tpu.memref_slice %arg8[%dma_start3A_468, %dma_start3A_469] : memref<20x125xi32, #tpu.memory_space<vmem>> -> memref<1x125xi32, #tpu.memory_space<vmem>>
      %dma_start3A_471 = tpu.memref_squeeze %dma_start3A_470 : memref<1x125xi32, #tpu.memory_space<vmem>> -> memref<125xi32, #tpu.memory_space<vmem>>
      %dma_start3A_472 = arith.constant 0 : i32
      %dma_start3A_473 = arith.constant 0 : i32
      %dma_start3A_474 = tpu.memref_slice %arg2[%dma_start3A_472, %dma_start3A_473] : memref<20000x128xf32, #tpu.memory_space<hbm>> -> memref<20000x128xf32, #tpu.memory_space<hbm>>
      tpu.enqueue_indirect_dma source(%dma_start3A_474 : memref<20000x128xf32, #tpu.memory_space<hbm>>) target(%arg11 : memref<125x128xf32, #tpu.memory_space<vmem>>) offsets(%dma_start3A_471 : memref<125xi32, #tpu.memory_space<vmem>>) semaphore(%arg16 : memref<!tpu.dma_semaphore, #tpu.memory_space<semaphore_mem>>)
      %dma_wait3A_475 = arith.constant 6 : i32
      %dma_wait3A_476 = arith.constant 0 : i32
      %dma_wait3A_477 = tpu.memref_slice %arg8[%dma_wait3A_475, %dma_wait3A_476] : memref<20x125xi32, #tpu.memory_space<vmem>> -> memref<1x125xi32, #tpu.memory_space<vmem>>
      %dma_wait3A_478 = tpu.memref_squeeze %dma_wait3A_477 : memref<1x125xi32, #tpu.memory_space<vmem>> -> memref<125xi32, #tpu.memory_space<vmem>>
      %dma_wait3A_479 = arith.constant 0 : i32
      %dma_wait3A_480 = arith.constant 0 : i32
      %dma_wait3A_481 = tpu.memref_slice %arg2[%dma_wait3A_479, %dma_wait3A_480] : memref<20000x128xf32, #tpu.memory_space<hbm>> -> memref<20000x128xf32, #tpu.memory_space<hbm>>
      tpu.wait_indirect_dma semaphore(%arg15 : memref<!tpu.dma_semaphore, #tpu.memory_space<semaphore_mem>>) src(%dma_wait3A_481 : memref<20000x128xf32, #tpu.memory_space<hbm>>) dst(%arg10 : memref<125x128xf32, #tpu.memory_space<vmem>>)
      %run_scoped3A_482 = arith.constant 6 : i32
      "tpu.region"() ({
        %run_scoped3A_678 = tpu.sem_alloc : memref<!tpu.dma_semaphore, #tpu.memory_space<semaphore_mem>>
        %dma_start3A_679 = arith.constant 0 : i32
        %dma_start3A_680 = tpu.memref_slice %arg9[%run_scoped3A_482, %dma_start3A_679] : memref<20x125xi32, #tpu.memory_space<vmem>> -> memref<1x125xi32, #tpu.memory_space<vmem>>
        %dma_start3A_681 = tpu.memref_squeeze %dma_start3A_680 : memref<1x125xi32, #tpu.memory_space<vmem>> -> memref<125xi32, #tpu.memory_space<vmem>>
        %dma_start3A_682 = arith.constant 0 : i32
        %dma_start3A_683 = arith.constant 0 : i32
        %dma_start3A_684 = tpu.memref_slice %arg12[%dma_start3A_682, %dma_start3A_683] : memref<10000x128xf32, #tpu.memory_space<vmem_shared>> -> memref<10000x128xf32, #tpu.memory_space<vmem_shared>>
        tpu.enqueue_indirect_dma source(%arg10 : memref<125x128xf32, #tpu.memory_space<vmem>>) target(%dma_start3A_684 : memref<10000x128xf32, #tpu.memory_space<vmem_shared>>) offsets(%dma_start3A_681 : memref<125xi32, #tpu.memory_space<vmem>>) semaphore(%run_scoped3A_678 : memref<!tpu.dma_semaphore, #tpu.memory_space<semaphore_mem>>) {add = true}
        %dma_wait3A_685 = arith.constant 0 : i32
        %dma_wait3A_686 = tpu.memref_slice %arg9[%run_scoped3A_482, %dma_wait3A_685] : memref<20x125xi32, #tpu.memory_space<vmem>> -> memref<1x125xi32, #tpu.memory_space<vmem>>
        %dma_wait3A_687 = tpu.memref_squeeze %dma_wait3A_686 : memref<1x125xi32, #tpu.memory_space<vmem>> -> memref<125xi32, #tpu.memory_space<vmem>>
        %dma_wait3A_688 = arith.constant 0 : i32
        %dma_wait3A_689 = arith.constant 0 : i32
        %dma_wait3A_690 = tpu.memref_slice %arg12[%dma_wait3A_688, %dma_wait3A_689] : memref<10000x128xf32, #tpu.memory_space<vmem_shared>> -> memref<10000x128xf32, #tpu.memory_space<vmem_shared>>
        tpu.wait_indirect_dma semaphore(%run_scoped3A_678 : memref<!tpu.dma_semaphore, #tpu.memory_space<semaphore_mem>>) src(%arg10 : memref<125x128xf32, #tpu.memory_space<vmem>>) dst(%dma_wait3A_690 : memref<10000x128xf32, #tpu.memory_space<vmem_shared>>)
        tpu.yield
      }) : () -> ()
      %dma_start3A_483 = arith.constant 8 : i32
      %dma_start3A_484 = arith.constant 0 : i32
      %dma_start3A_485 = tpu.memref_slice %arg8[%dma_start3A_483, %dma_start3A_484] : memref<20x125xi32, #tpu.memory_space<vmem>> -> memref<1x125xi32, #tpu.memory_space<vmem>>
      %dma_start3A_486 = tpu.memref_squeeze %dma_start3A_485 : memref<1x125xi32, #tpu.memory_space<vmem>> -> memref<125xi32, #tpu.memory_space<vmem>>
      %dma_start3A_487 = arith.constant 0 : i32
      %dma_start3A_488 = arith.constant 0 : i32
      %dma_start3A_489 = tpu.memref_slice %arg2[%dma_start3A_487, %dma_start3A_488] : memref<20000x128xf32, #tpu.memory_space<hbm>> -> memref<20000x128xf32, #tpu.memory_space<hbm>>
      tpu.enqueue_indirect_dma source(%dma_start3A_489 : memref<20000x128xf32, #tpu.memory_space<hbm>>) target(%arg10 : memref<125x128xf32, #tpu.memory_space<vmem>>) offsets(%dma_start3A_486 : memref<125xi32, #tpu.memory_space<vmem>>) semaphore(%arg15 : memref<!tpu.dma_semaphore, #tpu.memory_space<semaphore_mem>>)
      %dma_wait3A_490 = arith.constant 7 : i32
      %dma_wait3A_491 = arith.constant 0 : i32
      %dma_wait3A_492 = tpu.memref_slice %arg8[%dma_wait3A_490, %dma_wait3A_491] : memref<20x125xi32, #tpu.memory_space<vmem>> -> memref<1x125xi32, #tpu.memory_space<vmem>>
      %dma_wait3A_493 = tpu.memref_squeeze %dma_wait3A_492 : memref<1x125xi32, #tpu.memory_space<vmem>> -> memref<125xi32, #tpu.memory_space<vmem>>
      %dma_wait3A_494 = arith.constant 0 : i32
      %dma_wait3A_495 = arith.constant 0 : i32
      %dma_wait3A_496 = tpu.memref_slice %arg2[%dma_wait3A_494, %dma_wait3A_495] : memref<20000x128xf32, #tpu.memory_space<hbm>> -> memref<20000x128xf32, #tpu.memory_space<hbm>>
      tpu.wait_indirect_dma semaphore(%arg16 : memref<!tpu.dma_semaphore, #tpu.memory_space<semaphore_mem>>) src(%dma_wait3A_496 : memref<20000x128xf32, #tpu.memory_space<hbm>>) dst(%arg11 : memref<125x128xf32, #tpu.memory_space<vmem>>)
      %run_scoped3A_497 = arith.constant 7 : i32
      "tpu.region"() ({
        %run_scoped3A_678 = tpu.sem_alloc : memref<!tpu.dma_semaphore, #tpu.memory_space<semaphore_mem>>
        %dma_start3A_679 = arith.constant 0 : i32
        %dma_start3A_680 = tpu.memref_slice %arg9[%run_scoped3A_497, %dma_start3A_679] : memref<20x125xi32, #tpu.memory_space<vmem>> -> memref<1x125xi32, #tpu.memory_space<vmem>>
        %dma_start3A_681 = tpu.memref_squeeze %dma_start3A_680 : memref<1x125xi32, #tpu.memory_space<vmem>> -> memref<125xi32, #tpu.memory_space<vmem>>
        %dma_start3A_682 = arith.constant 0 : i32
        %dma_start3A_683 = arith.constant 0 : i32
        %dma_start3A_684 = tpu.memref_slice %arg12[%dma_start3A_682, %dma_start3A_683] : memref<10000x128xf32, #tpu.memory_space<vmem_shared>> -> memref<10000x128xf32, #tpu.memory_space<vmem_shared>>
        tpu.enqueue_indirect_dma source(%arg11 : memref<125x128xf32, #tpu.memory_space<vmem>>) target(%dma_start3A_684 : memref<10000x128xf32, #tpu.memory_space<vmem_shared>>) offsets(%dma_start3A_681 : memref<125xi32, #tpu.memory_space<vmem>>) semaphore(%run_scoped3A_678 : memref<!tpu.dma_semaphore, #tpu.memory_space<semaphore_mem>>) {add = true}
        %dma_wait3A_685 = arith.constant 0 : i32
        %dma_wait3A_686 = tpu.memref_slice %arg9[%run_scoped3A_497, %dma_wait3A_685] : memref<20x125xi32, #tpu.memory_space<vmem>> -> memref<1x125xi32, #tpu.memory_space<vmem>>
        %dma_wait3A_687 = tpu.memref_squeeze %dma_wait3A_686 : memref<1x125xi32, #tpu.memory_space<vmem>> -> memref<125xi32, #tpu.memory_space<vmem>>
        %dma_wait3A_688 = arith.constant 0 : i32
        %dma_wait3A_689 = arith.constant 0 : i32
        %dma_wait3A_690 = tpu.memref_slice %arg12[%dma_wait3A_688, %dma_wait3A_689] : memref<10000x128xf32, #tpu.memory_space<vmem_shared>> -> memref<10000x128xf32, #tpu.memory_space<vmem_shared>>
        tpu.wait_indirect_dma semaphore(%run_scoped3A_678 : memref<!tpu.dma_semaphore, #tpu.memory_space<semaphore_mem>>) src(%arg11 : memref<125x128xf32, #tpu.memory_space<vmem>>) dst(%dma_wait3A_690 : memref<10000x128xf32, #tpu.memory_space<vmem_shared>>)
        tpu.yield
      }) : () -> ()
      %dma_start3A_498 = arith.constant 9 : i32
      %dma_start3A_499 = arith.constant 0 : i32
      %dma_start3A_500 = tpu.memref_slice %arg8[%dma_start3A_498, %dma_start3A_499] : memref<20x125xi32, #tpu.memory_space<vmem>> -> memref<1x125xi32, #tpu.memory_space<vmem>>
      %dma_start3A_501 = tpu.memref_squeeze %dma_start3A_500 : memref<1x125xi32, #tpu.memory_space<vmem>> -> memref<125xi32, #tpu.memory_space<vmem>>
      %dma_start3A_502 = arith.constant 0 : i32
      %dma_start3A_503 = arith.constant 0 : i32
      %dma_start3A_504 = tpu.memref_slice %arg2[%dma_start3A_502, %dma_start3A_503] : memref<20000x128xf32, #tpu.memory_space<hbm>> -> memref<20000x128xf32, #tpu.memory_space<hbm>>
      tpu.enqueue_indirect_dma source(%dma_start3A_504 : memref<20000x128xf32, #tpu.memory_space<hbm>>) target(%arg11 : memref<125x128xf32, #tpu.memory_space<vmem>>) offsets(%dma_start3A_501 : memref<125xi32, #tpu.memory_space<vmem>>) semaphore(%arg16 : memref<!tpu.dma_semaphore, #tpu.memory_space<semaphore_mem>>)
      %dma_wait3A_505 = arith.constant 8 : i32
      %dma_wait3A_506 = arith.constant 0 : i32
      %dma_wait3A_507 = tpu.memref_slice %arg8[%dma_wait3A_505, %dma_wait3A_506] : memref<20x125xi32, #tpu.memory_space<vmem>> -> memref<1x125xi32, #tpu.memory_space<vmem>>
      %dma_wait3A_508 = tpu.memref_squeeze %dma_wait3A_507 : memref<1x125xi32, #tpu.memory_space<vmem>> -> memref<125xi32, #tpu.memory_space<vmem>>
      %dma_wait3A_509 = arith.constant 0 : i32
      %dma_wait3A_510 = arith.constant 0 : i32
      %dma_wait3A_511 = tpu.memref_slice %arg2[%dma_wait3A_509, %dma_wait3A_510] : memref<20000x128xf32, #tpu.memory_space<hbm>> -> memref<20000x128xf32, #tpu.memory_space<hbm>>
      tpu.wait_indirect_dma semaphore(%arg15 : memref<!tpu.dma_semaphore, #tpu.memory_space<semaphore_mem>>) src(%dma_wait3A_511 : memref<20000x128xf32, #tpu.memory_space<hbm>>) dst(%arg10 : memref<125x128xf32, #tpu.memory_space<vmem>>)
      %run_scoped3A_512 = arith.constant 8 : i32
      "tpu.region"() ({
        %run_scoped3A_678 = tpu.sem_alloc : memref<!tpu.dma_semaphore, #tpu.memory_space<semaphore_mem>>
        %dma_start3A_679 = arith.constant 0 : i32
        %dma_start3A_680 = tpu.memref_slice %arg9[%run_scoped3A_512, %dma_start3A_679] : memref<20x125xi32, #tpu.memory_space<vmem>> -> memref<1x125xi32, #tpu.memory_space<vmem>>
        %dma_start3A_681 = tpu.memref_squeeze %dma_start3A_680 : memref<1x125xi32, #tpu.memory_space<vmem>> -> memref<125xi32, #tpu.memory_space<vmem>>
        %dma_start3A_682 = arith.constant 0 : i32
        %dma_start3A_683 = arith.constant 0 : i32
        %dma_start3A_684 = tpu.memref_slice %arg12[%dma_start3A_682, %dma_start3A_683] : memref<10000x128xf32, #tpu.memory_space<vmem_shared>> -> memref<10000x128xf32, #tpu.memory_space<vmem_shared>>
        tpu.enqueue_indirect_dma source(%arg10 : memref<125x128xf32, #tpu.memory_space<vmem>>) target(%dma_start3A_684 : memref<10000x128xf32, #tpu.memory_space<vmem_shared>>) offsets(%dma_start3A_681 : memref<125xi32, #tpu.memory_space<vmem>>) semaphore(%run_scoped3A_678 : memref<!tpu.dma_semaphore, #tpu.memory_space<semaphore_mem>>) {add = true}
        %dma_wait3A_685 = arith.constant 0 : i32
        %dma_wait3A_686 = tpu.memref_slice %arg9[%run_scoped3A_512, %dma_wait3A_685] : memref<20x125xi32, #tpu.memory_space<vmem>> -> memref<1x125xi32, #tpu.memory_space<vmem>>
        %dma_wait3A_687 = tpu.memref_squeeze %dma_wait3A_686 : memref<1x125xi32, #tpu.memory_space<vmem>> -> memref<125xi32, #tpu.memory_space<vmem>>
        %dma_wait3A_688 = arith.constant 0 : i32
        %dma_wait3A_689 = arith.constant 0 : i32
        %dma_wait3A_690 = tpu.memref_slice %arg12[%dma_wait3A_688, %dma_wait3A_689] : memref<10000x128xf32, #tpu.memory_space<vmem_shared>> -> memref<10000x128xf32, #tpu.memory_space<vmem_shared>>
        tpu.wait_indirect_dma semaphore(%run_scoped3A_678 : memref<!tpu.dma_semaphore, #tpu.memory_space<semaphore_mem>>) src(%arg10 : memref<125x128xf32, #tpu.memory_space<vmem>>) dst(%dma_wait3A_690 : memref<10000x128xf32, #tpu.memory_space<vmem_shared>>)
        tpu.yield
      }) : () -> ()
      %dma_start3A_513 = arith.constant 10 : i32
      %dma_start3A_514 = arith.constant 0 : i32
      %dma_start3A_515 = tpu.memref_slice %arg8[%dma_start3A_513, %dma_start3A_514] : memref<20x125xi32, #tpu.memory_space<vmem>> -> memref<1x125xi32, #tpu.memory_space<vmem>>
      %dma_start3A_516 = tpu.memref_squeeze %dma_start3A_515 : memref<1x125xi32, #tpu.memory_space<vmem>> -> memref<125xi32, #tpu.memory_space<vmem>>
      %dma_start3A_517 = arith.constant 0 : i32
      %dma_start3A_518 = arith.constant 0 : i32
      %dma_start3A_519 = tpu.memref_slice %arg2[%dma_start3A_517, %dma_start3A_518] : memref<20000x128xf32, #tpu.memory_space<hbm>> -> memref<20000x128xf32, #tpu.memory_space<hbm>>
      tpu.enqueue_indirect_dma source(%dma_start3A_519 : memref<20000x128xf32, #tpu.memory_space<hbm>>) target(%arg10 : memref<125x128xf32, #tpu.memory_space<vmem>>) offsets(%dma_start3A_516 : memref<125xi32, #tpu.memory_space<vmem>>) semaphore(%arg15 : memref<!tpu.dma_semaphore, #tpu.memory_space<semaphore_mem>>)
      %dma_wait3A_520 = arith.constant 9 : i32
      %dma_wait3A_521 = arith.constant 0 : i32
      %dma_wait3A_522 = tpu.memref_slice %arg8[%dma_wait3A_520, %dma_wait3A_521] : memref<20x125xi32, #tpu.memory_space<vmem>> -> memref<1x125xi32, #tpu.memory_space<vmem>>
      %dma_wait3A_523 = tpu.memref_squeeze %dma_wait3A_522 : memref<1x125xi32, #tpu.memory_space<vmem>> -> memref<125xi32, #tpu.memory_space<vmem>>
      %dma_wait3A_524 = arith.constant 0 : i32
      %dma_wait3A_525 = arith.constant 0 : i32
      %dma_wait3A_526 = tpu.memref_slice %arg2[%dma_wait3A_524, %dma_wait3A_525] : memref<20000x128xf32, #tpu.memory_space<hbm>> -> memref<20000x128xf32, #tpu.memory_space<hbm>>
      tpu.wait_indirect_dma semaphore(%arg16 : memref<!tpu.dma_semaphore, #tpu.memory_space<semaphore_mem>>) src(%dma_wait3A_526 : memref<20000x128xf32, #tpu.memory_space<hbm>>) dst(%arg11 : memref<125x128xf32, #tpu.memory_space<vmem>>)
      %run_scoped3A_527 = arith.constant 9 : i32
      "tpu.region"() ({
        %run_scoped3A_678 = tpu.sem_alloc : memref<!tpu.dma_semaphore, #tpu.memory_space<semaphore_mem>>
        %dma_start3A_679 = arith.constant 0 : i32
        %dma_start3A_680 = tpu.memref_slice %arg9[%run_scoped3A_527, %dma_start3A_679] : memref<20x125xi32, #tpu.memory_space<vmem>> -> memref<1x125xi32, #tpu.memory_space<vmem>>
        %dma_start3A_681 = tpu.memref_squeeze %dma_start3A_680 : memref<1x125xi32, #tpu.memory_space<vmem>> -> memref<125xi32, #tpu.memory_space<vmem>>
        %dma_start3A_682 = arith.constant 0 : i32
        %dma_start3A_683 = arith.constant 0 : i32
        %dma_start3A_684 = tpu.memref_slice %arg12[%dma_start3A_682, %dma_start3A_683] : memref<10000x128xf32, #tpu.memory_space<vmem_shared>> -> memref<10000x128xf32, #tpu.memory_space<vmem_shared>>
        tpu.enqueue_indirect_dma source(%arg11 : memref<125x128xf32, #tpu.memory_space<vmem>>) target(%dma_start3A_684 : memref<10000x128xf32, #tpu.memory_space<vmem_shared>>) offsets(%dma_start3A_681 : memref<125xi32, #tpu.memory_space<vmem>>) semaphore(%run_scoped3A_678 : memref<!tpu.dma_semaphore, #tpu.memory_space<semaphore_mem>>) {add = true}
        %dma_wait3A_685 = arith.constant 0 : i32
        %dma_wait3A_686 = tpu.memref_slice %arg9[%run_scoped3A_527, %dma_wait3A_685] : memref<20x125xi32, #tpu.memory_space<vmem>> -> memref<1x125xi32, #tpu.memory_space<vmem>>
        %dma_wait3A_687 = tpu.memref_squeeze %dma_wait3A_686 : memref<1x125xi32, #tpu.memory_space<vmem>> -> memref<125xi32, #tpu.memory_space<vmem>>
        %dma_wait3A_688 = arith.constant 0 : i32
        %dma_wait3A_689 = arith.constant 0 : i32
        %dma_wait3A_690 = tpu.memref_slice %arg12[%dma_wait3A_688, %dma_wait3A_689] : memref<10000x128xf32, #tpu.memory_space<vmem_shared>> -> memref<10000x128xf32, #tpu.memory_space<vmem_shared>>
        tpu.wait_indirect_dma semaphore(%run_scoped3A_678 : memref<!tpu.dma_semaphore, #tpu.memory_space<semaphore_mem>>) src(%arg11 : memref<125x128xf32, #tpu.memory_space<vmem>>) dst(%dma_wait3A_690 : memref<10000x128xf32, #tpu.memory_space<vmem_shared>>)
        tpu.yield
      }) : () -> ()
      %dma_start3A_528 = arith.constant 11 : i32
      %dma_start3A_529 = arith.constant 0 : i32
      %dma_start3A_530 = tpu.memref_slice %arg8[%dma_start3A_528, %dma_start3A_529] : memref<20x125xi32, #tpu.memory_space<vmem>> -> memref<1x125xi32, #tpu.memory_space<vmem>>
      %dma_start3A_531 = tpu.memref_squeeze %dma_start3A_530 : memref<1x125xi32, #tpu.memory_space<vmem>> -> memref<125xi32, #tpu.memory_space<vmem>>
      %dma_start3A_532 = arith.constant 0 : i32
      %dma_start3A_533 = arith.constant 0 : i32
      %dma_start3A_534 = tpu.memref_slice %arg2[%dma_start3A_532, %dma_start3A_533] : memref<20000x128xf32, #tpu.memory_space<hbm>> -> memref<20000x128xf32, #tpu.memory_space<hbm>>
      tpu.enqueue_indirect_dma source(%dma_start3A_534 : memref<20000x128xf32, #tpu.memory_space<hbm>>) target(%arg11 : memref<125x128xf32, #tpu.memory_space<vmem>>) offsets(%dma_start3A_531 : memref<125xi32, #tpu.memory_space<vmem>>) semaphore(%arg16 : memref<!tpu.dma_semaphore, #tpu.memory_space<semaphore_mem>>)
      %dma_wait3A_535 = arith.constant 10 : i32
      %dma_wait3A_536 = arith.constant 0 : i32
      %dma_wait3A_537 = tpu.memref_slice %arg8[%dma_wait3A_535, %dma_wait3A_536] : memref<20x125xi32, #tpu.memory_space<vmem>> -> memref<1x125xi32, #tpu.memory_space<vmem>>
      %dma_wait3A_538 = tpu.memref_squeeze %dma_wait3A_537 : memref<1x125xi32, #tpu.memory_space<vmem>> -> memref<125xi32, #tpu.memory_space<vmem>>
      %dma_wait3A_539 = arith.constant 0 : i32
      %dma_wait3A_540 = arith.constant 0 : i32
      %dma_wait3A_541 = tpu.memref_slice %arg2[%dma_wait3A_539, %dma_wait3A_540] : memref<20000x128xf32, #tpu.memory_space<hbm>> -> memref<20000x128xf32, #tpu.memory_space<hbm>>
      tpu.wait_indirect_dma semaphore(%arg15 : memref<!tpu.dma_semaphore, #tpu.memory_space<semaphore_mem>>) src(%dma_wait3A_541 : memref<20000x128xf32, #tpu.memory_space<hbm>>) dst(%arg10 : memref<125x128xf32, #tpu.memory_space<vmem>>)
      %run_scoped3A_542 = arith.constant 10 : i32
      "tpu.region"() ({
        %run_scoped3A_678 = tpu.sem_alloc : memref<!tpu.dma_semaphore, #tpu.memory_space<semaphore_mem>>
        %dma_start3A_679 = arith.constant 0 : i32
        %dma_start3A_680 = tpu.memref_slice %arg9[%run_scoped3A_542, %dma_start3A_679] : memref<20x125xi32, #tpu.memory_space<vmem>> -> memref<1x125xi32, #tpu.memory_space<vmem>>
        %dma_start3A_681 = tpu.memref_squeeze %dma_start3A_680 : memref<1x125xi32, #tpu.memory_space<vmem>> -> memref<125xi32, #tpu.memory_space<vmem>>
        %dma_start3A_682 = arith.constant 0 : i32
        %dma_start3A_683 = arith.constant 0 : i32
        %dma_start3A_684 = tpu.memref_slice %arg12[%dma_start3A_682, %dma_start3A_683] : memref<10000x128xf32, #tpu.memory_space<vmem_shared>> -> memref<10000x128xf32, #tpu.memory_space<vmem_shared>>
        tpu.enqueue_indirect_dma source(%arg10 : memref<125x128xf32, #tpu.memory_space<vmem>>) target(%dma_start3A_684 : memref<10000x128xf32, #tpu.memory_space<vmem_shared>>) offsets(%dma_start3A_681 : memref<125xi32, #tpu.memory_space<vmem>>) semaphore(%run_scoped3A_678 : memref<!tpu.dma_semaphore, #tpu.memory_space<semaphore_mem>>) {add = true}
        %dma_wait3A_685 = arith.constant 0 : i32
        %dma_wait3A_686 = tpu.memref_slice %arg9[%run_scoped3A_542, %dma_wait3A_685] : memref<20x125xi32, #tpu.memory_space<vmem>> -> memref<1x125xi32, #tpu.memory_space<vmem>>
        %dma_wait3A_687 = tpu.memref_squeeze %dma_wait3A_686 : memref<1x125xi32, #tpu.memory_space<vmem>> -> memref<125xi32, #tpu.memory_space<vmem>>
        %dma_wait3A_688 = arith.constant 0 : i32
        %dma_wait3A_689 = arith.constant 0 : i32
        %dma_wait3A_690 = tpu.memref_slice %arg12[%dma_wait3A_688, %dma_wait3A_689] : memref<10000x128xf32, #tpu.memory_space<vmem_shared>> -> memref<10000x128xf32, #tpu.memory_space<vmem_shared>>
        tpu.wait_indirect_dma semaphore(%run_scoped3A_678 : memref<!tpu.dma_semaphore, #tpu.memory_space<semaphore_mem>>) src(%arg10 : memref<125x128xf32, #tpu.memory_space<vmem>>) dst(%dma_wait3A_690 : memref<10000x128xf32, #tpu.memory_space<vmem_shared>>)
        tpu.yield
      }) : () -> ()
      %dma_start3A_543 = arith.constant 12 : i32
      %dma_start3A_544 = arith.constant 0 : i32
      %dma_start3A_545 = tpu.memref_slice %arg8[%dma_start3A_543, %dma_start3A_544] : memref<20x125xi32, #tpu.memory_space<vmem>> -> memref<1x125xi32, #tpu.memory_space<vmem>>
      %dma_start3A_546 = tpu.memref_squeeze %dma_start3A_545 : memref<1x125xi32, #tpu.memory_space<vmem>> -> memref<125xi32, #tpu.memory_space<vmem>>
      %dma_start3A_547 = arith.constant 0 : i32
      %dma_start3A_548 = arith.constant 0 : i32
      %dma_start3A_549 = tpu.memref_slice %arg2[%dma_start3A_547, %dma_start3A_548] : memref<20000x128xf32, #tpu.memory_space<hbm>> -> memref<20000x128xf32, #tpu.memory_space<hbm>>
      tpu.enqueue_indirect_dma source(%dma_start3A_549 : memref<20000x128xf32, #tpu.memory_space<hbm>>) target(%arg10 : memref<125x128xf32, #tpu.memory_space<vmem>>) offsets(%dma_start3A_546 : memref<125xi32, #tpu.memory_space<vmem>>) semaphore(%arg15 : memref<!tpu.dma_semaphore, #tpu.memory_space<semaphore_mem>>)
      %dma_wait3A_550 = arith.constant 11 : i32
      %dma_wait3A_551 = arith.constant 0 : i32
      %dma_wait3A_552 = tpu.memref_slice %arg8[%dma_wait3A_550, %dma_wait3A_551] : memref<20x125xi32, #tpu.memory_space<vmem>> -> memref<1x125xi32, #tpu.memory_space<vmem>>
      %dma_wait3A_553 = tpu.memref_squeeze %dma_wait3A_552 : memref<1x125xi32, #tpu.memory_space<vmem>> -> memref<125xi32, #tpu.memory_space<vmem>>
      %dma_wait3A_554 = arith.constant 0 : i32
      %dma_wait3A_555 = arith.constant 0 : i32
      %dma_wait3A_556 = tpu.memref_slice %arg2[%dma_wait3A_554, %dma_wait3A_555] : memref<20000x128xf32, #tpu.memory_space<hbm>> -> memref<20000x128xf32, #tpu.memory_space<hbm>>
      tpu.wait_indirect_dma semaphore(%arg16 : memref<!tpu.dma_semaphore, #tpu.memory_space<semaphore_mem>>) src(%dma_wait3A_556 : memref<20000x128xf32, #tpu.memory_space<hbm>>) dst(%arg11 : memref<125x128xf32, #tpu.memory_space<vmem>>)
      %run_scoped3A_557 = arith.constant 11 : i32
      "tpu.region"() ({
        %run_scoped3A_678 = tpu.sem_alloc : memref<!tpu.dma_semaphore, #tpu.memory_space<semaphore_mem>>
        %dma_start3A_679 = arith.constant 0 : i32
        %dma_start3A_680 = tpu.memref_slice %arg9[%run_scoped3A_557, %dma_start3A_679] : memref<20x125xi32, #tpu.memory_space<vmem>> -> memref<1x125xi32, #tpu.memory_space<vmem>>
        %dma_start3A_681 = tpu.memref_squeeze %dma_start3A_680 : memref<1x125xi32, #tpu.memory_space<vmem>> -> memref<125xi32, #tpu.memory_space<vmem>>
        %dma_start3A_682 = arith.constant 0 : i32
        %dma_start3A_683 = arith.constant 0 : i32
        %dma_start3A_684 = tpu.memref_slice %arg12[%dma_start3A_682, %dma_start3A_683] : memref<10000x128xf32, #tpu.memory_space<vmem_shared>> -> memref<10000x128xf32, #tpu.memory_space<vmem_shared>>
        tpu.enqueue_indirect_dma source(%arg11 : memref<125x128xf32, #tpu.memory_space<vmem>>) target(%dma_start3A_684 : memref<10000x128xf32, #tpu.memory_space<vmem_shared>>) offsets(%dma_start3A_681 : memref<125xi32, #tpu.memory_space<vmem>>) semaphore(%run_scoped3A_678 : memref<!tpu.dma_semaphore, #tpu.memory_space<semaphore_mem>>) {add = true}
        %dma_wait3A_685 = arith.constant 0 : i32
        %dma_wait3A_686 = tpu.memref_slice %arg9[%run_scoped3A_557, %dma_wait3A_685] : memref<20x125xi32, #tpu.memory_space<vmem>> -> memref<1x125xi32, #tpu.memory_space<vmem>>
        %dma_wait3A_687 = tpu.memref_squeeze %dma_wait3A_686 : memref<1x125xi32, #tpu.memory_space<vmem>> -> memref<125xi32, #tpu.memory_space<vmem>>
        %dma_wait3A_688 = arith.constant 0 : i32
        %dma_wait3A_689 = arith.constant 0 : i32
        %dma_wait3A_690 = tpu.memref_slice %arg12[%dma_wait3A_688, %dma_wait3A_689] : memref<10000x128xf32, #tpu.memory_space<vmem_shared>> -> memref<10000x128xf32, #tpu.memory_space<vmem_shared>>
        tpu.wait_indirect_dma semaphore(%run_scoped3A_678 : memref<!tpu.dma_semaphore, #tpu.memory_space<semaphore_mem>>) src(%arg11 : memref<125x128xf32, #tpu.memory_space<vmem>>) dst(%dma_wait3A_690 : memref<10000x128xf32, #tpu.memory_space<vmem_shared>>)
        tpu.yield
      }) : () -> ()
      %dma_start3A_558 = arith.constant 13 : i32
      %dma_start3A_559 = arith.constant 0 : i32
      %dma_start3A_560 = tpu.memref_slice %arg8[%dma_start3A_558, %dma_start3A_559] : memref<20x125xi32, #tpu.memory_space<vmem>> -> memref<1x125xi32, #tpu.memory_space<vmem>>
      %dma_start3A_561 = tpu.memref_squeeze %dma_start3A_560 : memref<1x125xi32, #tpu.memory_space<vmem>> -> memref<125xi32, #tpu.memory_space<vmem>>
      %dma_start3A_562 = arith.constant 0 : i32
      %dma_start3A_563 = arith.constant 0 : i32
      %dma_start3A_564 = tpu.memref_slice %arg2[%dma_start3A_562, %dma_start3A_563] : memref<20000x128xf32, #tpu.memory_space<hbm>> -> memref<20000x128xf32, #tpu.memory_space<hbm>>
      tpu.enqueue_indirect_dma source(%dma_start3A_564 : memref<20000x128xf32, #tpu.memory_space<hbm>>) target(%arg11 : memref<125x128xf32, #tpu.memory_space<vmem>>) offsets(%dma_start3A_561 : memref<125xi32, #tpu.memory_space<vmem>>) semaphore(%arg16 : memref<!tpu.dma_semaphore, #tpu.memory_space<semaphore_mem>>)
      %dma_wait3A_565 = arith.constant 12 : i32
      %dma_wait3A_566 = arith.constant 0 : i32
      %dma_wait3A_567 = tpu.memref_slice %arg8[%dma_wait3A_565, %dma_wait3A_566] : memref<20x125xi32, #tpu.memory_space<vmem>> -> memref<1x125xi32, #tpu.memory_space<vmem>>
      %dma_wait3A_568 = tpu.memref_squeeze %dma_wait3A_567 : memref<1x125xi32, #tpu.memory_space<vmem>> -> memref<125xi32, #tpu.memory_space<vmem>>
      %dma_wait3A_569 = arith.constant 0 : i32
      %dma_wait3A_570 = arith.constant 0 : i32
      %dma_wait3A_571 = tpu.memref_slice %arg2[%dma_wait3A_569, %dma_wait3A_570] : memref<20000x128xf32, #tpu.memory_space<hbm>> -> memref<20000x128xf32, #tpu.memory_space<hbm>>
      tpu.wait_indirect_dma semaphore(%arg15 : memref<!tpu.dma_semaphore, #tpu.memory_space<semaphore_mem>>) src(%dma_wait3A_571 : memref<20000x128xf32, #tpu.memory_space<hbm>>) dst(%arg10 : memref<125x128xf32, #tpu.memory_space<vmem>>)
      %run_scoped3A_572 = arith.constant 12 : i32
      "tpu.region"() ({
        %run_scoped3A_678 = tpu.sem_alloc : memref<!tpu.dma_semaphore, #tpu.memory_space<semaphore_mem>>
        %dma_start3A_679 = arith.constant 0 : i32
        %dma_start3A_680 = tpu.memref_slice %arg9[%run_scoped3A_572, %dma_start3A_679] : memref<20x125xi32, #tpu.memory_space<vmem>> -> memref<1x125xi32, #tpu.memory_space<vmem>>
        %dma_start3A_681 = tpu.memref_squeeze %dma_start3A_680 : memref<1x125xi32, #tpu.memory_space<vmem>> -> memref<125xi32, #tpu.memory_space<vmem>>
        %dma_start3A_682 = arith.constant 0 : i32
        %dma_start3A_683 = arith.constant 0 : i32
        %dma_start3A_684 = tpu.memref_slice %arg12[%dma_start3A_682, %dma_start3A_683] : memref<10000x128xf32, #tpu.memory_space<vmem_shared>> -> memref<10000x128xf32, #tpu.memory_space<vmem_shared>>
        tpu.enqueue_indirect_dma source(%arg10 : memref<125x128xf32, #tpu.memory_space<vmem>>) target(%dma_start3A_684 : memref<10000x128xf32, #tpu.memory_space<vmem_shared>>) offsets(%dma_start3A_681 : memref<125xi32, #tpu.memory_space<vmem>>) semaphore(%run_scoped3A_678 : memref<!tpu.dma_semaphore, #tpu.memory_space<semaphore_mem>>) {add = true}
        %dma_wait3A_685 = arith.constant 0 : i32
        %dma_wait3A_686 = tpu.memref_slice %arg9[%run_scoped3A_572, %dma_wait3A_685] : memref<20x125xi32, #tpu.memory_space<vmem>> -> memref<1x125xi32, #tpu.memory_space<vmem>>
        %dma_wait3A_687 = tpu.memref_squeeze %dma_wait3A_686 : memref<1x125xi32, #tpu.memory_space<vmem>> -> memref<125xi32, #tpu.memory_space<vmem>>
        %dma_wait3A_688 = arith.constant 0 : i32
        %dma_wait3A_689 = arith.constant 0 : i32
        %dma_wait3A_690 = tpu.memref_slice %arg12[%dma_wait3A_688, %dma_wait3A_689] : memref<10000x128xf32, #tpu.memory_space<vmem_shared>> -> memref<10000x128xf32, #tpu.memory_space<vmem_shared>>
        tpu.wait_indirect_dma semaphore(%run_scoped3A_678 : memref<!tpu.dma_semaphore, #tpu.memory_space<semaphore_mem>>) src(%arg10 : memref<125x128xf32, #tpu.memory_space<vmem>>) dst(%dma_wait3A_690 : memref<10000x128xf32, #tpu.memory_space<vmem_shared>>)
        tpu.yield
      }) : () -> ()
      %dma_start3A_573 = arith.constant 14 : i32
      %dma_start3A_574 = arith.constant 0 : i32
      %dma_start3A_575 = tpu.memref_slice %arg8[%dma_start3A_573, %dma_start3A_574] : memref<20x125xi32, #tpu.memory_space<vmem>> -> memref<1x125xi32, #tpu.memory_space<vmem>>
      %dma_start3A_576 = tpu.memref_squeeze %dma_start3A_575 : memref<1x125xi32, #tpu.memory_space<vmem>> -> memref<125xi32, #tpu.memory_space<vmem>>
      %dma_start3A_577 = arith.constant 0 : i32
      %dma_start3A_578 = arith.constant 0 : i32
      %dma_start3A_579 = tpu.memref_slice %arg2[%dma_start3A_577, %dma_start3A_578] : memref<20000x128xf32, #tpu.memory_space<hbm>> -> memref<20000x128xf32, #tpu.memory_space<hbm>>
      tpu.enqueue_indirect_dma source(%dma_start3A_579 : memref<20000x128xf32, #tpu.memory_space<hbm>>) target(%arg10 : memref<125x128xf32, #tpu.memory_space<vmem>>) offsets(%dma_start3A_576 : memref<125xi32, #tpu.memory_space<vmem>>) semaphore(%arg15 : memref<!tpu.dma_semaphore, #tpu.memory_space<semaphore_mem>>)
      %dma_wait3A_580 = arith.constant 13 : i32
      %dma_wait3A_581 = arith.constant 0 : i32
      %dma_wait3A_582 = tpu.memref_slice %arg8[%dma_wait3A_580, %dma_wait3A_581] : memref<20x125xi32, #tpu.memory_space<vmem>> -> memref<1x125xi32, #tpu.memory_space<vmem>>
      %dma_wait3A_583 = tpu.memref_squeeze %dma_wait3A_582 : memref<1x125xi32, #tpu.memory_space<vmem>> -> memref<125xi32, #tpu.memory_space<vmem>>
      %dma_wait3A_584 = arith.constant 0 : i32
      %dma_wait3A_585 = arith.constant 0 : i32
      %dma_wait3A_586 = tpu.memref_slice %arg2[%dma_wait3A_584, %dma_wait3A_585] : memref<20000x128xf32, #tpu.memory_space<hbm>> -> memref<20000x128xf32, #tpu.memory_space<hbm>>
      tpu.wait_indirect_dma semaphore(%arg16 : memref<!tpu.dma_semaphore, #tpu.memory_space<semaphore_mem>>) src(%dma_wait3A_586 : memref<20000x128xf32, #tpu.memory_space<hbm>>) dst(%arg11 : memref<125x128xf32, #tpu.memory_space<vmem>>)
      %run_scoped3A_587 = arith.constant 13 : i32
      "tpu.region"() ({
        %run_scoped3A_678 = tpu.sem_alloc : memref<!tpu.dma_semaphore, #tpu.memory_space<semaphore_mem>>
        %dma_start3A_679 = arith.constant 0 : i32
        %dma_start3A_680 = tpu.memref_slice %arg9[%run_scoped3A_587, %dma_start3A_679] : memref<20x125xi32, #tpu.memory_space<vmem>> -> memref<1x125xi32, #tpu.memory_space<vmem>>
        %dma_start3A_681 = tpu.memref_squeeze %dma_start3A_680 : memref<1x125xi32, #tpu.memory_space<vmem>> -> memref<125xi32, #tpu.memory_space<vmem>>
        %dma_start3A_682 = arith.constant 0 : i32
        %dma_start3A_683 = arith.constant 0 : i32
        %dma_start3A_684 = tpu.memref_slice %arg12[%dma_start3A_682, %dma_start3A_683] : memref<10000x128xf32, #tpu.memory_space<vmem_shared>> -> memref<10000x128xf32, #tpu.memory_space<vmem_shared>>
        tpu.enqueue_indirect_dma source(%arg11 : memref<125x128xf32, #tpu.memory_space<vmem>>) target(%dma_start3A_684 : memref<10000x128xf32, #tpu.memory_space<vmem_shared>>) offsets(%dma_start3A_681 : memref<125xi32, #tpu.memory_space<vmem>>) semaphore(%run_scoped3A_678 : memref<!tpu.dma_semaphore, #tpu.memory_space<semaphore_mem>>) {add = true}
        %dma_wait3A_685 = arith.constant 0 : i32
        %dma_wait3A_686 = tpu.memref_slice %arg9[%run_scoped3A_587, %dma_wait3A_685] : memref<20x125xi32, #tpu.memory_space<vmem>> -> memref<1x125xi32, #tpu.memory_space<vmem>>
        %dma_wait3A_687 = tpu.memref_squeeze %dma_wait3A_686 : memref<1x125xi32, #tpu.memory_space<vmem>> -> memref<125xi32, #tpu.memory_space<vmem>>
        %dma_wait3A_688 = arith.constant 0 : i32
        %dma_wait3A_689 = arith.constant 0 : i32
        %dma_wait3A_690 = tpu.memref_slice %arg12[%dma_wait3A_688, %dma_wait3A_689] : memref<10000x128xf32, #tpu.memory_space<vmem_shared>> -> memref<10000x128xf32, #tpu.memory_space<vmem_shared>>
        tpu.wait_indirect_dma semaphore(%run_scoped3A_678 : memref<!tpu.dma_semaphore, #tpu.memory_space<semaphore_mem>>) src(%arg11 : memref<125x128xf32, #tpu.memory_space<vmem>>) dst(%dma_wait3A_690 : memref<10000x128xf32, #tpu.memory_space<vmem_shared>>)
        tpu.yield
      }) : () -> ()
      %dma_start3A_588 = arith.constant 15 : i32
      %dma_start3A_589 = arith.constant 0 : i32
      %dma_start3A_590 = tpu.memref_slice %arg8[%dma_start3A_588, %dma_start3A_589] : memref<20x125xi32, #tpu.memory_space<vmem>> -> memref<1x125xi32, #tpu.memory_space<vmem>>
      %dma_start3A_591 = tpu.memref_squeeze %dma_start3A_590 : memref<1x125xi32, #tpu.memory_space<vmem>> -> memref<125xi32, #tpu.memory_space<vmem>>
      %dma_start3A_592 = arith.constant 0 : i32
      %dma_start3A_593 = arith.constant 0 : i32
      %dma_start3A_594 = tpu.memref_slice %arg2[%dma_start3A_592, %dma_start3A_593] : memref<20000x128xf32, #tpu.memory_space<hbm>> -> memref<20000x128xf32, #tpu.memory_space<hbm>>
      tpu.enqueue_indirect_dma source(%dma_start3A_594 : memref<20000x128xf32, #tpu.memory_space<hbm>>) target(%arg11 : memref<125x128xf32, #tpu.memory_space<vmem>>) offsets(%dma_start3A_591 : memref<125xi32, #tpu.memory_space<vmem>>) semaphore(%arg16 : memref<!tpu.dma_semaphore, #tpu.memory_space<semaphore_mem>>)
      %dma_wait3A_595 = arith.constant 14 : i32
      %dma_wait3A_596 = arith.constant 0 : i32
      %dma_wait3A_597 = tpu.memref_slice %arg8[%dma_wait3A_595, %dma_wait3A_596] : memref<20x125xi32, #tpu.memory_space<vmem>> -> memref<1x125xi32, #tpu.memory_space<vmem>>
      %dma_wait3A_598 = tpu.memref_squeeze %dma_wait3A_597 : memref<1x125xi32, #tpu.memory_space<vmem>> -> memref<125xi32, #tpu.memory_space<vmem>>
      %dma_wait3A_599 = arith.constant 0 : i32
      %dma_wait3A_600 = arith.constant 0 : i32
      %dma_wait3A_601 = tpu.memref_slice %arg2[%dma_wait3A_599, %dma_wait3A_600] : memref<20000x128xf32, #tpu.memory_space<hbm>> -> memref<20000x128xf32, #tpu.memory_space<hbm>>
      tpu.wait_indirect_dma semaphore(%arg15 : memref<!tpu.dma_semaphore, #tpu.memory_space<semaphore_mem>>) src(%dma_wait3A_601 : memref<20000x128xf32, #tpu.memory_space<hbm>>) dst(%arg10 : memref<125x128xf32, #tpu.memory_space<vmem>>)
      %run_scoped3A_602 = arith.constant 14 : i32
      "tpu.region"() ({
        %run_scoped3A_678 = tpu.sem_alloc : memref<!tpu.dma_semaphore, #tpu.memory_space<semaphore_mem>>
        %dma_start3A_679 = arith.constant 0 : i32
        %dma_start3A_680 = tpu.memref_slice %arg9[%run_scoped3A_602, %dma_start3A_679] : memref<20x125xi32, #tpu.memory_space<vmem>> -> memref<1x125xi32, #tpu.memory_space<vmem>>
        %dma_start3A_681 = tpu.memref_squeeze %dma_start3A_680 : memref<1x125xi32, #tpu.memory_space<vmem>> -> memref<125xi32, #tpu.memory_space<vmem>>
        %dma_start3A_682 = arith.constant 0 : i32
        %dma_start3A_683 = arith.constant 0 : i32
        %dma_start3A_684 = tpu.memref_slice %arg12[%dma_start3A_682, %dma_start3A_683] : memref<10000x128xf32, #tpu.memory_space<vmem_shared>> -> memref<10000x128xf32, #tpu.memory_space<vmem_shared>>
        tpu.enqueue_indirect_dma source(%arg10 : memref<125x128xf32, #tpu.memory_space<vmem>>) target(%dma_start3A_684 : memref<10000x128xf32, #tpu.memory_space<vmem_shared>>) offsets(%dma_start3A_681 : memref<125xi32, #tpu.memory_space<vmem>>) semaphore(%run_scoped3A_678 : memref<!tpu.dma_semaphore, #tpu.memory_space<semaphore_mem>>) {add = true}
        %dma_wait3A_685 = arith.constant 0 : i32
        %dma_wait3A_686 = tpu.memref_slice %arg9[%run_scoped3A_602, %dma_wait3A_685] : memref<20x125xi32, #tpu.memory_space<vmem>> -> memref<1x125xi32, #tpu.memory_space<vmem>>
        %dma_wait3A_687 = tpu.memref_squeeze %dma_wait3A_686 : memref<1x125xi32, #tpu.memory_space<vmem>> -> memref<125xi32, #tpu.memory_space<vmem>>
        %dma_wait3A_688 = arith.constant 0 : i32
        %dma_wait3A_689 = arith.constant 0 : i32
        %dma_wait3A_690 = tpu.memref_slice %arg12[%dma_wait3A_688, %dma_wait3A_689] : memref<10000x128xf32, #tpu.memory_space<vmem_shared>> -> memref<10000x128xf32, #tpu.memory_space<vmem_shared>>
        tpu.wait_indirect_dma semaphore(%run_scoped3A_678 : memref<!tpu.dma_semaphore, #tpu.memory_space<semaphore_mem>>) src(%arg10 : memref<125x128xf32, #tpu.memory_space<vmem>>) dst(%dma_wait3A_690 : memref<10000x128xf32, #tpu.memory_space<vmem_shared>>)
        tpu.yield
      }) : () -> ()
      %dma_start3A_603 = arith.constant 16 : i32
      %dma_start3A_604 = arith.constant 0 : i32
      %dma_start3A_605 = tpu.memref_slice %arg8[%dma_start3A_603, %dma_start3A_604] : memref<20x125xi32, #tpu.memory_space<vmem>> -> memref<1x125xi32, #tpu.memory_space<vmem>>
      %dma_start3A_606 = tpu.memref_squeeze %dma_start3A_605 : memref<1x125xi32, #tpu.memory_space<vmem>> -> memref<125xi32, #tpu.memory_space<vmem>>
      %dma_start3A_607 = arith.constant 0 : i32
      %dma_start3A_608 = arith.constant 0 : i32
      %dma_start3A_609 = tpu.memref_slice %arg2[%dma_start3A_607, %dma_start3A_608] : memref<20000x128xf32, #tpu.memory_space<hbm>> -> memref<20000x128xf32, #tpu.memory_space<hbm>>
      tpu.enqueue_indirect_dma source(%dma_start3A_609 : memref<20000x128xf32, #tpu.memory_space<hbm>>) target(%arg10 : memref<125x128xf32, #tpu.memory_space<vmem>>) offsets(%dma_start3A_606 : memref<125xi32, #tpu.memory_space<vmem>>) semaphore(%arg15 : memref<!tpu.dma_semaphore, #tpu.memory_space<semaphore_mem>>)
      %dma_wait3A_610 = arith.constant 15 : i32
      %dma_wait3A_611 = arith.constant 0 : i32
      %dma_wait3A_612 = tpu.memref_slice %arg8[%dma_wait3A_610, %dma_wait3A_611] : memref<20x125xi32, #tpu.memory_space<vmem>> -> memref<1x125xi32, #tpu.memory_space<vmem>>
      %dma_wait3A_613 = tpu.memref_squeeze %dma_wait3A_612 : memref<1x125xi32, #tpu.memory_space<vmem>> -> memref<125xi32, #tpu.memory_space<vmem>>
      %dma_wait3A_614 = arith.constant 0 : i32
      %dma_wait3A_615 = arith.constant 0 : i32
      %dma_wait3A_616 = tpu.memref_slice %arg2[%dma_wait3A_614, %dma_wait3A_615] : memref<20000x128xf32, #tpu.memory_space<hbm>> -> memref<20000x128xf32, #tpu.memory_space<hbm>>
      tpu.wait_indirect_dma semaphore(%arg16 : memref<!tpu.dma_semaphore, #tpu.memory_space<semaphore_mem>>) src(%dma_wait3A_616 : memref<20000x128xf32, #tpu.memory_space<hbm>>) dst(%arg11 : memref<125x128xf32, #tpu.memory_space<vmem>>)
      %run_scoped3A_617 = arith.constant 15 : i32
      "tpu.region"() ({
        %run_scoped3A_678 = tpu.sem_alloc : memref<!tpu.dma_semaphore, #tpu.memory_space<semaphore_mem>>
        %dma_start3A_679 = arith.constant 0 : i32
        %dma_start3A_680 = tpu.memref_slice %arg9[%run_scoped3A_617, %dma_start3A_679] : memref<20x125xi32, #tpu.memory_space<vmem>> -> memref<1x125xi32, #tpu.memory_space<vmem>>
        %dma_start3A_681 = tpu.memref_squeeze %dma_start3A_680 : memref<1x125xi32, #tpu.memory_space<vmem>> -> memref<125xi32, #tpu.memory_space<vmem>>
        %dma_start3A_682 = arith.constant 0 : i32
        %dma_start3A_683 = arith.constant 0 : i32
        %dma_start3A_684 = tpu.memref_slice %arg12[%dma_start3A_682, %dma_start3A_683] : memref<10000x128xf32, #tpu.memory_space<vmem_shared>> -> memref<10000x128xf32, #tpu.memory_space<vmem_shared>>
        tpu.enqueue_indirect_dma source(%arg11 : memref<125x128xf32, #tpu.memory_space<vmem>>) target(%dma_start3A_684 : memref<10000x128xf32, #tpu.memory_space<vmem_shared>>) offsets(%dma_start3A_681 : memref<125xi32, #tpu.memory_space<vmem>>) semaphore(%run_scoped3A_678 : memref<!tpu.dma_semaphore, #tpu.memory_space<semaphore_mem>>) {add = true}
        %dma_wait3A_685 = arith.constant 0 : i32
        %dma_wait3A_686 = tpu.memref_slice %arg9[%run_scoped3A_617, %dma_wait3A_685] : memref<20x125xi32, #tpu.memory_space<vmem>> -> memref<1x125xi32, #tpu.memory_space<vmem>>
        %dma_wait3A_687 = tpu.memref_squeeze %dma_wait3A_686 : memref<1x125xi32, #tpu.memory_space<vmem>> -> memref<125xi32, #tpu.memory_space<vmem>>
        %dma_wait3A_688 = arith.constant 0 : i32
        %dma_wait3A_689 = arith.constant 0 : i32
        %dma_wait3A_690 = tpu.memref_slice %arg12[%dma_wait3A_688, %dma_wait3A_689] : memref<10000x128xf32, #tpu.memory_space<vmem_shared>> -> memref<10000x128xf32, #tpu.memory_space<vmem_shared>>
        tpu.wait_indirect_dma semaphore(%run_scoped3A_678 : memref<!tpu.dma_semaphore, #tpu.memory_space<semaphore_mem>>) src(%arg11 : memref<125x128xf32, #tpu.memory_space<vmem>>) dst(%dma_wait3A_690 : memref<10000x128xf32, #tpu.memory_space<vmem_shared>>)
        tpu.yield
      }) : () -> ()
      %dma_start3A_618 = arith.constant 17 : i32
      %dma_start3A_619 = arith.constant 0 : i32
      %dma_start3A_620 = tpu.memref_slice %arg8[%dma_start3A_618, %dma_start3A_619] : memref<20x125xi32, #tpu.memory_space<vmem>> -> memref<1x125xi32, #tpu.memory_space<vmem>>
      %dma_start3A_621 = tpu.memref_squeeze %dma_start3A_620 : memref<1x125xi32, #tpu.memory_space<vmem>> -> memref<125xi32, #tpu.memory_space<vmem>>
      %dma_start3A_622 = arith.constant 0 : i32
      %dma_start3A_623 = arith.constant 0 : i32
      %dma_start3A_624 = tpu.memref_slice %arg2[%dma_start3A_622, %dma_start3A_623] : memref<20000x128xf32, #tpu.memory_space<hbm>> -> memref<20000x128xf32, #tpu.memory_space<hbm>>
      tpu.enqueue_indirect_dma source(%dma_start3A_624 : memref<20000x128xf32, #tpu.memory_space<hbm>>) target(%arg11 : memref<125x128xf32, #tpu.memory_space<vmem>>) offsets(%dma_start3A_621 : memref<125xi32, #tpu.memory_space<vmem>>) semaphore(%arg16 : memref<!tpu.dma_semaphore, #tpu.memory_space<semaphore_mem>>)
      %dma_wait3A_625 = arith.constant 16 : i32
      %dma_wait3A_626 = arith.constant 0 : i32
      %dma_wait3A_627 = tpu.memref_slice %arg8[%dma_wait3A_625, %dma_wait3A_626] : memref<20x125xi32, #tpu.memory_space<vmem>> -> memref<1x125xi32, #tpu.memory_space<vmem>>
      %dma_wait3A_628 = tpu.memref_squeeze %dma_wait3A_627 : memref<1x125xi32, #tpu.memory_space<vmem>> -> memref<125xi32, #tpu.memory_space<vmem>>
      %dma_wait3A_629 = arith.constant 0 : i32
      %dma_wait3A_630 = arith.constant 0 : i32
      %dma_wait3A_631 = tpu.memref_slice %arg2[%dma_wait3A_629, %dma_wait3A_630] : memref<20000x128xf32, #tpu.memory_space<hbm>> -> memref<20000x128xf32, #tpu.memory_space<hbm>>
      tpu.wait_indirect_dma semaphore(%arg15 : memref<!tpu.dma_semaphore, #tpu.memory_space<semaphore_mem>>) src(%dma_wait3A_631 : memref<20000x128xf32, #tpu.memory_space<hbm>>) dst(%arg10 : memref<125x128xf32, #tpu.memory_space<vmem>>)
      %run_scoped3A_632 = arith.constant 16 : i32
      "tpu.region"() ({
        %run_scoped3A_678 = tpu.sem_alloc : memref<!tpu.dma_semaphore, #tpu.memory_space<semaphore_mem>>
        %dma_start3A_679 = arith.constant 0 : i32
        %dma_start3A_680 = tpu.memref_slice %arg9[%run_scoped3A_632, %dma_start3A_679] : memref<20x125xi32, #tpu.memory_space<vmem>> -> memref<1x125xi32, #tpu.memory_space<vmem>>
        %dma_start3A_681 = tpu.memref_squeeze %dma_start3A_680 : memref<1x125xi32, #tpu.memory_space<vmem>> -> memref<125xi32, #tpu.memory_space<vmem>>
        %dma_start3A_682 = arith.constant 0 : i32
        %dma_start3A_683 = arith.constant 0 : i32
        %dma_start3A_684 = tpu.memref_slice %arg12[%dma_start3A_682, %dma_start3A_683] : memref<10000x128xf32, #tpu.memory_space<vmem_shared>> -> memref<10000x128xf32, #tpu.memory_space<vmem_shared>>
        tpu.enqueue_indirect_dma source(%arg10 : memref<125x128xf32, #tpu.memory_space<vmem>>) target(%dma_start3A_684 : memref<10000x128xf32, #tpu.memory_space<vmem_shared>>) offsets(%dma_start3A_681 : memref<125xi32, #tpu.memory_space<vmem>>) semaphore(%run_scoped3A_678 : memref<!tpu.dma_semaphore, #tpu.memory_space<semaphore_mem>>) {add = true}
        %dma_wait3A_685 = arith.constant 0 : i32
        %dma_wait3A_686 = tpu.memref_slice %arg9[%run_scoped3A_632, %dma_wait3A_685] : memref<20x125xi32, #tpu.memory_space<vmem>> -> memref<1x125xi32, #tpu.memory_space<vmem>>
        %dma_wait3A_687 = tpu.memref_squeeze %dma_wait3A_686 : memref<1x125xi32, #tpu.memory_space<vmem>> -> memref<125xi32, #tpu.memory_space<vmem>>
        %dma_wait3A_688 = arith.constant 0 : i32
        %dma_wait3A_689 = arith.constant 0 : i32
        %dma_wait3A_690 = tpu.memref_slice %arg12[%dma_wait3A_688, %dma_wait3A_689] : memref<10000x128xf32, #tpu.memory_space<vmem_shared>> -> memref<10000x128xf32, #tpu.memory_space<vmem_shared>>
        tpu.wait_indirect_dma semaphore(%run_scoped3A_678 : memref<!tpu.dma_semaphore, #tpu.memory_space<semaphore_mem>>) src(%arg10 : memref<125x128xf32, #tpu.memory_space<vmem>>) dst(%dma_wait3A_690 : memref<10000x128xf32, #tpu.memory_space<vmem_shared>>)
        tpu.yield
      }) : () -> ()
      %dma_start3A_633 = arith.constant 18 : i32
      %dma_start3A_634 = arith.constant 0 : i32
      %dma_start3A_635 = tpu.memref_slice %arg8[%dma_start3A_633, %dma_start3A_634] : memref<20x125xi32, #tpu.memory_space<vmem>> -> memref<1x125xi32, #tpu.memory_space<vmem>>
      %dma_start3A_636 = tpu.memref_squeeze %dma_start3A_635 : memref<1x125xi32, #tpu.memory_space<vmem>> -> memref<125xi32, #tpu.memory_space<vmem>>
      %dma_start3A_637 = arith.constant 0 : i32
      %dma_start3A_638 = arith.constant 0 : i32
      %dma_start3A_639 = tpu.memref_slice %arg2[%dma_start3A_637, %dma_start3A_638] : memref<20000x128xf32, #tpu.memory_space<hbm>> -> memref<20000x128xf32, #tpu.memory_space<hbm>>
      tpu.enqueue_indirect_dma source(%dma_start3A_639 : memref<20000x128xf32, #tpu.memory_space<hbm>>) target(%arg10 : memref<125x128xf32, #tpu.memory_space<vmem>>) offsets(%dma_start3A_636 : memref<125xi32, #tpu.memory_space<vmem>>) semaphore(%arg15 : memref<!tpu.dma_semaphore, #tpu.memory_space<semaphore_mem>>)
      %dma_wait3A_640 = arith.constant 17 : i32
      %dma_wait3A_641 = arith.constant 0 : i32
      %dma_wait3A_642 = tpu.memref_slice %arg8[%dma_wait3A_640, %dma_wait3A_641] : memref<20x125xi32, #tpu.memory_space<vmem>> -> memref<1x125xi32, #tpu.memory_space<vmem>>
      %dma_wait3A_643 = tpu.memref_squeeze %dma_wait3A_642 : memref<1x125xi32, #tpu.memory_space<vmem>> -> memref<125xi32, #tpu.memory_space<vmem>>
      %dma_wait3A_644 = arith.constant 0 : i32
      %dma_wait3A_645 = arith.constant 0 : i32
      %dma_wait3A_646 = tpu.memref_slice %arg2[%dma_wait3A_644, %dma_wait3A_645] : memref<20000x128xf32, #tpu.memory_space<hbm>> -> memref<20000x128xf32, #tpu.memory_space<hbm>>
      tpu.wait_indirect_dma semaphore(%arg16 : memref<!tpu.dma_semaphore, #tpu.memory_space<semaphore_mem>>) src(%dma_wait3A_646 : memref<20000x128xf32, #tpu.memory_space<hbm>>) dst(%arg11 : memref<125x128xf32, #tpu.memory_space<vmem>>)
      %run_scoped3A_647 = arith.constant 17 : i32
      "tpu.region"() ({
        %run_scoped3A_678 = tpu.sem_alloc : memref<!tpu.dma_semaphore, #tpu.memory_space<semaphore_mem>>
        %dma_start3A_679 = arith.constant 0 : i32
        %dma_start3A_680 = tpu.memref_slice %arg9[%run_scoped3A_647, %dma_start3A_679] : memref<20x125xi32, #tpu.memory_space<vmem>> -> memref<1x125xi32, #tpu.memory_space<vmem>>
        %dma_start3A_681 = tpu.memref_squeeze %dma_start3A_680 : memref<1x125xi32, #tpu.memory_space<vmem>> -> memref<125xi32, #tpu.memory_space<vmem>>
        %dma_start3A_682 = arith.constant 0 : i32
        %dma_start3A_683 = arith.constant 0 : i32
        %dma_start3A_684 = tpu.memref_slice %arg12[%dma_start3A_682, %dma_start3A_683] : memref<10000x128xf32, #tpu.memory_space<vmem_shared>> -> memref<10000x128xf32, #tpu.memory_space<vmem_shared>>
        tpu.enqueue_indirect_dma source(%arg11 : memref<125x128xf32, #tpu.memory_space<vmem>>) target(%dma_start3A_684 : memref<10000x128xf32, #tpu.memory_space<vmem_shared>>) offsets(%dma_start3A_681 : memref<125xi32, #tpu.memory_space<vmem>>) semaphore(%run_scoped3A_678 : memref<!tpu.dma_semaphore, #tpu.memory_space<semaphore_mem>>) {add = true}
        %dma_wait3A_685 = arith.constant 0 : i32
        %dma_wait3A_686 = tpu.memref_slice %arg9[%run_scoped3A_647, %dma_wait3A_685] : memref<20x125xi32, #tpu.memory_space<vmem>> -> memref<1x125xi32, #tpu.memory_space<vmem>>
        %dma_wait3A_687 = tpu.memref_squeeze %dma_wait3A_686 : memref<1x125xi32, #tpu.memory_space<vmem>> -> memref<125xi32, #tpu.memory_space<vmem>>
        %dma_wait3A_688 = arith.constant 0 : i32
        %dma_wait3A_689 = arith.constant 0 : i32
        %dma_wait3A_690 = tpu.memref_slice %arg12[%dma_wait3A_688, %dma_wait3A_689] : memref<10000x128xf32, #tpu.memory_space<vmem_shared>> -> memref<10000x128xf32, #tpu.memory_space<vmem_shared>>
        tpu.wait_indirect_dma semaphore(%run_scoped3A_678 : memref<!tpu.dma_semaphore, #tpu.memory_space<semaphore_mem>>) src(%arg11 : memref<125x128xf32, #tpu.memory_space<vmem>>) dst(%dma_wait3A_690 : memref<10000x128xf32, #tpu.memory_space<vmem_shared>>)
        tpu.yield
      }) : () -> ()
      %dma_start3A_648 = arith.constant 19 : i32
      %dma_start3A_649 = arith.constant 0 : i32
      %dma_start3A_650 = tpu.memref_slice %arg8[%dma_start3A_648, %dma_start3A_649] : memref<20x125xi32, #tpu.memory_space<vmem>> -> memref<1x125xi32, #tpu.memory_space<vmem>>
      %dma_start3A_651 = tpu.memref_squeeze %dma_start3A_650 : memref<1x125xi32, #tpu.memory_space<vmem>> -> memref<125xi32, #tpu.memory_space<vmem>>
      %dma_start3A_652 = arith.constant 0 : i32
      %dma_start3A_653 = arith.constant 0 : i32
      %dma_start3A_654 = tpu.memref_slice %arg2[%dma_start3A_652, %dma_start3A_653] : memref<20000x128xf32, #tpu.memory_space<hbm>> -> memref<20000x128xf32, #tpu.memory_space<hbm>>
      tpu.enqueue_indirect_dma source(%dma_start3A_654 : memref<20000x128xf32, #tpu.memory_space<hbm>>) target(%arg11 : memref<125x128xf32, #tpu.memory_space<vmem>>) offsets(%dma_start3A_651 : memref<125xi32, #tpu.memory_space<vmem>>) semaphore(%arg16 : memref<!tpu.dma_semaphore, #tpu.memory_space<semaphore_mem>>)
      %dma_wait3A_655 = arith.constant 18 : i32
      %dma_wait3A_656 = arith.constant 0 : i32
      %dma_wait3A_657 = tpu.memref_slice %arg8[%dma_wait3A_655, %dma_wait3A_656] : memref<20x125xi32, #tpu.memory_space<vmem>> -> memref<1x125xi32, #tpu.memory_space<vmem>>
      %dma_wait3A_658 = tpu.memref_squeeze %dma_wait3A_657 : memref<1x125xi32, #tpu.memory_space<vmem>> -> memref<125xi32, #tpu.memory_space<vmem>>
      %dma_wait3A_659 = arith.constant 0 : i32
      %dma_wait3A_660 = arith.constant 0 : i32
      %dma_wait3A_661 = tpu.memref_slice %arg2[%dma_wait3A_659, %dma_wait3A_660] : memref<20000x128xf32, #tpu.memory_space<hbm>> -> memref<20000x128xf32, #tpu.memory_space<hbm>>
      tpu.wait_indirect_dma semaphore(%arg15 : memref<!tpu.dma_semaphore, #tpu.memory_space<semaphore_mem>>) src(%dma_wait3A_661 : memref<20000x128xf32, #tpu.memory_space<hbm>>) dst(%arg10 : memref<125x128xf32, #tpu.memory_space<vmem>>)
      %run_scoped3A_662 = arith.constant 18 : i32
      "tpu.region"() ({
        %run_scoped3A_678 = tpu.sem_alloc : memref<!tpu.dma_semaphore, #tpu.memory_space<semaphore_mem>>
        %dma_start3A_679 = arith.constant 0 : i32
        %dma_start3A_680 = tpu.memref_slice %arg9[%run_scoped3A_662, %dma_start3A_679] : memref<20x125xi32, #tpu.memory_space<vmem>> -> memref<1x125xi32, #tpu.memory_space<vmem>>
        %dma_start3A_681 = tpu.memref_squeeze %dma_start3A_680 : memref<1x125xi32, #tpu.memory_space<vmem>> -> memref<125xi32, #tpu.memory_space<vmem>>
        %dma_start3A_682 = arith.constant 0 : i32
        %dma_start3A_683 = arith.constant 0 : i32
        %dma_start3A_684 = tpu.memref_slice %arg12[%dma_start3A_682, %dma_start3A_683] : memref<10000x128xf32, #tpu.memory_space<vmem_shared>> -> memref<10000x128xf32, #tpu.memory_space<vmem_shared>>
        tpu.enqueue_indirect_dma source(%arg10 : memref<125x128xf32, #tpu.memory_space<vmem>>) target(%dma_start3A_684 : memref<10000x128xf32, #tpu.memory_space<vmem_shared>>) offsets(%dma_start3A_681 : memref<125xi32, #tpu.memory_space<vmem>>) semaphore(%run_scoped3A_678 : memref<!tpu.dma_semaphore, #tpu.memory_space<semaphore_mem>>) {add = true}
        %dma_wait3A_685 = arith.constant 0 : i32
        %dma_wait3A_686 = tpu.memref_slice %arg9[%run_scoped3A_662, %dma_wait3A_685] : memref<20x125xi32, #tpu.memory_space<vmem>> -> memref<1x125xi32, #tpu.memory_space<vmem>>
        %dma_wait3A_687 = tpu.memref_squeeze %dma_wait3A_686 : memref<1x125xi32, #tpu.memory_space<vmem>> -> memref<125xi32, #tpu.memory_space<vmem>>
        %dma_wait3A_688 = arith.constant 0 : i32
        %dma_wait3A_689 = arith.constant 0 : i32
        %dma_wait3A_690 = tpu.memref_slice %arg12[%dma_wait3A_688, %dma_wait3A_689] : memref<10000x128xf32, #tpu.memory_space<vmem_shared>> -> memref<10000x128xf32, #tpu.memory_space<vmem_shared>>
        tpu.wait_indirect_dma semaphore(%run_scoped3A_678 : memref<!tpu.dma_semaphore, #tpu.memory_space<semaphore_mem>>) src(%arg10 : memref<125x128xf32, #tpu.memory_space<vmem>>) dst(%dma_wait3A_690 : memref<10000x128xf32, #tpu.memory_space<vmem_shared>>)
        tpu.yield
      }) : () -> ()
      %dma_wait3A_663 = arith.constant 19 : i32
      %dma_wait3A_664 = arith.constant 0 : i32
      %dma_wait3A_665 = tpu.memref_slice %arg8[%dma_wait3A_663, %dma_wait3A_664] : memref<20x125xi32, #tpu.memory_space<vmem>> -> memref<1x125xi32, #tpu.memory_space<vmem>>
      %dma_wait3A_666 = tpu.memref_squeeze %dma_wait3A_665 : memref<1x125xi32, #tpu.memory_space<vmem>> -> memref<125xi32, #tpu.memory_space<vmem>>
      %dma_wait3A_667 = arith.constant 0 : i32
      %dma_wait3A_668 = arith.constant 0 : i32
      %dma_wait3A_669 = tpu.memref_slice %arg2[%dma_wait3A_667, %dma_wait3A_668] : memref<20000x128xf32, #tpu.memory_space<hbm>> -> memref<20000x128xf32, #tpu.memory_space<hbm>>
      tpu.wait_indirect_dma semaphore(%arg16 : memref<!tpu.dma_semaphore, #tpu.memory_space<semaphore_mem>>) src(%dma_wait3A_669 : memref<20000x128xf32, #tpu.memory_space<hbm>>) dst(%arg11 : memref<125x128xf32, #tpu.memory_space<vmem>>)
      %run_scoped3A_670 = arith.constant 19 : i32
      "tpu.region"() ({
        %run_scoped3A_678 = tpu.sem_alloc : memref<!tpu.dma_semaphore, #tpu.memory_space<semaphore_mem>>
        %dma_start3A_679 = arith.constant 0 : i32
        %dma_start3A_680 = tpu.memref_slice %arg9[%run_scoped3A_670, %dma_start3A_679] : memref<20x125xi32, #tpu.memory_space<vmem>> -> memref<1x125xi32, #tpu.memory_space<vmem>>
        %dma_start3A_681 = tpu.memref_squeeze %dma_start3A_680 : memref<1x125xi32, #tpu.memory_space<vmem>> -> memref<125xi32, #tpu.memory_space<vmem>>
        %dma_start3A_682 = arith.constant 0 : i32
        %dma_start3A_683 = arith.constant 0 : i32
        %dma_start3A_684 = tpu.memref_slice %arg12[%dma_start3A_682, %dma_start3A_683] : memref<10000x128xf32, #tpu.memory_space<vmem_shared>> -> memref<10000x128xf32, #tpu.memory_space<vmem_shared>>
        tpu.enqueue_indirect_dma source(%arg11 : memref<125x128xf32, #tpu.memory_space<vmem>>) target(%dma_start3A_684 : memref<10000x128xf32, #tpu.memory_space<vmem_shared>>) offsets(%dma_start3A_681 : memref<125xi32, #tpu.memory_space<vmem>>) semaphore(%run_scoped3A_678 : memref<!tpu.dma_semaphore, #tpu.memory_space<semaphore_mem>>) {add = true}
        %dma_wait3A_685 = arith.constant 0 : i32
        %dma_wait3A_686 = tpu.memref_slice %arg9[%run_scoped3A_670, %dma_wait3A_685] : memref<20x125xi32, #tpu.memory_space<vmem>> -> memref<1x125xi32, #tpu.memory_space<vmem>>
        %dma_wait3A_687 = tpu.memref_squeeze %dma_wait3A_686 : memref<1x125xi32, #tpu.memory_space<vmem>> -> memref<125xi32, #tpu.memory_space<vmem>>
        %dma_wait3A_688 = arith.constant 0 : i32
        %dma_wait3A_689 = arith.constant 0 : i32
        %dma_wait3A_690 = tpu.memref_slice %arg12[%dma_wait3A_688, %dma_wait3A_689] : memref<10000x128xf32, #tpu.memory_space<vmem_shared>> -> memref<10000x128xf32, #tpu.memory_space<vmem_shared>>
        tpu.wait_indirect_dma semaphore(%run_scoped3A_678 : memref<!tpu.dma_semaphore, #tpu.memory_space<semaphore_mem>>) src(%arg11 : memref<125x128xf32, #tpu.memory_space<vmem>>) dst(%dma_wait3A_690 : memref<10000x128xf32, #tpu.memory_space<vmem_shared>>)
        tpu.yield
      }) : () -> ()
      %add3A_671 = arith.constant 2 : i32
      %add3A_672 = arith.addi %add3A_354, %add3A_671 : i32
      %lt3A_673 = arith.constant 4 : i32
      %lt3A_674 = arith.cmpi slt, %add3A_672, %lt3A_673 : i32
      %convert_element_type3A_675 = arith.extui %lt3A_674 : i1 to i32
      %cond3A_676 = arith.constant 0 : i32
      %cond3A_677 = arith.cmpi ne, %convert_element_type3A_675, %cond3A_676 : i32
      scf.if %cond3A_677 {
        %add3A_678 = arith.constant 2 : i32
        %add3A_679 = arith.addi %add3A_354, %add3A_678 : i32
        %dma_start3A_680 = arith.constant 0 : i32
        %dma_start3A_681 = arith.constant 0 : i32
        %dma_start3A_682 = tpu.memref_slice %arg3[%arg0, %arg1, %add3A_679, %dma_start3A_680, %dma_start3A_681] : memref<2x16x4x20x125xi32, #tpu.memory_space<hbm>> -> memref<1x1x1x20x125xi32, #tpu.memory_space<hbm>>
        %dma_start3A_683 = tpu.memref_squeeze %dma_start3A_682 : memref<1x1x1x20x125xi32, #tpu.memory_space<hbm>> -> memref<20x125xi32, #tpu.memory_space<hbm>>
        %dma_start3A_684 = arith.constant 0 : i32
        %dma_start3A_685 = arith.constant 0 : i32
        %dma_start3A_686 = tpu.memref_slice %arg3[%arg0, %arg1, %add3A_679, %dma_start3A_684, %dma_start3A_685] : memref<2x16x4x20x125xi32, #tpu.memory_space<hbm>> -> memref<1x1x1x20x125xi32, #tpu.memory_space<hbm>>
        %dma_start3A_687 = tpu.memref_squeeze %dma_start3A_686 : memref<1x1x1x20x125xi32, #tpu.memory_space<hbm>> -> memref<20x125xi32, #tpu.memory_space<hbm>>
        tpu.enqueue_dma source(%dma_start3A_687 : memref<20x125xi32, #tpu.memory_space<hbm>>) target(%arg8 : memref<20x125xi32, #tpu.memory_space<vmem>>) target_semaphore(%arg14 : memref<!tpu.dma_semaphore, #tpu.memory_space<semaphore_mem>>)
        %add3A_688 = arith.constant 2 : i32
        %add3A_689 = arith.addi %add3A_354, %add3A_688 : i32
        %dma_start3A_690 = arith.constant 0 : i32
        %dma_start3A_691 = arith.constant 0 : i32
        %dma_start3A_692 = tpu.memref_slice %arg4[%arg1, %add3A_689, %dma_start3A_690, %dma_start3A_691] : memref<16x4x20x125xi32, #tpu.memory_space<hbm>> -> memref<1x1x20x125xi32, #tpu.memory_space<hbm>>
        %dma_start3A_693 = tpu.memref_squeeze %dma_start3A_692 : memref<1x1x20x125xi32, #tpu.memory_space<hbm>> -> memref<20x125xi32, #tpu.memory_space<hbm>>
        %dma_start3A_694 = arith.constant 0 : i32
        %dma_start3A_695 = arith.constant 0 : i32
        %dma_start3A_696 = tpu.memref_slice %arg4[%arg1, %add3A_689, %dma_start3A_694, %dma_start3A_695] : memref<16x4x20x125xi32, #tpu.memory_space<hbm>> -> memref<1x1x20x125xi32, #tpu.memory_space<hbm>>
        %dma_start3A_697 = tpu.memref_squeeze %dma_start3A_696 : memref<1x1x20x125xi32, #tpu.memory_space<hbm>> -> memref<20x125xi32, #tpu.memory_space<hbm>>
        tpu.enqueue_dma source(%dma_start3A_697 : memref<20x125xi32, #tpu.memory_space<hbm>>) target(%arg9 : memref<20x125xi32, #tpu.memory_space<vmem>>) target_semaphore(%arg14 : memref<!tpu.dma_semaphore, #tpu.memory_space<semaphore_mem>>)
      } else {
      }
    }
    %scan3A_28 = arith.constant 2 : i32
    %barrier3A_29 = arith.constant 0 : index
    tpu.barrier barrier_id(%barrier3A_29)
    %mul3A_30 = arith.constant 624 : i32
    %mul3A_31 = arith.muli %arg1, %mul3A_30 : i32
    %mul3A_32 = arith.constant 624 : i32
    %mul3A_33 = arith.muli %arg1, %mul3A_32 : i32
    "tpu.region"() ({
      %run_scoped3A_39 = tpu.sem_alloc : memref<!tpu.dma_semaphore, #tpu.memory_space<semaphore_mem>>
      %dma_start3A_40 = arith.constant 0 : i32
      %dma_start3A_41 = tpu.memref_slice %arg5[%arg0, %mul3A_33, %dma_start3A_40] : memref<2x10000x128xf32, #tpu.memory_space<hbm>> -> memref<1x624x128xf32, #tpu.memory_space<hbm>>
      %dma_start3A_42 = tpu.memref_squeeze %dma_start3A_41 : memref<1x624x128xf32, #tpu.memory_space<hbm>> -> memref<624x128xf32, #tpu.memory_space<hbm>>
      %dma_start3A_43 = arith.constant 0 : i32
      %dma_start3A_44 = tpu.memref_slice %arg12[%mul3A_31, %dma_start3A_43] : memref<10000x128xf32, #tpu.memory_space<vmem_shared>> -> memref<624x128xf32, #tpu.memory_space<vmem_shared>>
      tpu.enqueue_dma source(%dma_start3A_44 : memref<624x128xf32, #tpu.memory_space<vmem_shared>>) target(%dma_start3A_42 : memref<624x128xf32, #tpu.memory_space<hbm>>) target_semaphore(%run_scoped3A_39 : memref<!tpu.dma_semaphore, #tpu.memory_space<semaphore_mem>>)
      %dma_wait3A = arith.constant 0 : i32
      %dma_wait3A_45 = tpu.memref_slice %arg5[%arg0, %mul3A_33, %dma_wait3A] : memref<2x10000x128xf32, #tpu.memory_space<hbm>> -> memref<1x624x128xf32, #tpu.memory_space<hbm>>
      %dma_wait3A_46 = tpu.memref_squeeze %dma_wait3A_45 : memref<1x624x128xf32, #tpu.memory_space<hbm>> -> memref<624x128xf32, #tpu.memory_space<hbm>>
      %dma_wait3A_47 = arith.constant 0 : i32
      %dma_wait3A_48 = tpu.memref_slice %arg12[%mul3A_31, %dma_wait3A_47] : memref<10000x128xf32, #tpu.memory_space<vmem_shared>> -> memref<624x128xf32, #tpu.memory_space<vmem_shared>>
      tpu.wait_dma2 semaphore(%run_scoped3A_39 : memref<!tpu.dma_semaphore, #tpu.memory_space<semaphore_mem>>) src(%dma_wait3A_48 : memref<624x128xf32, #tpu.memory_space<vmem_shared>>) dst(%dma_wait3A_46 : memref<624x128xf32, #tpu.memory_space<hbm>>)
      tpu.yield
    }) : () -> ()
    %eq3A_34 = arith.constant 0 : i32
    %eq3A_35 = arith.cmpi eq, %arg1, %eq3A_34 : i32
    %convert_element_type3A_36 = arith.extui %eq3A_35 : i1 to i32
    %cond3A_37 = arith.constant 0 : i32
    %cond3A_38 = arith.cmpi ne, %convert_element_type3A_36, %cond3A_37 : i32
    scf.if %cond3A_38 {
      "tpu.region"() ({
        %run_scoped3A_39 = tpu.sem_alloc : memref<!tpu.dma_semaphore, #tpu.memory_space<semaphore_mem>>
        %dma_start3A_40 = arith.constant 9984 : i32
        %dma_start3A_41 = arith.constant 0 : i32
        %dma_start3A_42 = tpu.memref_slice %arg5[%arg0, %dma_start3A_40, %dma_start3A_41] : memref<2x10000x128xf32, #tpu.memory_space<hbm>> -> memref<1x16x128xf32, #tpu.memory_space<hbm>>
        %dma_start3A_43 = tpu.memref_squeeze %dma_start3A_42 : memref<1x16x128xf32, #tpu.memory_space<hbm>> -> memref<16x128xf32, #tpu.memory_space<hbm>>
        %dma_start3A_44 = arith.constant 9984 : i32
        %dma_start3A_45 = arith.constant 0 : i32
        %dma_start3A_46 = tpu.memref_slice %arg12[%dma_start3A_44, %dma_start3A_45] : memref<10000x128xf32, #tpu.memory_space<vmem_shared>> -> memref<16x128xf32, #tpu.memory_space<vmem_shared>>
        tpu.enqueue_dma source(%dma_start3A_46 : memref<16x128xf32, #tpu.memory_space<vmem_shared>>) target(%dma_start3A_43 : memref<16x128xf32, #tpu.memory_space<hbm>>) target_semaphore(%run_scoped3A_39 : memref<!tpu.dma_semaphore, #tpu.memory_space<semaphore_mem>>)
        %dma_wait3A = arith.constant 9984 : i32
        %dma_wait3A_47 = arith.constant 0 : i32
        %dma_wait3A_48 = tpu.memref_slice %arg5[%arg0, %dma_wait3A, %dma_wait3A_47] : memref<2x10000x128xf32, #tpu.memory_space<hbm>> -> memref<1x16x128xf32, #tpu.memory_space<hbm>>
        %dma_wait3A_49 = tpu.memref_squeeze %dma_wait3A_48 : memref<1x16x128xf32, #tpu.memory_space<hbm>> -> memref<16x128xf32, #tpu.memory_space<hbm>>
        %dma_wait3A_50 = arith.constant 9984 : i32
        %dma_wait3A_51 = arith.constant 0 : i32
        %dma_wait3A_52 = tpu.memref_slice %arg12[%dma_wait3A_50, %dma_wait3A_51] : memref<10000x128xf32, #tpu.memory_space<vmem_shared>> -> memref<16x128xf32, #tpu.memory_space<vmem_shared>>
        tpu.wait_dma2 semaphore(%run_scoped3A_39 : memref<!tpu.dma_semaphore, #tpu.memory_space<semaphore_mem>>) src(%dma_wait3A_52 : memref<16x128xf32, #tpu.memory_space<vmem_shared>>) dst(%dma_wait3A_49 : memref<16x128xf32, #tpu.memory_space<hbm>>)
        tpu.yield
      }) : () -> ()
    } else {
    }
    return
  }
}

#map = affine_map<(d0, d1) -> (0, 0, 0)>
#map1 = affine_map<(d0, d1) -> (0)>
#map2 = affine_map<(d0, d1) -> (0, 0)>
module attributes {stable_mosaic.version = 14 : i64} {
  func.func @_deg_body(%arg0: i32, %arg1: i32, %arg2: memref<32x40x125xi32, #tpu.memory_space<hbm>>, %arg3: memref<125xf32, #tpu.memory_space<hbm>>, %arg4: memref<640xf32, #tpu.memory_space<hbm>>, %arg5: memref<2x10240xf32, #tpu.memory_space<hbm>>, %arg6: memref<40x125xi32, #tpu.memory_space<vmem>>, %arg7: memref<125xf32, #tpu.memory_space<vmem>>, %arg8: memref<640xf32, #tpu.memory_space<vmem>>, %arg9: memref<10240xf32, #tpu.memory_space<vmem_shared>>, %arg10: memref<!tpu.dma_semaphore, #tpu.memory_space<semaphore_mem>>) attributes {dimension_semantics = [#tpu.dimension_semantics<core_parallel>, #tpu.dimension_semantics<subcore_parallel>], iteration_bounds = array<i64: 2, 16>, scalar_prefetch = 0 : i64, scratch_operands = 5 : i64, tpu.core_type = #tpu.core_type<sc_vector_subcore>, window_params = [{transform_indices = #map}, {transform_indices = #map1}, {transform_indices = #map1}, {transform_indices = #map2}]} {
    %mul3A = arith.constant 2 : i32
    %mul3A_0 = arith.muli %arg1, %mul3A : i32
    %add3A = arith.addi %mul3A_0, %arg0 : i32
    "tpu.region"() ({
      %run_scoped3A = tpu.sem_alloc : memref<!tpu.dma_semaphore, #tpu.memory_space<semaphore_mem>>
      %dma_start3A = arith.constant 0 : i32
      %dma_start3A_12 = arith.constant 0 : i32
      %dma_start3A_13 = tpu.memref_slice %arg2[%add3A, %dma_start3A, %dma_start3A_12] : memref<32x40x125xi32, #tpu.memory_space<hbm>> -> memref<1x40x125xi32, #tpu.memory_space<hbm>>
      %dma_start3A_14 = tpu.memref_squeeze %dma_start3A_13 : memref<1x40x125xi32, #tpu.memory_space<hbm>> -> memref<40x125xi32, #tpu.memory_space<hbm>>
      %dma_start3A_15 = arith.constant 0 : i32
      %dma_start3A_16 = arith.constant 0 : i32
      %dma_start3A_17 = tpu.memref_slice %arg2[%add3A, %dma_start3A_15, %dma_start3A_16] : memref<32x40x125xi32, #tpu.memory_space<hbm>> -> memref<1x40x125xi32, #tpu.memory_space<hbm>>
      %dma_start3A_18 = tpu.memref_squeeze %dma_start3A_17 : memref<1x40x125xi32, #tpu.memory_space<hbm>> -> memref<40x125xi32, #tpu.memory_space<hbm>>
      tpu.enqueue_dma source(%dma_start3A_18 : memref<40x125xi32, #tpu.memory_space<hbm>>) target(%arg6 : memref<40x125xi32, #tpu.memory_space<vmem>>) target_semaphore(%run_scoped3A : memref<!tpu.dma_semaphore, #tpu.memory_space<semaphore_mem>>)
      %dma_wait3A = arith.constant 0 : i32
      %dma_wait3A_19 = arith.constant 0 : i32
      %dma_wait3A_20 = tpu.memref_slice %arg2[%add3A, %dma_wait3A, %dma_wait3A_19] : memref<32x40x125xi32, #tpu.memory_space<hbm>> -> memref<1x40x125xi32, #tpu.memory_space<hbm>>
      %dma_wait3A_21 = tpu.memref_squeeze %dma_wait3A_20 : memref<1x40x125xi32, #tpu.memory_space<hbm>> -> memref<40x125xi32, #tpu.memory_space<hbm>>
      %dma_wait3A_22 = arith.constant 0 : i32
      %dma_wait3A_23 = arith.constant 0 : i32
      %dma_wait3A_24 = tpu.memref_slice %arg2[%add3A, %dma_wait3A_22, %dma_wait3A_23] : memref<32x40x125xi32, #tpu.memory_space<hbm>> -> memref<1x40x125xi32, #tpu.memory_space<hbm>>
      %dma_wait3A_25 = tpu.memref_squeeze %dma_wait3A_24 : memref<1x40x125xi32, #tpu.memory_space<hbm>> -> memref<40x125xi32, #tpu.memory_space<hbm>>
      tpu.wait_dma2 semaphore(%run_scoped3A : memref<!tpu.dma_semaphore, #tpu.memory_space<semaphore_mem>>) src(%dma_wait3A_25 : memref<40x125xi32, #tpu.memory_space<hbm>>) dst(%arg6 : memref<40x125xi32, #tpu.memory_space<vmem>>)
      tpu.yield
    }) : () -> ()
    "tpu.region"() ({
      %run_scoped3A = tpu.sem_alloc : memref<!tpu.dma_semaphore, #tpu.memory_space<semaphore_mem>>
      tpu.enqueue_dma source(%arg3 : memref<125xf32, #tpu.memory_space<hbm>>) target(%arg7 : memref<125xf32, #tpu.memory_space<vmem>>) target_semaphore(%run_scoped3A : memref<!tpu.dma_semaphore, #tpu.memory_space<semaphore_mem>>)
      tpu.wait_dma2 semaphore(%run_scoped3A : memref<!tpu.dma_semaphore, #tpu.memory_space<semaphore_mem>>) src(%arg3 : memref<125xf32, #tpu.memory_space<hbm>>) dst(%arg7 : memref<125xf32, #tpu.memory_space<vmem>>)
      tpu.yield
    }) : () -> ()
    "tpu.region"() ({
      %run_scoped3A = tpu.sem_alloc : memref<!tpu.dma_semaphore, #tpu.memory_space<semaphore_mem>>
      tpu.enqueue_dma source(%arg4 : memref<640xf32, #tpu.memory_space<hbm>>) target(%arg8 : memref<640xf32, #tpu.memory_space<vmem>>) target_semaphore(%run_scoped3A : memref<!tpu.dma_semaphore, #tpu.memory_space<semaphore_mem>>)
      tpu.wait_dma2 semaphore(%run_scoped3A : memref<!tpu.dma_semaphore, #tpu.memory_space<semaphore_mem>>) src(%arg4 : memref<640xf32, #tpu.memory_space<hbm>>) dst(%arg8 : memref<640xf32, #tpu.memory_space<vmem>>)
      tpu.yield
    }) : () -> ()
    %mul3A_1 = arith.constant 640 : i32
    %mul3A_2 = arith.muli %arg1, %mul3A_1 : i32
    "tpu.region"() ({
      %run_scoped3A = tpu.sem_alloc : memref<!tpu.dma_semaphore, #tpu.memory_space<semaphore_mem>>
      %dma_start3A = tpu.memref_slice %arg9[%mul3A_2] : memref<10240xf32, #tpu.memory_space<vmem_shared>> -> memref<640xf32, #tpu.memory_space<vmem_shared>>
      %dma_start3A_12 = tpu.memref_slice %arg9[%mul3A_2] : memref<10240xf32, #tpu.memory_space<vmem_shared>> -> memref<640xf32, #tpu.memory_space<vmem_shared>>
      tpu.enqueue_dma source(%arg8 : memref<640xf32, #tpu.memory_space<vmem>>) target(%dma_start3A_12 : memref<640xf32, #tpu.memory_space<vmem_shared>>) target_semaphore(%run_scoped3A : memref<!tpu.dma_semaphore, #tpu.memory_space<semaphore_mem>>)
      %dma_wait3A = tpu.memref_slice %arg9[%mul3A_2] : memref<10240xf32, #tpu.memory_space<vmem_shared>> -> memref<640xf32, #tpu.memory_space<vmem_shared>>
      %dma_wait3A_13 = tpu.memref_slice %arg9[%mul3A_2] : memref<10240xf32, #tpu.memory_space<vmem_shared>> -> memref<640xf32, #tpu.memory_space<vmem_shared>>
      tpu.wait_dma2 semaphore(%run_scoped3A : memref<!tpu.dma_semaphore, #tpu.memory_space<semaphore_mem>>) src(%arg8 : memref<640xf32, #tpu.memory_space<vmem>>) dst(%dma_wait3A_13 : memref<640xf32, #tpu.memory_space<vmem_shared>>)
      tpu.yield
    }) : () -> ()
    %barrier3A = arith.constant 0 : index
    tpu.barrier barrier_id(%barrier3A)
    %scan3A = arith.constant 0 : i32
    %scan3A_3 = arith.constant 40 : i32
    %scan3A_4 = arith.addi %scan3A, %scan3A_3 : i32
    %scan3A_5 = arith.constant 1 : i32
    scf.for %scan3A_12 = %scan3A to %scan3A_4 step %scan3A_5  : i32 {
      %mul3A_13 = arith.constant 1 : i32
      %mul3A_14 = arith.muli %scan3A_12, %mul3A_13 : i32
      %add3A_15 = arith.constant 0 : i32
      %add3A_16 = arith.addi %add3A_15, %mul3A_14 : i32
      "tpu.region"() ({
        %run_scoped3A = tpu.sem_alloc : memref<!tpu.dma_semaphore, #tpu.memory_space<semaphore_mem>>
        %dma_start3A = arith.constant 0 : i32
        %dma_start3A_17 = tpu.memref_slice %arg6[%add3A_16, %dma_start3A] : memref<40x125xi32, #tpu.memory_space<vmem>> -> memref<1x125xi32, #tpu.memory_space<vmem>>
        %dma_start3A_18 = tpu.memref_squeeze %dma_start3A_17 : memref<1x125xi32, #tpu.memory_space<vmem>> -> memref<125xi32, #tpu.memory_space<vmem>>
        %dma_start3A_19 = arith.constant 0 : i32
        %dma_start3A_20 = tpu.memref_slice %arg9[%dma_start3A_19] : memref<10240xf32, #tpu.memory_space<vmem_shared>> -> memref<10240xf32, #tpu.memory_space<vmem_shared>>
        tpu.enqueue_indirect_dma source(%arg7 : memref<125xf32, #tpu.memory_space<vmem>>) target(%dma_start3A_20 : memref<10240xf32, #tpu.memory_space<vmem_shared>>) offsets(%dma_start3A_18 : memref<125xi32, #tpu.memory_space<vmem>>) semaphore(%run_scoped3A : memref<!tpu.dma_semaphore, #tpu.memory_space<semaphore_mem>>) {add = true}
        %dma_wait3A = arith.constant 0 : i32
        %dma_wait3A_21 = tpu.memref_slice %arg6[%add3A_16, %dma_wait3A] : memref<40x125xi32, #tpu.memory_space<vmem>> -> memref<1x125xi32, #tpu.memory_space<vmem>>
        %dma_wait3A_22 = tpu.memref_squeeze %dma_wait3A_21 : memref<1x125xi32, #tpu.memory_space<vmem>> -> memref<125xi32, #tpu.memory_space<vmem>>
        %dma_wait3A_23 = arith.constant 0 : i32
        %dma_wait3A_24 = tpu.memref_slice %arg9[%dma_wait3A_23] : memref<10240xf32, #tpu.memory_space<vmem_shared>> -> memref<10240xf32, #tpu.memory_space<vmem_shared>>
        tpu.wait_indirect_dma semaphore(%run_scoped3A : memref<!tpu.dma_semaphore, #tpu.memory_space<semaphore_mem>>) src(%arg7 : memref<125xf32, #tpu.memory_space<vmem>>) dst(%dma_wait3A_24 : memref<10240xf32, #tpu.memory_space<vmem_shared>>)
        tpu.yield
      }) : () -> ()
    }
    %scan3A_6 = arith.constant 40 : i32
    %barrier3A_7 = arith.constant 0 : index
    tpu.barrier barrier_id(%barrier3A_7)
    %mul3A_8 = arith.constant 640 : i32
    %mul3A_9 = arith.muli %arg1, %mul3A_8 : i32
    "tpu.region"() ({
      %run_scoped3A = tpu.sem_alloc : memref<!tpu.dma_semaphore, #tpu.memory_space<semaphore_mem>>
      %dma_start3A = tpu.memref_slice %arg9[%mul3A_9] : memref<10240xf32, #tpu.memory_space<vmem_shared>> -> memref<640xf32, #tpu.memory_space<vmem_shared>>
      %dma_start3A_12 = tpu.memref_slice %arg9[%mul3A_9] : memref<10240xf32, #tpu.memory_space<vmem_shared>> -> memref<640xf32, #tpu.memory_space<vmem_shared>>
      tpu.enqueue_dma source(%dma_start3A_12 : memref<640xf32, #tpu.memory_space<vmem_shared>>) target(%arg8 : memref<640xf32, #tpu.memory_space<vmem>>) target_semaphore(%run_scoped3A : memref<!tpu.dma_semaphore, #tpu.memory_space<semaphore_mem>>)
      %dma_wait3A = tpu.memref_slice %arg9[%mul3A_9] : memref<10240xf32, #tpu.memory_space<vmem_shared>> -> memref<640xf32, #tpu.memory_space<vmem_shared>>
      %dma_wait3A_13 = tpu.memref_slice %arg9[%mul3A_9] : memref<10240xf32, #tpu.memory_space<vmem_shared>> -> memref<640xf32, #tpu.memory_space<vmem_shared>>
      tpu.wait_dma2 semaphore(%run_scoped3A : memref<!tpu.dma_semaphore, #tpu.memory_space<semaphore_mem>>) src(%dma_wait3A_13 : memref<640xf32, #tpu.memory_space<vmem_shared>>) dst(%arg8 : memref<640xf32, #tpu.memory_space<vmem>>)
      tpu.yield
    }) : () -> ()
    %mul3A_10 = arith.constant 640 : i32
    %mul3A_11 = arith.muli %arg1, %mul3A_10 : i32
    "tpu.region"() ({
      %run_scoped3A = tpu.sem_alloc : memref<!tpu.dma_semaphore, #tpu.memory_space<semaphore_mem>>
      %dma_start3A = tpu.memref_slice %arg5[%arg0, %mul3A_11] : memref<2x10240xf32, #tpu.memory_space<hbm>> -> memref<1x640xf32, #tpu.memory_space<hbm>>
      %dma_start3A_12 = tpu.memref_squeeze %dma_start3A : memref<1x640xf32, #tpu.memory_space<hbm>> -> memref<640xf32, #tpu.memory_space<hbm>>
      %dma_start3A_13 = tpu.memref_slice %arg5[%arg0, %mul3A_11] : memref<2x10240xf32, #tpu.memory_space<hbm>> -> memref<1x640xf32, #tpu.memory_space<hbm>>
      %dma_start3A_14 = tpu.memref_squeeze %dma_start3A_13 : memref<1x640xf32, #tpu.memory_space<hbm>> -> memref<640xf32, #tpu.memory_space<hbm>>
      tpu.enqueue_dma source(%arg8 : memref<640xf32, #tpu.memory_space<vmem>>) target(%dma_start3A_14 : memref<640xf32, #tpu.memory_space<hbm>>) target_semaphore(%run_scoped3A : memref<!tpu.dma_semaphore, #tpu.memory_space<semaphore_mem>>)
      %dma_wait3A = tpu.memref_slice %arg5[%arg0, %mul3A_11] : memref<2x10240xf32, #tpu.memory_space<hbm>> -> memref<1x640xf32, #tpu.memory_space<hbm>>
      %dma_wait3A_15 = tpu.memref_squeeze %dma_wait3A : memref<1x640xf32, #tpu.memory_space<hbm>> -> memref<640xf32, #tpu.memory_space<hbm>>
      %dma_wait3A_16 = tpu.memref_slice %arg5[%arg0, %mul3A_11] : memref<2x10240xf32, #tpu.memory_space<hbm>> -> memref<1x640xf32, #tpu.memory_space<hbm>>
      %dma_wait3A_17 = tpu.memref_squeeze %dma_wait3A_16 : memref<1x640xf32, #tpu.memory_space<hbm>> -> memref<640xf32, #tpu.memory_space<hbm>>
      tpu.wait_dma2 semaphore(%run_scoped3A : memref<!tpu.dma_semaphore, #tpu.memory_space<semaphore_mem>>) src(%arg8 : memref<640xf32, #tpu.memory_space<vmem>>) dst(%dma_wait3A_17 : memref<640xf32, #tpu.memory_space<hbm>>)
      tpu.yield
    }) : () -> ()
    return
  }
}

module attributes {stable_mosaic.version = 14 : i64} {
  func.func @_mm_body(%arg0: i32, %arg1: memref<5000x256xf32, #tpu.memory_space<vmem>>, %arg2: memref<256x256xf32, #tpu.memory_space<vmem>>, %arg3: memref<5000x2xf32, #tpu.memory_space<vmem>>, %arg4: memref<2x5000x128xf32, #tpu.memory_space<vmem>>) attributes {dimension_semantics = [#tpu.dimension_semantics<arbitrary>], iteration_bounds = array<i64: 2>, scalar_prefetch = 0 : i64, scratch_operands = 0 : i64, tpu.core_type = #tpu.core_type<tc>, window_params = [{transform_indices = @transform_0, window_bounds = array<i64: 5000, 256>}, {pipeline_mode = #tpu.pipeline_mode<synchronous>, transform_indices = @transform_1, window_bounds = array<i64: 256, 256>}, {transform_indices = @transform_2, window_bounds = array<i64: 5000, 2>}, {transform_indices = @transform_3, window_bounds = array<i64: 2, 5000, 128>}]} {
    %get3A = arith.constant 0 : index
    %get3A_0 = arith.constant 0 : index
    %get3A_1 = vector.load %arg3[%get3A, %get3A_0] : memref<5000x2xf32, #tpu.memory_space<vmem>>, vector<5000x1xf32>
    %get3A_2 = arith.constant 0 : index
    %get3A_3 = arith.constant 1 : index
    %get3A_4 = vector.load %arg3[%get3A_2, %get3A_3] : memref<5000x2xf32, #tpu.memory_space<vmem>>, vector<5000x1xf32>
    %add3A = arith.addf %get3A_1, %get3A_4 : vector<5000x1xf32>
    %add3A_5 = arith.constant 1.000000e+00 : f32
    %add3A_6 = vector.broadcast %add3A_5 : f32 to vector<5000x1xf32>
    %add3A_7 = arith.addf %add3A, %add3A_6 : vector<5000x1xf32>
    %rsqrt3A = math.rsqrt %add3A_7 : vector<5000x1xf32>
    %get3A_8 = arith.constant 0 : index
    %get3A_9 = arith.constant 0 : index
    %get3A_10 = vector.load %arg1[%get3A_8, %get3A_9] : memref<5000x256xf32, #tpu.memory_space<vmem>>, vector<5000x256xf32>
    %get3A_11 = arith.constant 0 : index
    %get3A_12 = arith.constant 0 : index
    %get3A_13 = vector.load %arg2[%get3A_11, %get3A_12] : memref<256x256xf32, #tpu.memory_space<vmem>>, vector<256x256xf32>
    %dot_general3A = arith.constant dense<0.000000e+00> : vector<5000x256xf32>
    %dot_general3A_14 = tpu.matmul %get3A_10, %get3A_13, %dot_general3A {dimension_numbers = #tpu.dot_dimension_numbers<[1], [0], [0], [1], [0, 0, 1, 1], [], []>, transpose_lhs_hint = false} : vector<5000x256xf32>, vector<256x256xf32>, vector<5000x256xf32> -> vector<5000x256xf32>
    %mul3A = vector.broadcast %rsqrt3A : vector<5000x1xf32> to vector<5000x256xf32>
    %mul3A_15 = arith.mulf %dot_general3A_14, %mul3A : vector<5000x256xf32>
    %slice3A = vector.extract_strided_slice %mul3A_15 {offsets = [0, 0], sizes = [5000, 128], strides = [1, 1]} : vector<5000x256xf32> to vector<5000x128xf32>
    %swap3A = arith.constant 0 : index
    %swap3A_16 = arith.constant 0 : index
    %swap3A_17 = arith.constant 0 : index
    %swap3A_18 = vector.load %arg4[%swap3A, %swap3A_16, %swap3A_17] : memref<2x5000x128xf32, #tpu.memory_space<vmem>>, vector<1x5000x128xf32>
    %swap3A_19 = vector.shape_cast %swap3A_18 : vector<1x5000x128xf32> to vector<5000x128xf32>
    %swap3A_20 = vector.shape_cast %slice3A : vector<5000x128xf32> to vector<1x5000x128xf32>
    tpu.vector_store %arg4[%swap3A, %swap3A_16, %swap3A_17], %swap3A_20 {strides = array<i32>} : memref<2x5000x128xf32, #tpu.memory_space<vmem>>, vector<1x5000x128xf32>,
    %slice3A_21 = vector.extract_strided_slice %mul3A_15 {offsets = [0, 128], sizes = [5000, 128], strides = [1, 1]} : vector<5000x256xf32> to vector<5000x128xf32>
    %swap3A_22 = arith.constant 1 : index
    %swap3A_23 = arith.constant 0 : index
    %swap3A_24 = arith.constant 0 : index
    %swap3A_25 = vector.load %arg4[%swap3A_22, %swap3A_23, %swap3A_24] : memref<2x5000x128xf32, #tpu.memory_space<vmem>>, vector<1x5000x128xf32>
    %swap3A_26 = vector.shape_cast %swap3A_25 : vector<1x5000x128xf32> to vector<5000x128xf32>
    %swap3A_27 = vector.shape_cast %slice3A_21 : vector<5000x128xf32> to vector<1x5000x128xf32>
    tpu.vector_store %arg4[%swap3A_22, %swap3A_23, %swap3A_24], %swap3A_27 {strides = array<i32>} : memref<2x5000x128xf32, #tpu.memory_space<vmem>>, vector<1x5000x128xf32>,
    return
  }
  func.func @transform_0(%arg0: i32) -> (i32, i32) {
    %c0_i32 = arith.constant 0 : i32
    %c0_i32_0 = arith.constant 0 : i32
    return %arg0, %c0_i32 : i32, i32
  }
  func.func @transform_1(%arg0: i32) -> (i32, i32) {
    %c0_i32 = arith.constant 0 : i32
    %c0_i32_0 = arith.constant 0 : i32
    %c0_i32_1 = arith.constant 0 : i32
    return %c0_i32, %c0_i32_0 : i32, i32
  }
  func.func @transform_2(%arg0: i32) -> (i32, i32) {
    %c0_i32 = arith.constant 0 : i32
    %c0_i32_0 = arith.constant 0 : i32
    return %arg0, %c0_i32 : i32, i32
  }
  func.func @transform_3(%arg0: i32) -> (i32, i32, i32) {
    %c0_i32 = arith.constant 0 : i32
    %c0_i32_0 = arith.constant 0 : i32
    %c0_i32_1 = arith.constant 0 : i32
    return %c0_i32, %arg0, %c0_i32_0 : i32, i32, i32
  }
}

module attributes {stable_mosaic.version = 14 : i64} {
  func.func @_fin_body(%arg0: i32, %arg1: memref<2x5000x128xf32, #tpu.memory_space<vmem>>, %arg2: memref<5000x2xf32, #tpu.memory_space<vmem>>, %arg3: memref<1x256xf32, #tpu.memory_space<vmem>>, %arg4: memref<5000x256xf32, #tpu.memory_space<vmem>>) attributes {dimension_semantics = [#tpu.dimension_semantics<arbitrary>], iteration_bounds = array<i64: 2>, scalar_prefetch = 0 : i64, scratch_operands = 0 : i64, tpu.core_type = #tpu.core_type<tc>, window_params = [{transform_indices = @transform_0, window_bounds = array<i64: 2, 5000, 128>}, {transform_indices = @transform_1, window_bounds = array<i64: 5000, 2>}, {pipeline_mode = #tpu.pipeline_mode<synchronous>, transform_indices = @transform_2, window_bounds = array<i64: 1, 256>}, {transform_indices = @transform_3, window_bounds = array<i64: 5000, 256>}]} {
    %get3A = arith.constant 0 : index
    %get3A_0 = arith.constant 0 : index
    %get3A_1 = vector.load %arg2[%get3A, %get3A_0] : memref<5000x2xf32, #tpu.memory_space<vmem>>, vector<5000x1xf32>
    %get3A_2 = arith.constant 0 : index
    %get3A_3 = arith.constant 1 : index
    %get3A_4 = vector.load %arg2[%get3A_2, %get3A_3] : memref<5000x2xf32, #tpu.memory_space<vmem>>, vector<5000x1xf32>
    %add3A = arith.addf %get3A_1, %get3A_4 : vector<5000x1xf32>
    %add3A_5 = arith.constant 1.000000e+00 : f32
    %add3A_6 = vector.broadcast %add3A_5 : f32 to vector<5000x1xf32>
    %add3A_7 = arith.addf %add3A, %add3A_6 : vector<5000x1xf32>
    %rsqrt3A = math.rsqrt %add3A_7 : vector<5000x1xf32>
    %get3A_8 = arith.constant 0 : index
    %get3A_9 = arith.constant 0 : index
    %get3A_10 = arith.constant 0 : index
    %get3A_11 = vector.load %arg1[%get3A_8, %get3A_9, %get3A_10] : memref<2x5000x128xf32, #tpu.memory_space<vmem>>, vector<1x5000x128xf32>
    %get3A_12 = vector.shape_cast %get3A_11 : vector<1x5000x128xf32> to vector<5000x128xf32>
    %mul3A = vector.broadcast %rsqrt3A : vector<5000x1xf32> to vector<5000x128xf32>
    %mul3A_13 = arith.mulf %get3A_12, %mul3A : vector<5000x128xf32>
    %get3A_14 = arith.constant 0 : index
    %get3A_15 = arith.constant 0 : index
    %get3A_16 = vector.load %arg3[%get3A_14, %get3A_15] : memref<1x256xf32, #tpu.memory_space<vmem>>, vector<1x128xf32>
    %add3A_17 = vector.broadcast %get3A_16 : vector<1x128xf32> to vector<5000x128xf32>
    %add3A_18 = arith.addf %mul3A_13, %add3A_17 : vector<5000x128xf32>
    %swap3A = arith.constant 0 : index
    %swap3A_19 = arith.constant 0 : index
    %swap3A_20 = vector.load %arg4[%swap3A, %swap3A_19] : memref<5000x256xf32, #tpu.memory_space<vmem>>, vector<5000x128xf32>
    tpu.vector_store %arg4[%swap3A, %swap3A_19], %add3A_18 {strides = array<i32>} : memref<5000x256xf32, #tpu.memory_space<vmem>>, vector<5000x128xf32>,
    %get3A_21 = arith.constant 1 : index
    %get3A_22 = arith.constant 0 : index
    %get3A_23 = arith.constant 0 : index
    %get3A_24 = vector.load %arg1[%get3A_21, %get3A_22, %get3A_23] : memref<2x5000x128xf32, #tpu.memory_space<vmem>>, vector<1x5000x128xf32>
    %get3A_25 = vector.shape_cast %get3A_24 : vector<1x5000x128xf32> to vector<5000x128xf32>
    %mul3A_26 = vector.broadcast %rsqrt3A : vector<5000x1xf32> to vector<5000x128xf32>
    %mul3A_27 = arith.mulf %get3A_25, %mul3A_26 : vector<5000x128xf32>
    %get3A_28 = arith.constant 0 : index
    %get3A_29 = arith.constant 128 : index
    %get3A_30 = vector.load %arg3[%get3A_28, %get3A_29] : memref<1x256xf32, #tpu.memory_space<vmem>>, vector<1x128xf32>
    %add3A_31 = vector.broadcast %get3A_30 : vector<1x128xf32> to vector<5000x128xf32>
    %add3A_32 = arith.addf %mul3A_27, %add3A_31 : vector<5000x128xf32>
    %swap3A_33 = arith.constant 0 : index
    %swap3A_34 = arith.constant 128 : index
    %swap3A_35 = vector.load %arg4[%swap3A_33, %swap3A_34] : memref<5000x256xf32, #tpu.memory_space<vmem>>, vector<5000x128xf32>
    tpu.vector_store %arg4[%swap3A_33, %swap3A_34], %add3A_32 {strides = array<i32>} : memref<5000x256xf32, #tpu.memory_space<vmem>>, vector<5000x128xf32>,
    return
  }
  func.func @transform_0(%arg0: i32) -> (i32, i32, i32) {
    %c0_i32 = arith.constant 0 : i32
    %c0_i32_0 = arith.constant 0 : i32
    %c0_i32_1 = arith.constant 0 : i32
    return %c0_i32, %arg0, %c0_i32_0 : i32, i32, i32
  }
  func.func @transform_1(%arg0: i32) -> (i32, i32) {
    %c0_i32 = arith.constant 0 : i32
    %c0_i32_0 = arith.constant 0 : i32
    return %arg0, %c0_i32 : i32, i32
  }
  func.func @transform_2(%arg0: i32) -> (i32, i32) {
    %c0_i32 = arith.constant 0 : i32
    %c0_i32_0 = arith.constant 0 : i32
    %c0_i32_1 = arith.constant 0 : i32
    return %c0_i32, %c0_i32_0 : i32, i32
  }
  func.func @transform_3(%arg0: i32) -> (i32, i32) {
    %c0_i32 = arith.constant 0 : i32
    %c0_i32_0 = arith.constant 0 : i32
    return %arg0, %c0_i32 : i32, i32
  }
}

</mosaic_0001>

<sc_bundles>
// kernel: kernel.6.cloned.1.call-start
scs
__scs_entry_jumppad:
0x0: {  	(pc) =	sbr.rel $0x88, $3  }
0x1: {  	(tag) =	ssettag $0x0;
	lr =	simm.s32 $0x1  }
0x2: {  	[smem:$0x3F9D] =	sst lr;
	_ =	strace $0xD0000000  }
0x3: {  	_ = 	snop  }
0x4: {  	_ = 	snop  }
0x5: {  	_ = 	snop  }
0x6: {  	_ = 	snop  }
0x7: {  	_ = 	snop  }
__scs_overlays_trampoline_lowered:
0x8: {  	[smem:$0x3FAC] =	sst s0  }
0x9: {  	[smem:$0x3FAD] =	sst s1  }
0xa: {  	[smem:$0x3FAE] =	sst s2  }
0xb: {  	[smem:$0x3FAF] =	sst s3  }
0xc: {  	[smem:$0x3FB0] =	sst s4  }
0xd: {  	[smem:$0x3FB1] =	sst s5  }
0xe: {  	[smem:$0x3FB2] =	sst s6  }
0xf: {  	[smem:$0x3FB3] =	sst s7  }
0x10: {  	[smem:$0x3FB4] =	sst s8  }
0x11: {  	[smem:$0x3FB5] =	sst s9;
	s0 =	simm.s32 @!p0 $0x0  }
0x12: {  	s1 =	sld [smem:$0x3F9B];
	s0 =	simm.s32 @p0 $0x1  }
0x13: {  	[smem:$0x3FB6] =	sst s0;
	s0 =	simm.s32 @!p1 $0x0  }
0x14: {  	s2 =	sld [smem:$0x3F9A];
	s0 =	simm.s32 @p1 $0x1  }
0x15: {  	[smem:$0x3FB7] =	sst s0;
	s0 =	simm.s32 @!p2 $0x0  }
0x16: {  	s3 =	sld [smem:$0x3FDB];
	s0 =	simm.s32 @p2 $0x1  }
0x17: {  	s4 =	simm.s32 $0x1BF5;
	[smem:$0x3FB9] =	sst s0  }
0x18: {  	s0 =	sld [smem:$0x3F9C];
	_ =	swait.ge [sflag:s4], $0x0  }
0x19: {  	s7 =	sld [smem:$0x3F9D]  }
0x1a: {  	s8 =	sadd.s32 $0xFFFFE003, lr  }
0x1b: {  	s9 =	sadd.s32 $0xFFFFFEF7, lr;
	s5 =	simm.s32 $0xFFFFFFFF;
	p2 =	slt.u32 s8, $0xFFFFF086  }
0x1c: {  	p1 =	slt.u32 s9, $0xF7A;
	s5 =	simm.s32 @!p2 $0x0  }
0x1d: {  	s5 =	simm.s32 @p1 $0x1;
	p0 =	seq.s32 s7, s2  }
0x1e: {  	s7 =	smul.u32 @!p0 $0xF7A, s2;
	p2 =	seq.s32 @!p0 s5, $0x0  }
0x1f: {  	s9 =	smul.u32 $0xF7A, s1;
	s8 =	simm.s32 @!p0 $0x1BF5;
	p2 =	por !p2, p0  }
0x20: {  	[sflag:s8] =	ssyncset.s32 @!p0 $0xFFFFF086;
	s6 =	sadd.s32 @!p0 s3, s7;
	s7 =	simm.s32 @!p0 $0x108  }
0x21: {  	s3 =	sadd.s32 s3, s9;
	s6 =	sadd.s32 @!p0 $0x88, s6;
	s7 =	simm.s32 @p2 $0x1082  }
0x22: {  	[simem:s7], [sflag:s8] =	dma.local @!p0 [hbm:s6], $0xF7A  }
0x23: {  	s9 =	sor.u32 $0xD0000000, s2;
	s6 =	simm.s32 $0x108;
	_ =	swait.ge @!p0 [sflag:s8], $0x0  }
0x24: {  	s3 =	sadd.s32 $0x88, s3;
	s6 =	simm.s32 @!p1 $0x1082;
	[sflag:s4] =	ssyncset.s32 $0xFFFFF086  }
0x25: {  	[simem:s6], [sflag:s4] =	dma.local [hbm:s3], $0xF7A  }
0x26: {  	[smem:$0x3F9D] =	sst s1;
	(tag) =	ssettag s2;
	_ =	strace s9  }
0x27: {  	s1 =	sld [smem:$0x3FAD]  }
0x28: {  	s2 =	sld [smem:$0x3FAE]  }
0x29: {  	s4 =	sld [smem:$0x3FB0]  }
0x2a: {  	p0 =	seq.s32 s5, $0x0;
	s5 =	sld [smem:$0x3FB1]  }
0x2b: {  	s6 =	sld [smem:$0x3FB2]  }
0x2c: {  	s7 =	sld [smem:$0x3FB3]  }
0x2d: {  	s3 =	simm.s32 $0x108;
	s8 =	sld [smem:$0x3FB4]  }
0x2e: {  	s3 =	simm.s32 @!p0 $0x1082;
	s9 =	sld [smem:$0x3FB5]  }
0x2f: {  	lr =	sadd.s32 s0, s3;
	s0 =	sld [smem:$0x3FAC]  }
0x30: {  	s3 =	sld [smem:$0x3FAF]  }
0x31: {  	[smem:$0x3FB8] =	sst s10  }
0x32: {  	s10 =	sld [smem:$0x3FB6];
	_ =	sdelay $0x3  }
0x33: {  	p0 =	seq.s32 s10, $0x1;
	s10 =	sld [smem:$0x3FB8];
	_ =	sdelay $0x3  }
0x34: {  	[smem:$0x3FB8] =	sst s10  }
0x35: {  	s10 =	sld [smem:$0x3FB7];
	_ =	sdelay $0x3  }
0x36: {  	p1 =	seq.s32 s10, $0x1;
	s10 =	sld [smem:$0x3FB8];
	_ =	sdelay $0x3  }
0x37: {  	[smem:$0x3FB8] =	sst s10  }
0x38: {  	s10 =	sld [smem:$0x3FB9]  }
0x39: {  	_ = 	snop;
	(pc) =	sbr.ind lr, $3  }
0x3a: {  	_ = 	snop  }
0x3b: {  	_ = 	snop  }
0x3c: {  	p2 =	seq.s32 s10, $0x1;
	s10 =	sld [smem:$0x3FB8]  }
0x3d: {  	_ =	shalt  }
0x3e: {  	_ =	shalt  }
0x3f: {  	_ =	shalt  }
0x40: {  	_ =	shalt  }
0x41: {  	_ =	shalt  }
0x42: {  	_ =	shalt  }
0x43: {  	_ =	shalt  }
0x44: {  	_ =	shalt  }
0x45: {  	_ =	shalt  }
0x46: {  	_ =	shalt  }
0x47: {  	_ =	shalt  }
0x48: {  	_ =	shalt  }
0x49: {  	_ =	shalt  }
0x4a: {  	_ =	shalt  }
0x4b: {  	_ =	shalt  }
0x4c: {  	_ =	shalt  }
0x4d: {  	_ =	shalt  }
0x4e: {  	_ =	shalt  }
0x4f: {  	_ =	shalt  }
0x50: {  	_ =	shalt  }
0x51: {  	_ =	shalt  }
0x52: {  	_ =	shalt  }
0x53: {  	_ =	shalt  }
0x54: {  	_ =	shalt  }
0x55: {  	_ =	shalt  }
0x56: {  	_ =	shalt  }
0x57: {  	_ =	shalt  }
0x58: {  	_ =	shalt  }
0x59: {  	_ =	shalt  }
0x5a: {  	_ =	shalt  }
0x5b: {  	_ =	shalt  }
0x5c: {  	_ =	shalt  }
0x5d: {  	_ =	shalt  }
0x5e: {  	_ =	shalt  }
0x5f: {  	_ =	shalt  }
0x60: {  	_ =	shalt  }
0x61: {  	_ =	shalt  }
0x62: {  	_ =	shalt  }
0x63: {  	_ =	shalt  }
0x64: {  	_ =	shalt  }
0x65: {  	_ =	shalt  }
0x66: {  	_ =	shalt  }
0x67: {  	_ =	shalt  }
0x68: {  	_ =	shalt  }
0x69: {  	_ =	shalt  }
0x6a: {  	_ =	shalt  }
0x6b: {  	_ =	shalt  }
0x6c: {  	_ =	shalt  }
0x6d: {  	_ =	shalt  }
0x6e: {  	_ =	shalt  }
0x6f: {  	_ =	shalt  }
0x70: {  	_ =	shalt  }
0x71: {  	_ =	shalt  }
0x72: {  	_ =	shalt  }
0x73: {  	_ =	shalt  }
0x74: {  	_ =	shalt  }
0x75: {  	_ =	shalt  }
0x76: {  	_ =	shalt  }
0x77: {  	_ =	shalt  }
0x78: {  	_ =	shalt  }
0x79: {  	_ =	shalt  }
0x7a: {  	_ =	shalt  }
0x7b: {  	_ =	shalt  }
0x7c: {  	_ =	shalt  }
0x7d: {  	_ =	shalt  }
0x7e: {  	_ =	shalt  }
0x7f: {  	_ =	shalt  }
0x80: {  	_ =	shalt  }
0x81: {  	_ =	shalt  }
0x82: {  	_ =	shalt  }
0x83: {  	_ =	shalt  }
0x84: {  	_ =	shalt  }
0x85: {  	_ =	shalt  }
0x86: {  	_ =	shalt  }
0x87: {  	_ =	shalt  }
.Lfunc_end0:
.L_simem_size_0:
called_computation_lowered:
.L_overlay_start_0:
0x88: {  	s2 =	sld [smem:$0x3FD9]  }
0x89: {  	s3 =	sld [smem:$0x3FFE];
	_ =	sdelay $0x1  }
0x8a: {  	s1 =	srdreg.scid  }
0x8b: {  	s0 =	sand.u32 $0x1, s1  }
0x8c: {  	s17 =	sshll.u32 s0, $0xA;
	s2 =	sadd.s32 s3, s2  }
0x8d: {  	s2 =	sadd.s32 s2, s17  }
0x8e: {  	[smem:$0x3FC4] =	sst s2  }
0x8f: {  	_ = 	snop  }
0x90: {  	s2 =	sld [smem:$0x3FD0];
	(tm) =	ssettm $0x1  }
0x91: {  	s18 =	sld [smem:$0x3FFB];
	_ =	sdelay $0x3  }
0x92: {  	_ =	strace s18  }
0x93: {  	s3 =	sld [smem:$0x3FFC];
	_ =	sdelay $0x3  }
0x94: {  	_ =	strace s3  }
0x95: {  	s3 =	sld [smem:$0x3FFD];
	_ =	sdelay $0x3  }
0x96: {  	_ =	strace s3  }
0x97: {  	_ =	strace $0x8FFFFFFF  }
0x98: {  	s19 =	sld [smem:$0x3FDB];
	_ =	sdelay $0x1  }
0x99: {  	s4 =	simm.s32 $_scs_section_size  }
0x9a: {  	s5 =	simm.s32 $_size__tile_overlayer_lowered;
	s6 =	simm.s32 $_tile_overlayer_lowered  }
0x9b: {  	s22 =	simm.s32 $0x1BFF;
	s21 =	sshll.u32 s6, $0x1;
	s3 =	sadd.s32 s4, s19  }
0x9c: {  	s7 =	simm.s32 $0x0;
	s20 =	sshll.u32 s5, $0x1;
	s5 =	sadd.s32 s21, s3  }
0x9d: {  	[timem:s7], [sflag:s22] =	dma.local [hbm:s5], s20  }
0x9e: {  	_ =	swait.ge [sflag:s22], s20  }
0x9f: {  	s4 =	ssub.s32 $0x0, s20;
	[sflag:s22] =	ssyncset.done $0x0  }
0xa0: {  	[sflag:s22] =	ssyncadd.s32 s4;
	_ =	sdelay $0x1  }
0xa1: {  	s23 =	simm.s32 $0x1B8B  }
0xa2: {  	_ =	swait.ge [sflag:s23], $0x1  }
0xa3: {  	[sflag:s23] =	ssyncset.done $0x0  }
0xa4: {  	s25 =	simm.s32 $0x1B8E;
	s24 =	sld [smem:$0x3FFE];
	[sflag:s23] =	ssyncadd.s32 $0xFFFFFFFF  }
0xa5: {  	s26 =	simm.s32 $execute0_lowered;
	[smem:$0x3FD2] =	sst s25  }
0xa6: {  	s5 =	sshll.u32 s26, $0x1;
	_ =	strace $0x80000046;
	[dreg:$0x1] =	wrdreg $0xFFFFFFFF  }
0xa7: {  	s28 =	simm.s32 $_size_execute0_lowered;
	s3 =	sadd.s32 s3, s5;
	[dreg:$0x0] =	wrdreg $0x0  }
0xa8: {  	s5 =	sshll.u32 s28, $0x1;
	[dreg:$0x2] =	wrdreg s3  }
0xa9: {  	[dreg:$0x3] =	wrdreg s5  }
0xaa: {  	[dreg:$0x4] =	wrdreg $0xC0  }
0xab: {  	_ =	task [dreg:s7], $0x5FFFF  }
0xac: {  	[dreg:$0x1] =	wrdreg $0xFFFFFFFF  }
0xad: {  	[dreg:$0x0] =	wrdreg $0x60  }
0xae: {  	[dreg:$0x2] =	wrdreg s2  }
0xaf: {  	[dreg:$0x3] =	wrdreg s24  }
0xb0: {  	[dreg:$0x4] =	wrdreg $0x17000  }
0xb1: {  	[dreg:$0x5] =	wrdreg $0x9  }
0xb2: {  	_ =	task.clear_ibuf [dreg:s7], $0x6FFFF;
	_ =	strace $0x90000046  }
0xb3: {  	s29 =	simm.s32 $0x9;
	_ =	strace $0x80000048  }
0xb4: {  	_ =	swait.ge [sflag:s29], $0x1  }
0xb5: {  	[sflag:s29] =	ssyncadd.s32 $0xFFFFFFFF  }
0xb6: {  	_ =	strace $0x90000048  }
0xb7: {  	_ =	sfence  }
0xb8: {  	s30 =	sld [smem:$0x0];
	_ =	sdelay $0x2  }
0xb9: {  	s31 =	sshll.u32 s1, $0xD;
	s1 =	sshrl.u32 s1, $0x2  }
0xba: {  	s3 =	sand.u32 $0x4000, s31;
	s1 =	sadd.s32 s1, s30  }
0xbb: {  	s0 =	sor.u32 s3, s0;
	s1 =	sshll.u32 s1, $0x11  }
0xbc: {  	s0 =	sor.u32 s1, s0  }
0xbd: {  	s0 =	sadd.s32 $0x8F2B, s0  }
0xbe: {  	[sflag:s0] =	ssyncadd.remote.s32 $0x1  }
0xbf: {  	_ =	sfence.sel $0xFFFF  }
0xc0: {  	[dreg:$0x0] =	wrdreg $0xFFFFFFFF;
	(pc) =	sbr.abs _section_cstart, $3  }
0xc1: {  	[dreg:$0x1] =	wrdreg $0xFFFFFFFF  }
0xc2: {  	_ =	task.clear_ibuf [dreg:s7], $0x2FFFF;
	_ =	strace $0x9FFFFFFF  }
0xc3: {  	(tm) =	ssettm $0x7FFFFFFF  }
tec
execute0_lowered:
.L_overlay_start_1:
0x0: {  	(tag) =	ssettag $0x1  }
0x1: {  	s6 =	rddreg [dreg:$0x0]  }
0x2: {  	s7 =	rddreg [dreg:$0x1]  }
0x3: {  	s1 =	rddreg [dreg:$0x2]  }
0x4: {  	s0 =	rddreg [dreg:$0x3];
	s3 =	simm.s32 $0x0;
	s5 =	srdreg.scid  }
0x5: {  	s2 =	stileid.u32;
	s13 =	simm.s32 $0x7D;
	s14 =	simm.s32 $0x80  }
0x6: {  	s15 =	simm.s32 $0x100;
	s16 =	simm.s32 $0x0;
	[smem:$0x7FF] =	sst s3  }
0x7: {  	s4 =	sadd.s32 $0x800, s7;
	s8 =	sand.u32 $0x1, s5;
	s9 =	smul.u32 $0x500, s2  }
0x8: {  	s5 =	sadd.s32 $0xA00, s7;
	s11 =	sshll.u32 s2, $0x1;
	s30 =	smul.u32 $0xA00, s2  }
0x9: {  	_ =	strace $0x80000047;
	s10 =	sshll.u32 s8, $0x7;
	s29 =	sor.u32 s8, s11  }
0xa: {  	s8 =	ssub.s32 $0x2, s8;
	s9 =	sor.u32 s10, s9;
	s10 =	smul.u32 $0x280, s29  }
0xb: {  	s31 =	sshrl.u32 s8, $0x1;
	s11 =	sshrl.u32 s30, $0x2;
	s9 =	sshrl.u32 s9, $0x3  }
0xc: {  	s12 =	ssub.s32 s8, s31;
	s9 =	sadd.s32 s9, s7;
	s6 =	sadd.s32 s6, s10  }
0xd: {  	s7 =	sadd.s32 s11, s1;
	s10 =	simm.s32 $0x1;
	s11 =	simm.s32 $0x1400  }
0xe: {  	s8 =	sadd.s32 $0xC00, s9;
	s9 =	smax.u32 s12, $0x1;
	s12 =	simm.s32 $0x1480  }
.LBB2_1:
0xf: {  	[tilespmem:s3], [sflag:$0x1] =	stream.linear.gather [hbm4b:s6+s3], $0x1400, $0x38;
	[tilespmem:$0x1980] =	vst v63  }
0x10: {  	_ =	swait.ge [sflag:s10], $0x1400  }
0x11: {  	[sflag:s10] =	ssyncset.done $0x0  }
0x12: {  	[sflag:s10] =	ssyncadd.s32 $0xFFFFEC00  }
0x13: {  	[tilespmem:s11], [sflag:$0x1] =	stream.linear.gather [hbm4b:s4+s3], $0x80, $0x38;
	[tilespmem:$0x1980] =	vst v63  }
0x14: {  	_ =	swait.ge [sflag:s10], $0x80  }
0x15: {  	[sflag:s10] =	ssyncset.done $0x0  }
0x16: {  	[sflag:s10] =	ssyncadd.s32 $0xFFFFFF80  }
0x17: {  	[tilespmem:s12], [sflag:$0x1] =	stream.linear.gather [hbm4b:s5+s3], $0x280, $0x38;
	[tilespmem:$0x1980] =	vst v63  }
0x18: {  	_ =	swait.ge [sflag:s10], $0x280  }
0x19: {  	[sflag:s10] =	ssyncset.done $0x0  }
0x1a: {  	[sflag:s10] =	ssyncadd.s32 $0xFFFFFD80  }
0x1b: {  	[spmem:s7] =	stream.linear.scatter [tilespmem:s12], [sflag:$0x1], $0x280, $0x38;
	[tilespmem:$0x1980] =	vst v63  }
0x1c: {  	_ =	swait.ge [sflag:s10], $0x280  }
0x1d: {  	[sflag:s10] =	ssyncset.done $0x0  }
0x1e: {  	[sflag:s10] =	ssyncadd.s32 $0xFFFFFD80  }
0x1f: {  	s17 =	simm.s32 $0x0;
	[bflag:$0x0] =	sbarrier.arrive $0xFFFF  }
0x20: {  	[spmem:s1] =	stream.indirect.scatter.add.f32 [tilespmem:s11], [sflag:$0x1], $0x1, s17, s13, $0xb8;
	[tilespmem:$0x1980] =	vst v63  }
0x21: {  	_ =	swait.ge [sflag:s10], $0x7D  }
0x22: {  	s17 =	simm.s32 $0x200;
	[sflag:s10] =	ssyncset.done $0x0  }
.LBB2_2:
0x23: {  	s18 =	sshra.s32 s17, $0x2;
	[sflag:s10] =	ssyncadd.s32 $0xFFFFFF83;
	p0 =	sne.s32 s17, $0x4E00  }
0x24: {  	[spmem:s1] =	stream.indirect.scatter.add.f32 [tilespmem:s11], [sflag:$0x1], $0x1, s18, s13, $0xb8;
	[tilespmem:$0x1980] =	vst v63  }
.Ltmp0:
0x25: {  	_ = 	snop;
	(pc) =	sbr.rel @p0 .LBB2_2-.Ltmp0, $4  }
0x26: {  	_ = 	snop  }
0x27: {  	s17 =	sadd.s32 $0x200, s17  }
0x28: {  	_ =	swait.ge [sflag:s10], $0x7D  }
0x29: {  	[sflag:s10] =	ssyncset.done $0x0  }
0x2a: {  	[sflag:s10] =	ssyncadd.s32 $0xFFFFFF83  }
0x2b: {  	[bflag:$0x0] =	sbarrier.arrive $0xFFFF  }
0x2c: {  	[tilespmem:s12], [sflag:$0x1] =	stream.linear.gather [spmem:s7], $0x280, $0x38;
	[tilespmem:$0x1980] =	vst v63  }
0x2d: {  	s16 =	sadd.s32 $0x1, s16;
	_ =	swait.ge [sflag:s10], $0x280  }
0x2e: {  	p0 =	sne.s32 s16, s9;
	[sflag:s10] =	ssyncset.done $0x0  }
.Ltmp1:
0x2f: {  	[sflag:s10] =	ssyncadd.s32 $0xFFFFFD80;
	(pc) =	sbr.rel @p0 .LBB2_1-.Ltmp1, $4  }
0x30: {  	[hbm4b:s8+s14] =	stream.strided.scatter [tilespmem:s12], [sflag:$0x1], $0x280, s15, s14, $0x38;
	[tilespmem:$0x1980] =	vst v63  }
0x31: {  	_ =	swait.ge [sflag:s10], $0x280  }
0x32: {  	[sflag:s10] =	ssyncset.done $0x0  }
0x33: {  	[sflag:s10] =	ssyncadd.s32 $0xFFFFFD80  }
0x34: {  	_ =	sfence.sel $0x180000  }
0x35: {  	[bflag:$0x0] =	sbarrier.arrive $0xFFFF  }
0x36: {  	p0 =	sne.s32 s2, $0x0;
	_ =	strace $0x90000047  }
0x37: {  	s0 =	sadd.s32 @!p0 $0x100000, s0;
	[bflag:$0x2] =	sbarrier.arrive $0xFFFF  }
0x38: {  	[sflag:s0] =	ssyncadd.tile.s32 @!p0 $0x1;
	_ =	shalt  }
.Lfunc_end2:
_tile_overlayer_lowered:
.L_overlay_start_2:
0x39: {  	(tag) =	ssettag $0x2  }
0x3a: {  	s0 =	rddreg [dreg:$0x0];
	s2 =	stileid.u32  }
0x3b: {  	s1 =	rddreg [dreg:$0x1];
	p0 =	sne.s32 s2, $0x0  }
0x3c: {  	s3 =	rddreg [dreg:$0x2];
	[bflag:$0x3] =	sbarrier.arrive $0xFFFF;
	s2 =	simm.s32 @!p0 $0x1C01  }
0x3d: {  	[timem:s3], [sflag:s2] =	dma.local @!p0 [hbm:s0], s1  }
0x3e: {  	s0 =	simm.s32 @!p0 $0x1  }
0x3f: {  	_ =	swait.ge @!p0 [sflag:s0], s1  }
0x40: {  	s1 =	ssub.s32 @!p0 $0x0, s1;
	[sflag:s0] =	ssyncset.done @!p0 $0x0  }
0x41: {  	[sflag:s0] =	ssyncadd.s32 @!p0 s1  }
0x42: {  	[bflag:$0x3] =	sbarrier.arrive $0xFFFF  }
0x43: {  	_ =	shalt  }

// kernel: kernel.9.cloned.1.call-start
scs
__scs_entry_jumppad:
0x0: {  	(pc) =	sbr.rel $0x88, $3  }
0x1: {  	(tag) =	ssettag $0x0;
	lr =	simm.s32 $0x1  }
0x2: {  	[smem:$0x3F9D] =	sst lr;
	_ =	strace $0xD0000000  }
0x3: {  	_ = 	snop  }
0x4: {  	_ = 	snop  }
0x5: {  	_ = 	snop  }
0x6: {  	_ = 	snop  }
0x7: {  	_ = 	snop  }
__scs_overlays_trampoline_lowered:
0x8: {  	[smem:$0x3FAC] =	sst s0  }
0x9: {  	[smem:$0x3FAD] =	sst s1  }
0xa: {  	[smem:$0x3FAE] =	sst s2  }
0xb: {  	[smem:$0x3FAF] =	sst s3  }
0xc: {  	[smem:$0x3FB0] =	sst s4  }
0xd: {  	[smem:$0x3FB1] =	sst s5  }
0xe: {  	[smem:$0x3FB2] =	sst s6  }
0xf: {  	[smem:$0x3FB3] =	sst s7  }
0x10: {  	[smem:$0x3FB4] =	sst s8  }
0x11: {  	[smem:$0x3FB5] =	sst s9;
	s0 =	simm.s32 @!p0 $0x0  }
0x12: {  	s1 =	sld [smem:$0x3F9B];
	s0 =	simm.s32 @p0 $0x1  }
0x13: {  	[smem:$0x3FB6] =	sst s0;
	s0 =	simm.s32 @!p1 $0x0  }
0x14: {  	s2 =	sld [smem:$0x3F9A];
	s0 =	simm.s32 @p1 $0x1  }
0x15: {  	[smem:$0x3FB7] =	sst s0;
	s0 =	simm.s32 @!p2 $0x0  }
0x16: {  	s3 =	sld [smem:$0x3FDB];
	s0 =	simm.s32 @p2 $0x1  }
0x17: {  	s4 =	simm.s32 $0x1BF5;
	[smem:$0x3FB9] =	sst s0  }
0x18: {  	s0 =	sld [smem:$0x3F9C];
	_ =	swait.ge [sflag:s4], $0x0  }
0x19: {  	s7 =	sld [smem:$0x3F9D]  }
0x1a: {  	s8 =	sadd.s32 $0xFFFFE003, lr  }
0x1b: {  	s9 =	sadd.s32 $0xFFFFFEF7, lr;
	s5 =	simm.s32 $0xFFFFFFFF;
	p2 =	slt.u32 s8, $0xFFFFF086  }
0x1c: {  	p1 =	slt.u32 s9, $0xF7A;
	s5 =	simm.s32 @!p2 $0x0  }
0x1d: {  	s5 =	simm.s32 @p1 $0x1;
	p0 =	seq.s32 s7, s2  }
0x1e: {  	s7 =	smul.u32 @!p0 $0xF7A, s2;
	p2 =	seq.s32 @!p0 s5, $0x0  }
0x1f: {  	s9 =	smul.u32 $0xF7A, s1;
	s8 =	simm.s32 @!p0 $0x1BF5;
	p2 =	por !p2, p0  }
0x20: {  	[sflag:s8] =	ssyncset.s32 @!p0 $0xFFFFF086;
	s6 =	sadd.s32 @!p0 s3, s7;
	s7 =	simm.s32 @!p0 $0x108  }
0x21: {  	s3 =	sadd.s32 s3, s9;
	s6 =	sadd.s32 @!p0 $0x88, s6;
	s7 =	simm.s32 @p2 $0x1082  }
0x22: {  	[simem:s7], [sflag:s8] =	dma.local @!p0 [hbm:s6], $0xF7A  }
0x23: {  	s9 =	sor.u32 $0xD0000000, s2;
	s6 =	simm.s32 $0x108;
	_ =	swait.ge @!p0 [sflag:s8], $0x0  }
0x24: {  	s3 =	sadd.s32 $0x88, s3;
	s6 =	simm.s32 @!p1 $0x1082;
	[sflag:s4] =	ssyncset.s32 $0xFFFFF086  }
0x25: {  	[simem:s6], [sflag:s4] =	dma.local [hbm:s3], $0xF7A  }
0x26: {  	[smem:$0x3F9D] =	sst s1;
	(tag) =	ssettag s2;
	_ =	strace s9  }
0x27: {  	s1 =	sld [smem:$0x3FAD]  }
0x28: {  	s2 =	sld [smem:$0x3FAE]  }
0x29: {  	s4 =	sld [smem:$0x3FB0]  }
0x2a: {  	p0 =	seq.s32 s5, $0x0;
	s5 =	sld [smem:$0x3FB1]  }
0x2b: {  	s6 =	sld [smem:$0x3FB2]  }
0x2c: {  	s7 =	sld [smem:$0x3FB3]  }
0x2d: {  	s3 =	simm.s32 $0x108;
	s8 =	sld [smem:$0x3FB4]  }
0x2e: {  	s3 =	simm.s32 @!p0 $0x1082;
	s9 =	sld [smem:$0x3FB5]  }
0x2f: {  	lr =	sadd.s32 s0, s3;
	s0 =	sld [smem:$0x3FAC]  }
0x30: {  	s3 =	sld [smem:$0x3FAF]  }
0x31: {  	[smem:$0x3FB8] =	sst s10  }
0x32: {  	s10 =	sld [smem:$0x3FB6];
	_ =	sdelay $0x3  }
0x33: {  	p0 =	seq.s32 s10, $0x1;
	s10 =	sld [smem:$0x3FB8];
	_ =	sdelay $0x3  }
0x34: {  	[smem:$0x3FB8] =	sst s10  }
0x35: {  	s10 =	sld [smem:$0x3FB7];
	_ =	sdelay $0x3  }
0x36: {  	p1 =	seq.s32 s10, $0x1;
	s10 =	sld [smem:$0x3FB8];
	_ =	sdelay $0x3  }
0x37: {  	[smem:$0x3FB8] =	sst s10  }
0x38: {  	s10 =	sld [smem:$0x3FB9]  }
0x39: {  	_ = 	snop;
	(pc) =	sbr.ind lr, $3  }
0x3a: {  	_ = 	snop  }
0x3b: {  	_ = 	snop  }
0x3c: {  	p2 =	seq.s32 s10, $0x1;
	s10 =	sld [smem:$0x3FB8]  }
0x3d: {  	_ =	shalt  }
0x3e: {  	_ =	shalt  }
0x3f: {  	_ =	shalt  }
0x40: {  	_ =	shalt  }
0x41: {  	_ =	shalt  }
0x42: {  	_ =	shalt  }
0x43: {  	_ =	shalt  }
0x44: {  	_ =	shalt  }
0x45: {  	_ =	shalt  }
0x46: {  	_ =	shalt  }
0x47: {  	_ =	shalt  }
0x48: {  	_ =	shalt  }
0x49: {  	_ =	shalt  }
0x4a: {  	_ =	shalt  }
0x4b: {  	_ =	shalt  }
0x4c: {  	_ =	shalt  }
0x4d: {  	_ =	shalt  }
0x4e: {  	_ =	shalt  }
0x4f: {  	_ =	shalt  }
0x50: {  	_ =	shalt  }
0x51: {  	_ =	shalt  }
0x52: {  	_ =	shalt  }
0x53: {  	_ =	shalt  }
0x54: {  	_ =	shalt  }
0x55: {  	_ =	shalt  }
0x56: {  	_ =	shalt  }
0x57: {  	_ =	shalt  }
0x58: {  	_ =	shalt  }
0x59: {  	_ =	shalt  }
0x5a: {  	_ =	shalt  }
0x5b: {  	_ =	shalt  }
0x5c: {  	_ =	shalt  }
0x5d: {  	_ =	shalt  }
0x5e: {  	_ =	shalt  }
0x5f: {  	_ =	shalt  }
0x60: {  	_ =	shalt  }
0x61: {  	_ =	shalt  }
0x62: {  	_ =	shalt  }
0x63: {  	_ =	shalt  }
0x64: {  	_ =	shalt  }
0x65: {  	_ =	shalt  }
0x66: {  	_ =	shalt  }
0x67: {  	_ =	shalt  }
0x68: {  	_ =	shalt  }
0x69: {  	_ =	shalt  }
0x6a: {  	_ =	shalt  }
0x6b: {  	_ =	shalt  }
0x6c: {  	_ =	shalt  }
0x6d: {  	_ =	shalt  }
0x6e: {  	_ =	shalt  }
0x6f: {  	_ =	shalt  }
0x70: {  	_ =	shalt  }
0x71: {  	_ =	shalt  }
0x72: {  	_ =	shalt  }
0x73: {  	_ =	shalt  }
0x74: {  	_ =	shalt  }
0x75: {  	_ =	shalt  }
0x76: {  	_ =	shalt  }
0x77: {  	_ =	shalt  }
0x78: {  	_ =	shalt  }
0x79: {  	_ =	shalt  }
0x7a: {  	_ =	shalt  }
0x7b: {  	_ =	shalt  }
0x7c: {  	_ =	shalt  }
0x7d: {  	_ =	shalt  }
0x7e: {  	_ =	shalt  }
0x7f: {  	_ =	shalt  }
0x80: {  	_ =	shalt  }
0x81: {  	_ =	shalt  }
0x82: {  	_ =	shalt  }
0x83: {  	_ =	shalt  }
0x84: {  	_ =	shalt  }
0x85: {  	_ =	shalt  }
0x86: {  	_ =	shalt  }
0x87: {  	_ =	shalt  }
.Lfunc_end0:
.L_simem_size_0:
called_computation.1_lowered:
.L_overlay_start_0:
0x88: {  	s2 =	sld [smem:$0x3FD9]  }
0x89: {  	s3 =	sld [smem:$0x3FFE];
	_ =	sdelay $0x1  }
0x8a: {  	s1 =	srdreg.scid  }
0x8b: {  	s0 =	sand.u32 $0x1, s1  }
0x8c: {  	s17 =	sshll.u32 s0, $0xA;
	s2 =	sadd.s32 s3, s2  }
0x8d: {  	s2 =	sadd.s32 s2, s17  }
0x8e: {  	[smem:$0x3FC4] =	sst s2  }
0x8f: {  	_ = 	snop  }
0x90: {  	s2 =	sld [smem:$0x3FD0];
	(tm) =	ssettm $0x1  }
0x91: {  	s18 =	sld [smem:$0x3FFB];
	_ =	sdelay $0x3  }
0x92: {  	_ =	strace s18  }
0x93: {  	s3 =	sld [smem:$0x3FFC];
	_ =	sdelay $0x3  }
0x94: {  	_ =	strace s3  }
0x95: {  	s3 =	sld [smem:$0x3FFD];
	_ =	sdelay $0x3  }
0x96: {  	_ =	strace s3  }
0x97: {  	_ =	strace $0x8FFFFFFF  }
0x98: {  	s19 =	sld [smem:$0x3FDB];
	_ =	sdelay $0x1  }
0x99: {  	s4 =	simm.s32 $_scs_section_size  }
0x9a: {  	s5 =	simm.s32 $_size__tile_overlayer_lowered;
	s6 =	simm.s32 $_tile_overlayer_lowered  }
0x9b: {  	s22 =	simm.s32 $0x1BFF;
	s21 =	sshll.u32 s6, $0x1;
	s3 =	sadd.s32 s4, s19  }
0x9c: {  	s7 =	simm.s32 $0x0;
	s20 =	sshll.u32 s5, $0x1;
	s5 =	sadd.s32 s21, s3  }
0x9d: {  	[timem:s7], [sflag:s22] =	dma.local [hbm:s5], s20  }
0x9e: {  	_ =	swait.ge [sflag:s22], s20  }
0x9f: {  	s4 =	ssub.s32 $0x0, s20;
	[sflag:s22] =	ssyncset.done $0x0  }
0xa0: {  	[sflag:s22] =	ssyncadd.s32 s4;
	_ =	sdelay $0x1  }
0xa1: {  	s23 =	simm.s32 $0x1B8B  }
0xa2: {  	_ =	swait.ge [sflag:s23], $0x1  }
0xa3: {  	[sflag:s23] =	ssyncset.done $0x0  }
0xa4: {  	s25 =	simm.s32 $0x1B8E;
	s24 =	sld [smem:$0x3FFE];
	[sflag:s23] =	ssyncadd.s32 $0xFFFFFFFF  }
0xa5: {  	s26 =	simm.s32 $execute0_lowered;
	[smem:$0x3FD2] =	sst s25  }
0xa6: {  	s5 =	sshll.u32 s26, $0x1;
	_ =	strace $0x80000049;
	[dreg:$0x1] =	wrdreg $0xFFFFFFFF  }
0xa7: {  	s28 =	simm.s32 $_size_execute0_lowered;
	s3 =	sadd.s32 s3, s5;
	[dreg:$0x0] =	wrdreg $0x0  }
0xa8: {  	s5 =	sshll.u32 s28, $0x1;
	[dreg:$0x2] =	wrdreg s3  }
0xa9: {  	[dreg:$0x3] =	wrdreg s5  }
0xaa: {  	[dreg:$0x4] =	wrdreg $0xC0  }
0xab: {  	_ =	task [dreg:s7], $0x5FFFF  }
0xac: {  	[dreg:$0x1] =	wrdreg $0xFFFFFFFF  }
0xad: {  	[dreg:$0x0] =	wrdreg $0x60  }
0xae: {  	[dreg:$0x2] =	wrdreg s2  }
0xaf: {  	[dreg:$0x3] =	wrdreg s24  }
0xb0: {  	[dreg:$0x4] =	wrdreg $0xB0000  }
0xb1: {  	[dreg:$0x5] =	wrdreg $0x9  }
0xb2: {  	_ =	task.clear_ibuf [dreg:s7], $0x6FFFF;
	_ =	strace $0x90000049  }
0xb3: {  	s29 =	simm.s32 $0x9;
	_ =	strace $0x8000004B  }
0xb4: {  	_ =	swait.ge [sflag:s29], $0x1  }
0xb5: {  	[sflag:s29] =	ssyncadd.s32 $0xFFFFFFFF  }
0xb6: {  	_ =	strace $0x9000004B  }
0xb7: {  	_ =	sfence  }
0xb8: {  	s30 =	sld [smem:$0x0];
	_ =	sdelay $0x2  }
0xb9: {  	s31 =	sshll.u32 s1, $0xD;
	s1 =	sshrl.u32 s1, $0x2  }
0xba: {  	s3 =	sand.u32 $0x4000, s31;
	s1 =	sadd.s32 s1, s30  }
0xbb: {  	s0 =	sor.u32 s3, s0;
	s1 =	sshll.u32 s1, $0x11  }
0xbc: {  	s0 =	sor.u32 s1, s0  }
0xbd: {  	s0 =	sadd.s32 $0x8F2B, s0  }
0xbe: {  	[sflag:s0] =	ssyncadd.remote.s32 $0x1  }
0xbf: {  	_ =	sfence.sel $0xFFFF  }
0xc0: {  	[dreg:$0x0] =	wrdreg $0xFFFFFFFF;
	(pc) =	sbr.abs _section_cstart, $3  }
0xc1: {  	[dreg:$0x1] =	wrdreg $0xFFFFFFFF  }
0xc2: {  	_ =	task.clear_ibuf [dreg:s7], $0x2FFFF;
	_ =	strace $0x9FFFFFFF  }
0xc3: {  	(tm) =	ssettm $0x7FFFFFFF  }
tec
execute0_lowered:
.L_overlay_start_1:
0x0: {  	(tag) =	ssettag $0x1  }
0x1: {  	s0 =	rddreg [dreg:$0x0]  }
0x2: {  	s1 =	srdreg.scid;
	s5 =	stileid.u32  }
0x3: {  	s4 =	rddreg [dreg:$0x1];
	s7 =	smul.u32 $0x3000, s5  }
0x4: {  	s2 =	rddreg [dreg:$0x2];
	s3 =	simm.s32 $0x0;
	s8 =	smul.u32 $0x4E000, s5  }
0x5: {  	s28 =	simm.s32 $0x7000;
	s29 =	simm.s32 $0x3;
	s11 =	smul.u32 $0x2700, s5  }
0x6: {  	s31 =	simm.s32 $0x4;
	s1 =	sand.u32 $0x1, s1;
	s18 =	smul.u32 $0x13800, s5  }
0x7: {  	[smem:$0x7FF] =	sst s3;
	s16 =	sadd.s32 $0x138000, s2;
	s6 =	smul.u32 $0x30000, s1  }
0x8: {  	p0 =	sne.s32 s5, $0x0;
	_ =	strace $0x8000004A;
	s9 =	smul.u32 $0x27100, s1  }
0x9: {  	s10 =	ssub.s32 $0x2, s1;
	s1 =	smul.u32 $0x138800, s1;
	[dreg:$0x6] =	wrdreg s16  }
0xa: {  	s16 =	simm.s32 $0x2000;
	s12 =	sshrl.u32 s10, $0x1;
	s8 =	sshrl.u32 s8, $0x2  }
0xb: {  	s6 =	sadd.s32 s7, s6;
	s7 =	sshrl.u32 s7, $0x3;
	s10 =	ssub.s32 s10, s12  }
0xc: {  	s8 =	sadd.s32 s8, s2;
	s9 =	sadd.s32 s11, s9;
	s12 =	sshll.u32 s5, $0x6  }
0xd: {  	s13 =	sshrl.u32 s1, $0x3;
	s1 =	sadd.s32 s18, s1;
	s5 =	simm.s32 $0x0  }
0xe: {  	s11 =	simm.s32 $0x2B00;
	s18 =	simm.s32 $0x2080;
	s6 =	sshrl.u32 s6, $0x3  }
0xf: {  	s7 =	sadd.s32 s7, s4;
	s9 =	sadd.s32 s0, s9;
	s15 =	sor.u32 $0x1C05, s12  }
0x10: {  	s14 =	sadd.s32 $0x27000, s13;
	s1 =	sshrl.u32 s1, $0x3;
	s24 =	smax.u32 s10, $0x1  }
0x11: {  	s25 =	sshrl.u32 s8, $0x3;
	s10 =	simm.s32 $0x1F80;
	s8 =	simm.s32 $0x2D80  }
0x12: {  	s6 =	sadd.s32 s6, s4;
	s4 =	sadd.s32 $0x13600, s4;
	[dreg:$0x4] =	wrdreg s9  }
0x13: {  	s17 =	sadd.s32 s0, s14;
	s20 =	sadd.s32 $0x1600, s7;
	[dreg:$0xe] =	wrdreg s24  }
0x14: {  	s22 =	sadd.s32 $0x1780, s7;
	s13 =	sadd.s32 $0x1900, s7;
	[dreg:$0xf] =	wrdreg s25  }
0x15: {  	s30 =	sadd.s32 $0x1A80, s7;
	s24 =	simm.s32 $0x7D;
	[dreg:$0x5] =	wrdreg s15  }
0x16: {  	s25 =	simm.s32 $0x3000;
	s9 =	simm.s32 $0x2A80;
	[dreg:$0x7] =	wrdreg s17  }
0x17: {  	s7 =	simm.s32 $0x2D00;
	s19 =	sadd.s32 $0x7600, s6;
	[dreg:$0x9] =	wrdreg s20  }
0x18: {  	s21 =	sadd.s32 $0x7780, s6;
	[dreg:$0xb] =	wrdreg s22;
	s12 =	sadd.s32 $0x7900, s6  }
0x19: {  	s26 =	sadd.s32 $0x7A80, s6;
	s1 =	sadd.s32 s4, s1;
	[dreg:$0x8] =	wrdreg s19  }
0x1a: {  	s23 =	sadd.s32 s4, s14;
	s20 =	simm.s32 $0x5;
	[dreg:$0xa] =	wrdreg s21  }
0x1b: {  	s4 =	simm.s32 $0xC00;
	s22 =	simm.s32 $0x1800;
	[dreg:$0xc] =	wrdreg s1  }
0x1c: {  	s17 =	simm.s32 $0x2B80;
	s6 =	simm.s32 $0x2180;
	[dreg:$0xd] =	wrdreg s23  }
0x1d: {  	s23 =	simm.s32 $0x2400;
	s21 =	simm.s32 $0x2;
	s19 =	simm.s32 $0x2C00  }
.LBB2_1:
0x1e: {  	[dreg:$0x10] =	wrdreg s5  }
0x1f: {  	s14 =	rddreg [dreg:$0x4]  }
0x20: {  	s1 =	rddreg [dreg:$0xf]  }
0x21: {  	[spmem:s1], [sflag:s15] =	dma.local [hbm:s14], $0x2700  }
0x22: {  	_ =	swait.ge [sflag:s20], $0x2700  }
0x23: {  	s14 =	rddreg [dreg:$0x6]  }
0x24: {  	[sflag:s20] =	ssyncset.done $0x0;
	s1 =	sshrl.u32 @!p0 s14, $0x3;
	s14 =	rddreg [dreg:$0x7]  }
0x25: {  	[sflag:s20] =	ssyncadd.s32 $0xFFFFD900;
	[dreg:$0x11] =	wrdreg s1  }
0x26: {  	[spmem:s1], [sflag:s15] =	dma.local @!p0 [hbm:s14], $0x100  }
0x27: {  	s14 =	simm.s32 @!p0 $0x5  }
0x28: {  	_ =	swait.ge @!p0 [sflag:s14], $0x100  }
0x29: {  	[sflag:s14] =	ssyncset.done @!p0 $0x0  }
0x2a: {  	[sflag:s14] =	ssyncadd.s32 @!p0 $0xFFFFFF00  }
0x2b: {  	[bflag:$0x0] =	sbarrier.arrive $0xFFFF  }
0x2c: {  	s5 =	rddreg [dreg:$0x8]  }
0x2d: {  	[tilespmem:s3], [sflag:$0x5] =	stream.linear.gather [hbm4b:s5+s3], $0xA00, $0x38;
	[tilespmem:$0x1E880] =	vst v63  }
0x2e: {  	_ =	swait.ge [sflag:s20], $0xA00  }
0x2f: {  	[sflag:s20] =	ssyncset.done $0x0  }
0x30: {  	s15 =	rddreg [dreg:$0x9];
	[sflag:s20] =	ssyncadd.s32 $0xFFFFF600  }
0x31: {  	[tilespmem:s4], [sflag:$0x5] =	stream.linear.gather [hbm4b:s15+s3], $0xA00, $0x38;
	[tilespmem:$0x1E880] =	vst v63  }
0x32: {  	p2 =	por $0x1, $0x1;
	_ =	swait.ge [sflag:s20], $0xA00  }
0x33: {  	s1 =	simm.s32 $0x2C80;
	[sflag:s20] =	ssyncset.done $0x0;
	s14 =	rddreg [dreg:$0xa]  }
0x34: {  	s5 =	simm.s32 $0x2100;
	s15 =	rddreg [dreg:$0xb];
	[sflag:s20] =	ssyncadd.s32 $0xFFFFF600  }
.LBB2_2:
0x35: {  	[tilespmem:s22], [sflag:$0x2] =	stream.linear.gather [hbm4b:s14+s3], $0xA00, $0x38;
	[tilespmem:$0x1E880] =	vst v63  }
0x36: {  	s14 =	simm.s32 @!p2 $0x1  }
0x37: {  	[tilespmem:s23], [sflag:$0x2] =	stream.linear.gather [hbm4b:s15+s3], $0xA00, $0x38;
	[tilespmem:$0x1E880] =	vst v63  }
0x38: {  	_ =	swait.ge @!p2 [sflag:s14], $0xA00  }
0x39: {  	[sflag:s14] =	ssyncset.done @!p2 $0x0  }
0x3a: {  	[sflag:s14] =	ssyncadd.s32 @!p2 $0xFFFFF600  }
0x3b: {  	_ =	swait.ge @!p2 [sflag:s14], $0xA00  }
0x3c: {  	[sflag:s14] =	ssyncset.done @!p2 $0x0  }
0x3d: {  	[sflag:s14] =	ssyncadd.s32 @!p2 $0xFFFFF600  }
0x3e: {  	[tilespmem:s25], [sflag:$0x3] =	stream.indirect.gather [hbm4b:s0+s24], $0x80, s3, s24, $0xb8;
	[tilespmem:$0x1E880] =	vst v63  }
0x3f: {  	s15 =	simm.s32 $0x80  }
0x40: {  	[tilespmem:s28], [sflag:$0x4] =	stream.indirect.gather [hbm4b:s0+s24], $0x80, s15, s24, $0xb8;
	[tilespmem:$0x1E880] =	vst v63  }
0x41: {  	_ =	swait.ge [sflag:s29], $0x3E80  }
0x42: {  	[sflag:s29] =	ssyncset.done $0x0  }
0x43: {  	[sflag:s29] =	ssyncadd.s32 $0xFFFFC180  }
0x44: {  	[spmem:s2] =	stream.indirect.scatter.add.f32 [tilespmem:s25], [sflag:$0x5], $0x80, s4, s24, $0xb8;
	[tilespmem:$0x1E880] =	vst v63  }
0x45: {  	_ =	swait.ge [sflag:s20], $0x3E80  }
0x46: {  	[sflag:s20] =	ssyncset.done $0x0  }
0x47: {  	s15 =	simm.s32 $0x100;
	[sflag:s20] =	ssyncadd.s32 $0xFFFFC180  }
0x48: {  	[tilespmem:s25], [sflag:$0x3] =	stream.indirect.gather [hbm4b:s0+s24], $0x80, s15, s24, $0xb8;
	[tilespmem:$0x1E880] =	vst v63  }
0x49: {  	_ =	swait.ge [sflag:s31], $0x3E80  }
0x4a: {  	[sflag:s31] =	ssyncset.done $0x0  }
0x4b: {  	s15 =	simm.s32 $0xC80;
	[sflag:s31] =	ssyncadd.s32 $0xFFFFC180  }
0x4c: {  	[spmem:s2] =	stream.indirect.scatter.add.f32 [tilespmem:s28], [sflag:$0x5], $0x80, s15, s24, $0xb8;
	[tilespmem:$0x1E880] =	vst v63  }
0x4d: {  	_ =	swait.ge [sflag:s20], $0x3E80  }
0x4e: {  	[sflag:s20] =	ssyncset.done $0x0  }
0x4f: {  	s15 =	simm.s32 $0x180;
	[sflag:s20] =	ssyncadd.s32 $0xFFFFC180  }
0x50: {  	[tilespmem:s28], [sflag:$0x4] =	stream.indirect.gather [hbm4b:s0+s24], $0x80, s15, s24, $0xb8;
	[tilespmem:$0x1E880] =	vst v63  }
0x51: {  	_ =	swait.ge [sflag:s29], $0x3E80  }
0x52: {  	[sflag:s29] =	ssyncset.done $0x0  }
0x53: {  	s15 =	simm.s32 $0xD00;
	[sflag:s29] =	ssyncadd.s32 $0xFFFFC180  }
0x54: {  	[spmem:s2] =	stream.indirect.scatter.add.f32 [tilespmem:s25], [sflag:$0x5], $0x80, s15, s24, $0xb8;
	[tilespmem:$0x1E880] =	vst v63  }
0x55: {  	_ =	swait.ge [sflag:s20], $0x3E80  }
0x56: {  	[sflag:s20] =	ssyncset.done $0x0  }
0x57: {  	s15 =	simm.s32 $0x200;
	[sflag:s20] =	ssyncadd.s32 $0xFFFFC180  }
0x58: {  	[tilespmem:s25], [sflag:$0x3] =	stream.indirect.gather [hbm4b:s0+s24], $0x80, s15, s24, $0xb8;
	[tilespmem:$0x1E880] =	vst v63  }
0x59: {  	_ =	swait.ge [sflag:s31], $0x3E80  }
0x5a: {  	[sflag:s31] =	ssyncset.done $0x0  }
0x5b: {  	s15 =	simm.s32 $0xD80;
	[sflag:s31] =	ssyncadd.s32 $0xFFFFC180  }
0x5c: {  	[spmem:s2] =	stream.indirect.scatter.add.f32 [tilespmem:s28], [sflag:$0x5], $0x80, s15, s24, $0xb8;
	[tilespmem:$0x1E880] =	vst v63  }
0x5d: {  	_ =	swait.ge [sflag:s20], $0x3E80  }
0x5e: {  	[sflag:s20] =	ssyncset.done $0x0  }
0x5f: {  	s15 =	simm.s32 $0x280;
	[sflag:s20] =	ssyncadd.s32 $0xFFFFC180  }
0x60: {  	[tilespmem:s28], [sflag:$0x4] =	stream.indirect.gather [hbm4b:s0+s24], $0x80, s15, s24, $0xb8;
	[tilespmem:$0x1E880] =	vst v63  }
0x61: {  	_ =	swait.ge [sflag:s29], $0x3E80  }
0x62: {  	[sflag:s29] =	ssyncset.done $0x0  }
0x63: {  	s15 =	simm.s32 $0xE00;
	[sflag:s29] =	ssyncadd.s32 $0xFFFFC180  }
0x64: {  	[spmem:s2] =	stream.indirect.scatter.add.f32 [tilespmem:s25], [sflag:$0x5], $0x80, s15, s24, $0xb8;
	[tilespmem:$0x1E880] =	vst v63  }
0x65: {  	_ =	swait.ge [sflag:s20], $0x3E80  }
0x66: {  	[sflag:s20] =	ssyncset.done $0x0  }
0x67: {  	s15 =	simm.s32 $0x300;
	[sflag:s20] =	ssyncadd.s32 $0xFFFFC180  }
0x68: {  	[tilespmem:s25], [sflag:$0x3] =	stream.indirect.gather [hbm4b:s0+s24], $0x80, s15, s24, $0xb8;
	[tilespmem:$0x1E880] =	vst v63  }
0x69: {  	_ =	swait.ge [sflag:s31], $0x3E80  }
0x6a: {  	[sflag:s31] =	ssyncset.done $0x0  }
0x6b: {  	s15 =	simm.s32 $0xE80;
	[sflag:s31] =	ssyncadd.s32 $0xFFFFC180  }
0x6c: {  	[spmem:s2] =	stream.indirect.scatter.add.f32 [tilespmem:s28], [sflag:$0x5], $0x80, s15, s24, $0xb8;
	[tilespmem:$0x1E880] =	vst v63  }
0x6d: {  	_ =	swait.ge [sflag:s20], $0x3E80  }
0x6e: {  	[sflag:s20] =	ssyncset.done $0x0  }
0x6f: {  	s15 =	simm.s32 $0x380;
	[sflag:s20] =	ssyncadd.s32 $0xFFFFC180  }
0x70: {  	[tilespmem:s28], [sflag:$0x4] =	stream.indirect.gather [hbm4b:s0+s24], $0x80, s15, s24, $0xb8;
	[tilespmem:$0x1E880] =	vst v63  }
0x71: {  	_ =	swait.ge [sflag:s29], $0x3E80  }
0x72: {  	[sflag:s29] =	ssyncset.done $0x0  }
0x73: {  	s15 =	simm.s32 $0xF00;
	[sflag:s29] =	ssyncadd.s32 $0xFFFFC180  }
0x74: {  	[spmem:s2] =	stream.indirect.scatter.add.f32 [tilespmem:s25], [sflag:$0x5], $0x80, s15, s24, $0xb8;
	[tilespmem:$0x1E880] =	vst v63  }
0x75: {  	_ =	swait.ge [sflag:s20], $0x3E80  }
0x76: {  	[sflag:s20] =	ssyncset.done $0x0  }
0x77: {  	s15 =	simm.s32 $0x400;
	[sflag:s20] =	ssyncadd.s32 $0xFFFFC180  }
0x78: {  	[tilespmem:s25], [sflag:$0x3] =	stream.indirect.gather [hbm4b:s0+s24], $0x80, s15, s24, $0xb8;
	[tilespmem:$0x1E880] =	vst v63  }
0x79: {  	_ =	swait.ge [sflag:s31], $0x3E80  }
0x7a: {  	[sflag:s31] =	ssyncset.done $0x0  }
0x7b: {  	s15 =	simm.s32 $0xF80;
	[sflag:s31] =	ssyncadd.s32 $0xFFFFC180  }
0x7c: {  	[spmem:s2] =	stream.indirect.scatter.add.f32 [tilespmem:s28], [sflag:$0x5], $0x80, s15, s24, $0xb8;
	[tilespmem:$0x1E880] =	vst v63  }
0x7d: {  	_ =	swait.ge [sflag:s20], $0x3E80  }
0x7e: {  	[sflag:s20] =	ssyncset.done $0x0  }
0x7f: {  	s15 =	simm.s32 $0x480;
	[sflag:s20] =	ssyncadd.s32 $0xFFFFC180  }
0x80: {  	[tilespmem:s28], [sflag:$0x4] =	stream.indirect.gather [hbm4b:s0+s24], $0x80, s15, s24, $0xb8;
	[tilespmem:$0x1E880] =	vst v63  }
0x81: {  	_ =	swait.ge [sflag:s29], $0x3E80  }
0x82: {  	[sflag:s29] =	ssyncset.done $0x0  }
0x83: {  	s15 =	simm.s32 $0x1000;
	[sflag:s29] =	ssyncadd.s32 $0xFFFFC180  }
0x84: {  	[spmem:s2] =	stream.indirect.scatter.add.f32 [tilespmem:s25], [sflag:$0x5], $0x80, s15, s24, $0xb8;
	[tilespmem:$0x1E880] =	vst v63  }
0x85: {  	_ =	swait.ge [sflag:s20], $0x3E80  }
0x86: {  	[sflag:s20] =	ssyncset.done $0x0  }
0x87: {  	s15 =	simm.s32 $0x500;
	[sflag:s20] =	ssyncadd.s32 $0xFFFFC180  }
0x88: {  	[tilespmem:s25], [sflag:$0x3] =	stream.indirect.gather [hbm4b:s0+s24], $0x80, s15, s24, $0xb8;
	[tilespmem:$0x1E880] =	vst v63  }
0x89: {  	_ =	swait.ge [sflag:s31], $0x3E80  }
0x8a: {  	[sflag:s31] =	ssyncset.done $0x0  }
0x8b: {  	s15 =	simm.s32 $0x1080;
	[sflag:s31] =	ssyncadd.s32 $0xFFFFC180  }
0x8c: {  	[spmem:s2] =	stream.indirect.scatter.add.f32 [tilespmem:s28], [sflag:$0x5], $0x80, s15, s24, $0xb8;
	[tilespmem:$0x1E880] =	vst v63  }
0x8d: {  	_ =	swait.ge [sflag:s20], $0x3E80  }
0x8e: {  	[sflag:s20] =	ssyncset.done $0x0  }
0x8f: {  	s15 =	simm.s32 $0x580;
	[sflag:s20] =	ssyncadd.s32 $0xFFFFC180  }
0x90: {  	[tilespmem:s28], [sflag:$0x4] =	stream.indirect.gather [hbm4b:s0+s24], $0x80, s15, s24, $0xb8;
	[tilespmem:$0x1E880] =	vst v63  }
0x91: {  	_ =	swait.ge [sflag:s29], $0x3E80  }
0x92: {  	[sflag:s29] =	ssyncset.done $0x0  }
0x93: {  	s15 =	simm.s32 $0x1100;
	[sflag:s29] =	ssyncadd.s32 $0xFFFFC180  }
0x94: {  	[spmem:s2] =	stream.indirect.scatter.add.f32 [tilespmem:s25], [sflag:$0x5], $0x80, s15, s24, $0xb8;
	[tilespmem:$0x1E880] =	vst v63  }
0x95: {  	_ =	swait.ge [sflag:s20], $0x3E80  }
0x96: {  	[sflag:s20] =	ssyncset.done $0x0  }
0x97: {  	s15 =	simm.s32 $0x600;
	[sflag:s20] =	ssyncadd.s32 $0xFFFFC180  }
0x98: {  	[tilespmem:s25], [sflag:$0x3] =	stream.indirect.gather [hbm4b:s0+s24], $0x80, s15, s24, $0xb8;
	[tilespmem:$0x1E880] =	vst v63  }
0x99: {  	_ =	swait.ge [sflag:s31], $0x3E80  }
0x9a: {  	[sflag:s31] =	ssyncset.done $0x0  }
0x9b: {  	s15 =	simm.s32 $0x1180;
	[sflag:s31] =	ssyncadd.s32 $0xFFFFC180  }
0x9c: {  	[spmem:s2] =	stream.indirect.scatter.add.f32 [tilespmem:s28], [sflag:$0x5], $0x80, s15, s24, $0xb8;
	[tilespmem:$0x1E880] =	vst v63  }
0x9d: {  	_ =	swait.ge [sflag:s20], $0x3E80  }
0x9e: {  	[sflag:s20] =	ssyncset.done $0x0  }
0x9f: {  	s15 =	simm.s32 $0x680;
	[sflag:s20] =	ssyncadd.s32 $0xFFFFC180  }
0xa0: {  	[tilespmem:s28], [sflag:$0x4] =	stream.indirect.gather [hbm4b:s0+s24], $0x80, s15, s24, $0xb8;
	[tilespmem:$0x1E880] =	vst v63  }
0xa1: {  	_ =	swait.ge [sflag:s29], $0x3E80  }
0xa2: {  	[sflag:s29] =	ssyncset.done $0x0  }
0xa3: {  	s15 =	simm.s32 $0x1200;
	[sflag:s29] =	ssyncadd.s32 $0xFFFFC180  }
0xa4: {  	[spmem:s2] =	stream.indirect.scatter.add.f32 [tilespmem:s25], [sflag:$0x5], $0x80, s15, s24, $0xb8;
	[tilespmem:$0x1E880] =	vst v63  }
0xa5: {  	_ =	swait.ge [sflag:s20], $0x3E80  }
0xa6: {  	[sflag:s20] =	ssyncset.done $0x0  }
0xa7: {  	s15 =	simm.s32 $0x700;
	[sflag:s20] =	ssyncadd.s32 $0xFFFFC180  }
0xa8: {  	[tilespmem:s25], [sflag:$0x3] =	stream.indirect.gather [hbm4b:s0+s24], $0x80, s15, s24, $0xb8;
	[tilespmem:$0x1E880] =	vst v63  }
0xa9: {  	_ =	swait.ge [sflag:s31], $0x3E80  }
0xaa: {  	[sflag:s31] =	ssyncset.done $0x0  }
0xab: {  	s15 =	simm.s32 $0x1280;
	[sflag:s31] =	ssyncadd.s32 $0xFFFFC180  }
0xac: {  	[spmem:s2] =	stream.indirect.scatter.add.f32 [tilespmem:s28], [sflag:$0x5], $0x80, s15, s24, $0xb8;
	[tilespmem:$0x1E880] =	vst v63  }
0xad: {  	_ =	swait.ge [sflag:s20], $0x3E80  }
0xae: {  	[sflag:s20] =	ssyncset.done $0x0  }
0xaf: {  	s15 =	simm.s32 $0x780;
	[sflag:s20] =	ssyncadd.s32 $0xFFFFC180  }
0xb0: {  	[tilespmem:s28], [sflag:$0x4] =	stream.indirect.gather [hbm4b:s0+s24], $0x80, s15, s24, $0xb8;
	[tilespmem:$0x1E880] =	vst v63  }
0xb1: {  	_ =	swait.ge [sflag:s29], $0x3E80  }
0xb2: {  	[sflag:s29] =	ssyncset.done $0x0  }
0xb3: {  	s15 =	simm.s32 $0x1300;
	[sflag:s29] =	ssyncadd.s32 $0xFFFFC180  }
0xb4: {  	[spmem:s2] =	stream.indirect.scatter.add.f32 [tilespmem:s25], [sflag:$0x5], $0x80, s15, s24, $0xb8;
	[tilespmem:$0x1E880] =	vst v63  }
0xb5: {  	_ =	swait.ge [sflag:s20], $0x3E80  }
0xb6: {  	[sflag:s20] =	ssyncset.done $0x0  }
0xb7: {  	s15 =	simm.s32 $0x800;
	[sflag:s20] =	ssyncadd.s32 $0xFFFFC180  }
0xb8: {  	[tilespmem:s25], [sflag:$0x3] =	stream.indirect.gather [hbm4b:s0+s24], $0x80, s15, s24, $0xb8;
	[tilespmem:$0x1E880] =	vst v63  }
0xb9: {  	_ =	swait.ge [sflag:s31], $0x3E80  }
0xba: {  	[sflag:s31] =	ssyncset.done $0x0  }
0xbb: {  	s15 =	simm.s32 $0x1380;
	[sflag:s31] =	ssyncadd.s32 $0xFFFFC180  }
0xbc: {  	[spmem:s2] =	stream.indirect.scatter.add.f32 [tilespmem:s28], [sflag:$0x5], $0x80, s15, s24, $0xb8;
	[tilespmem:$0x1E880] =	vst v63  }
0xbd: {  	_ =	swait.ge [sflag:s20], $0x3E80  }
0xbe: {  	[sflag:s20] =	ssyncset.done $0x0  }
0xbf: {  	s15 =	simm.s32 $0x880;
	[sflag:s20] =	ssyncadd.s32 $0xFFFFC180  }
0xc0: {  	[tilespmem:s28], [sflag:$0x4] =	stream.indirect.gather [hbm4b:s0+s24], $0x80, s15, s24, $0xb8;
	[tilespmem:$0x1E880] =	vst v63  }
0xc1: {  	_ =	swait.ge [sflag:s29], $0x3E80  }
0xc2: {  	[sflag:s29] =	ssyncset.done $0x0  }
0xc3: {  	s15 =	simm.s32 $0x1400;
	[sflag:s29] =	ssyncadd.s32 $0xFFFFC180  }
0xc4: {  	[spmem:s2] =	stream.indirect.scatter.add.f32 [tilespmem:s25], [sflag:$0x5], $0x80, s15, s24, $0xb8;
	[tilespmem:$0x1E880] =	vst v63  }
0xc5: {  	_ =	swait.ge [sflag:s20], $0x3E80  }
0xc6: {  	[sflag:s20] =	ssyncset.done $0x0  }
0xc7: {  	s15 =	simm.s32 $0x900;
	[sflag:s20] =	ssyncadd.s32 $0xFFFFC180  }
0xc8: {  	[tilespmem:s25], [sflag:$0x3] =	stream.indirect.gather [hbm4b:s0+s24], $0x80, s15, s24, $0xb8;
	[tilespmem:$0x1E880] =	vst v63  }
0xc9: {  	_ =	swait.ge [sflag:s31], $0x3E80  }
0xca: {  	[sflag:s31] =	ssyncset.done $0x0  }
0xcb: {  	s15 =	simm.s32 $0x1480;
	[sflag:s31] =	ssyncadd.s32 $0xFFFFC180  }
0xcc: {  	[spmem:s2] =	stream.indirect.scatter.add.f32 [tilespmem:s28], [sflag:$0x5], $0x80, s15, s24, $0xb8;
	[tilespmem:$0x1E880] =	vst v63  }
0xcd: {  	_ =	swait.ge [sflag:s20], $0x3E80  }
0xce: {  	[sflag:s20] =	ssyncset.done $0x0  }
0xcf: {  	s15 =	simm.s32 $0x980;
	[sflag:s20] =	ssyncadd.s32 $0xFFFFC180  }
0xd0: {  	[tilespmem:s28], [sflag:$0x4] =	stream.indirect.gather [hbm4b:s0+s24], $0x80, s15, s24, $0xb8;
	[tilespmem:$0x1E880] =	vst v63  }
0xd1: {  	_ =	swait.ge [sflag:s29], $0x3E80  }
0xd2: {  	[sflag:s29] =	ssyncset.done $0x0  }
0xd3: {  	s15 =	simm.s32 $0x1500;
	[sflag:s29] =	ssyncadd.s32 $0xFFFFC180  }
0xd4: {  	[spmem:s2] =	stream.indirect.scatter.add.f32 [tilespmem:s25], [sflag:$0x5], $0x80, s15, s24, $0xb8;
	[tilespmem:$0x1E880] =	vst v63  }
0xd5: {  	_ =	swait.ge [sflag:s20], $0x3E80  }
0xd6: {  	[sflag:s20] =	ssyncset.done $0x0  }
0xd7: {  	[sflag:s20] =	ssyncadd.s32 $0xFFFFC180  }
0xd8: {  	_ =	swait.ge [sflag:s31], $0x3E80  }
0xd9: {  	[sflag:s31] =	ssyncset.done $0x0  }
0xda: {  	s15 =	simm.s32 $0x1580;
	[sflag:s31] =	ssyncadd.s32 $0xFFFFC180  }
0xdb: {  	[spmem:s2] =	stream.indirect.scatter.add.f32 [tilespmem:s28], [sflag:$0x5], $0x80, s15, s24, $0xb8;
	[tilespmem:$0x1E880] =	vst v63  }
0xdc: {  	_ =	swait.ge [sflag:s20], $0x3E80  }
0xdd: {  	[sflag:s20] =	ssyncset.done $0x0  }
0xde: {  	s14 =	simm.s32 @p2 $0x0;
	[sflag:s20] =	ssyncadd.s32 $0xFFFFC180  }
0xdf: {  	[tilespmem:s14], [sflag:$0x1] =	stream.linear.gather @p2 [hbm4b:s12+s14], $0xA00, $0x38;
	[tilespmem:$0x1E880] =	vst v63  }
0xe0: {  	s15 =	simm.s32 @p2 $0xC00  }
0xe1: {  	[tilespmem:s15], [sflag:$0x1] =	stream.linear.gather @p2 [hbm4b:s13+s14], $0xA00, $0x38;
	[tilespmem:$0x1E880] =	vst v63  }
0xe2: {  	_ =	swait.ge [sflag:s21], $0xA00  }
0xe3: {  	[sflag:s21] =	ssyncset.done $0x0  }
0xe4: {  	[sflag:s21] =	ssyncadd.s32 $0xFFFFF600  }
0xe5: {  	_ =	swait.ge [sflag:s21], $0xA00  }
0xe6: {  	[sflag:s21] =	ssyncset.done $0x0  }
0xe7: {  	[sflag:s21] =	ssyncadd.s32 $0xFFFFF600  }
0xe8: {  	[tilespmem:s25], [sflag:$0x3] =	stream.indirect.gather [hbm4b:s0+s24], $0x80, s22, s24, $0xb8;
	[tilespmem:$0x1E880] =	vst v63  }
0xe9: {  	s15 =	simm.s32 $0x1880  }
0xea: {  	[tilespmem:s28], [sflag:$0x4] =	stream.indirect.gather [hbm4b:s0+s24], $0x80, s15, s24, $0xb8;
	[tilespmem:$0x1E880] =	vst v63  }
0xeb: {  	_ =	swait.ge [sflag:s29], $0x3E80  }
0xec: {  	[sflag:s29] =	ssyncset.done $0x0  }
0xed: {  	[sflag:s29] =	ssyncadd.s32 $0xFFFFC180  }
0xee: {  	[spmem:s2] =	stream.indirect.scatter.add.f32 [tilespmem:s25], [sflag:$0x5], $0x80, s23, s24, $0xb8;
	[tilespmem:$0x1E880] =	vst v63  }
0xef: {  	_ =	swait.ge [sflag:s20], $0x3E80  }
0xf0: {  	[sflag:s20] =	ssyncset.done $0x0  }
0xf1: {  	s15 =	simm.s32 $0x1900;
	[sflag:s20] =	ssyncadd.s32 $0xFFFFC180  }
0xf2: {  	[tilespmem:s25], [sflag:$0x3] =	stream.indirect.gather [hbm4b:s0+s24], $0x80, s15, s24, $0xb8;
	[tilespmem:$0x1E880] =	vst v63  }
0xf3: {  	_ =	swait.ge [sflag:s31], $0x3E80  }
0xf4: {  	[sflag:s31] =	ssyncset.done $0x0  }
0xf5: {  	s15 =	simm.s32 $0x2480;
	[sflag:s31] =	ssyncadd.s32 $0xFFFFC180  }
0xf6: {  	[spmem:s2] =	stream.indirect.scatter.add.f32 [tilespmem:s28], [sflag:$0x5], $0x80, s15, s24, $0xb8;
	[tilespmem:$0x1E880] =	vst v63  }
0xf7: {  	_ =	swait.ge [sflag:s20], $0x3E80  }
0xf8: {  	[sflag:s20] =	ssyncset.done $0x0  }
0xf9: {  	s15 =	simm.s32 $0x1980;
	[sflag:s20] =	ssyncadd.s32 $0xFFFFC180  }
0xfa: {  	[tilespmem:s28], [sflag:$0x4] =	stream.indirect.gather [hbm4b:s0+s24], $0x80, s15, s24, $0xb8;
	[tilespmem:$0x1E880] =	vst v63  }
0xfb: {  	_ =	swait.ge [sflag:s29], $0x3E80  }
0xfc: {  	[sflag:s29] =	ssyncset.done $0x0  }
0xfd: {  	s15 =	simm.s32 $0x2500;
	[sflag:s29] =	ssyncadd.s32 $0xFFFFC180  }
0xfe: {  	[spmem:s2] =	stream.indirect.scatter.add.f32 [tilespmem:s25], [sflag:$0x5], $0x80, s15, s24, $0xb8;
	[tilespmem:$0x1E880] =	vst v63  }
0xff: {  	_ =	swait.ge [sflag:s20], $0x3E80  }
0x100: {  	[sflag:s20] =	ssyncset.done $0x0  }
0x101: {  	s15 =	simm.s32 $0x1A00;
	[sflag:s20] =	ssyncadd.s32 $0xFFFFC180  }
0x102: {  	[tilespmem:s25], [sflag:$0x3] =	stream.indirect.gather [hbm4b:s0+s24], $0x80, s15, s24, $0xb8;
	[tilespmem:$0x1E880] =	vst v63  }
0x103: {  	_ =	swait.ge [sflag:s31], $0x3E80  }
0x104: {  	[sflag:s31] =	ssyncset.done $0x0  }
0x105: {  	s15 =	simm.s32 $0x2580;
	[sflag:s31] =	ssyncadd.s32 $0xFFFFC180  }
0x106: {  	[spmem:s2] =	stream.indirect.scatter.add.f32 [tilespmem:s28], [sflag:$0x5], $0x80, s15, s24, $0xb8;
	[tilespmem:$0x1E880] =	vst v63  }
0x107: {  	_ =	swait.ge [sflag:s20], $0x3E80  }
0x108: {  	[sflag:s20] =	ssyncset.done $0x0  }
0x109: {  	s15 =	simm.s32 $0x1A80;
	[sflag:s20] =	ssyncadd.s32 $0xFFFFC180  }
0x10a: {  	[tilespmem:s28], [sflag:$0x4] =	stream.indirect.gather [hbm4b:s0+s24], $0x80, s15, s24, $0xb8;
	[tilespmem:$0x1E880] =	vst v63  }
0x10b: {  	_ =	swait.ge [sflag:s29], $0x3E80  }
0x10c: {  	[sflag:s29] =	ssyncset.done $0x0  }
0x10d: {  	s15 =	simm.s32 $0x2600;
	[sflag:s29] =	ssyncadd.s32 $0xFFFFC180  }
0x10e: {  	[spmem:s2] =	stream.indirect.scatter.add.f32 [tilespmem:s25], [sflag:$0x5], $0x80, s15, s24, $0xb8;
	[tilespmem:$0x1E880] =	vst v63  }
0x10f: {  	_ =	swait.ge [sflag:s20], $0x3E80  }
0x110: {  	[sflag:s20] =	ssyncset.done $0x0  }
0x111: {  	s15 =	simm.s32 $0x1B00;
	[sflag:s20] =	ssyncadd.s32 $0xFFFFC180  }
0x112: {  	[tilespmem:s25], [sflag:$0x3] =	stream.indirect.gather [hbm4b:s0+s24], $0x80, s15, s24, $0xb8;
	[tilespmem:$0x1E880] =	vst v63  }
0x113: {  	_ =	swait.ge [sflag:s31], $0x3E80  }
0x114: {  	[sflag:s31] =	ssyncset.done $0x0  }
0x115: {  	s15 =	simm.s32 $0x2680;
	[sflag:s31] =	ssyncadd.s32 $0xFFFFC180  }
0x116: {  	[spmem:s2] =	stream.indirect.scatter.add.f32 [tilespmem:s28], [sflag:$0x5], $0x80, s15, s24, $0xb8;
	[tilespmem:$0x1E880] =	vst v63  }
0x117: {  	_ =	swait.ge [sflag:s20], $0x3E80  }
0x118: {  	[sflag:s20] =	ssyncset.done $0x0  }
0x119: {  	s15 =	simm.s32 $0x1B80;
	[sflag:s20] =	ssyncadd.s32 $0xFFFFC180  }
0x11a: {  	[tilespmem:s28], [sflag:$0x4] =	stream.indirect.gather [hbm4b:s0+s24], $0x80, s15, s24, $0xb8;
	[tilespmem:$0x1E880] =	vst v63  }
0x11b: {  	_ =	swait.ge [sflag:s29], $0x3E80  }
0x11c: {  	[sflag:s29] =	ssyncset.done $0x0  }
0x11d: {  	s15 =	simm.s32 $0x2700;
	[sflag:s29] =	ssyncadd.s32 $0xFFFFC180  }
0x11e: {  	[spmem:s2] =	stream.indirect.scatter.add.f32 [tilespmem:s25], [sflag:$0x5], $0x80, s15, s24, $0xb8;
	[tilespmem:$0x1E880] =	vst v63  }
0x11f: {  	_ =	swait.ge [sflag:s20], $0x3E80  }
0x120: {  	[sflag:s20] =	ssyncset.done $0x0  }
0x121: {  	s15 =	simm.s32 $0x1C00;
	[sflag:s20] =	ssyncadd.s32 $0xFFFFC180  }
0x122: {  	[tilespmem:s25], [sflag:$0x3] =	stream.indirect.gather [hbm4b:s0+s24], $0x80, s15, s24, $0xb8;
	[tilespmem:$0x1E880] =	vst v63  }
0x123: {  	_ =	swait.ge [sflag:s31], $0x3E80  }
0x124: {  	[sflag:s31] =	ssyncset.done $0x0  }
0x125: {  	s15 =	simm.s32 $0x2780;
	[sflag:s31] =	ssyncadd.s32 $0xFFFFC180  }
0x126: {  	[spmem:s2] =	stream.indirect.scatter.add.f32 [tilespmem:s28], [sflag:$0x5], $0x80, s15, s24, $0xb8;
	[tilespmem:$0x1E880] =	vst v63  }
0x127: {  	_ =	swait.ge [sflag:s20], $0x3E80  }
0x128: {  	[sflag:s20] =	ssyncset.done $0x0  }
0x129: {  	s15 =	simm.s32 $0x1C80;
	[sflag:s20] =	ssyncadd.s32 $0xFFFFC180  }
0x12a: {  	[tilespmem:s28], [sflag:$0x4] =	stream.indirect.gather [hbm4b:s0+s24], $0x80, s15, s24, $0xb8;
	[tilespmem:$0x1E880] =	vst v63  }
0x12b: {  	_ =	swait.ge [sflag:s29], $0x3E80  }
0x12c: {  	[sflag:s29] =	ssyncset.done $0x0  }
0x12d: {  	s15 =	simm.s32 $0x2800;
	[sflag:s29] =	ssyncadd.s32 $0xFFFFC180  }
0x12e: {  	[spmem:s2] =	stream.indirect.scatter.add.f32 [tilespmem:s25], [sflag:$0x5], $0x80, s15, s24, $0xb8;
	[tilespmem:$0x1E880] =	vst v63  }
0x12f: {  	_ =	swait.ge [sflag:s20], $0x3E80  }
0x130: {  	[sflag:s20] =	ssyncset.done $0x0  }
0x131: {  	s15 =	simm.s32 $0x1D00;
	[sflag:s20] =	ssyncadd.s32 $0xFFFFC180  }
0x132: {  	[tilespmem:s25], [sflag:$0x3] =	stream.indirect.gather [hbm4b:s0+s24], $0x80, s15, s24, $0xb8;
	[tilespmem:$0x1E880] =	vst v63  }
0x133: {  	_ =	swait.ge [sflag:s31], $0x3E80  }
0x134: {  	[sflag:s31] =	ssyncset.done $0x0  }
0x135: {  	s15 =	simm.s32 $0x2880;
	[sflag:s31] =	ssyncadd.s32 $0xFFFFC180  }
0x136: {  	[spmem:s2] =	stream.indirect.scatter.add.f32 [tilespmem:s28], [sflag:$0x5], $0x80, s15, s24, $0xb8;
	[tilespmem:$0x1E880] =	vst v63  }
0x137: {  	_ =	swait.ge [sflag:s20], $0x3E80  }
0x138: {  	[sflag:s20] =	ssyncset.done $0x0  }
0x139: {  	s15 =	simm.s32 $0x1D80;
	[sflag:s20] =	ssyncadd.s32 $0xFFFFC180  }
0x13a: {  	[tilespmem:s28], [sflag:$0x4] =	stream.indirect.gather [hbm4b:s0+s24], $0x80, s15, s24, $0xb8;
	[tilespmem:$0x1E880] =	vst v63  }
0x13b: {  	_ =	swait.ge [sflag:s29], $0x3E80  }
0x13c: {  	[sflag:s29] =	ssyncset.done $0x0  }
0x13d: {  	s15 =	simm.s32 $0x2900;
	[sflag:s29] =	ssyncadd.s32 $0xFFFFC180  }
0x13e: {  	[spmem:s2] =	stream.indirect.scatter.add.f32 [tilespmem:s25], [sflag:$0x5], $0x80, s15, s24, $0xb8;
	[tilespmem:$0x1E880] =	vst v63  }
0x13f: {  	_ =	swait.ge [sflag:s20], $0x3E80  }
0x140: {  	[sflag:s20] =	ssyncset.done $0x0  }
0x141: {  	s15 =	simm.s32 $0x1E00;
	[sflag:s20] =	ssyncadd.s32 $0xFFFFC180  }
0x142: {  	[tilespmem:s25], [sflag:$0x3] =	stream.indirect.gather [hbm4b:s0+s24], $0x80, s15, s24, $0xb8;
	[tilespmem:$0x1E880] =	vst v63  }
0x143: {  	_ =	swait.ge [sflag:s31], $0x3E80  }
0x144: {  	[sflag:s31] =	ssyncset.done $0x0  }
0x145: {  	s15 =	simm.s32 $0x2980;
	[sflag:s31] =	ssyncadd.s32 $0xFFFFC180  }
0x146: {  	[spmem:s2] =	stream.indirect.scatter.add.f32 [tilespmem:s28], [sflag:$0x5], $0x80, s15, s24, $0xb8;
	[tilespmem:$0x1E880] =	vst v63  }
0x147: {  	_ =	swait.ge [sflag:s20], $0x3E80  }
0x148: {  	[sflag:s20] =	ssyncset.done $0x0  }
0x149: {  	s15 =	simm.s32 $0x1E80;
	[sflag:s20] =	ssyncadd.s32 $0xFFFFC180  }
0x14a: {  	[tilespmem:s28], [sflag:$0x4] =	stream.indirect.gather [hbm4b:s0+s24], $0x80, s15, s24, $0xb8;
	[tilespmem:$0x1E880] =	vst v63  }
0x14b: {  	_ =	swait.ge [sflag:s29], $0x3E80  }
0x14c: {  	[sflag:s29] =	ssyncset.done $0x0  }
0x14d: {  	s15 =	simm.s32 $0x2A00;
	[sflag:s29] =	ssyncadd.s32 $0xFFFFC180  }
0x14e: {  	[spmem:s2] =	stream.indirect.scatter.add.f32 [tilespmem:s25], [sflag:$0x5], $0x80, s15, s24, $0xb8;
	[tilespmem:$0x1E880] =	vst v63  }
0x14f: {  	_ =	swait.ge [sflag:s20], $0x3E80  }
0x150: {  	[sflag:s20] =	ssyncset.done $0x0  }
0x151: {  	s15 =	simm.s32 $0x1F00;
	[sflag:s20] =	ssyncadd.s32 $0xFFFFC180  }
0x152: {  	[tilespmem:s25], [sflag:$0x3] =	stream.indirect.gather [hbm4b:s0+s24], $0x80, s15, s24, $0xb8;
	[tilespmem:$0x1E880] =	vst v63  }
0x153: {  	_ =	swait.ge [sflag:s31], $0x3E80  }
0x154: {  	[sflag:s31] =	ssyncset.done $0x0  }
0x155: {  	[sflag:s31] =	ssyncadd.s32 $0xFFFFC180  }
0x156: {  	[spmem:s2] =	stream.indirect.scatter.add.f32 [tilespmem:s28], [sflag:$0x5], $0x80, s9, s24, $0xb8;
	[tilespmem:$0x1E880] =	vst v63  }
0x157: {  	_ =	swait.ge [sflag:s20], $0x3E80  }
0x158: {  	[sflag:s20] =	ssyncset.done $0x0  }
0x159: {  	[sflag:s20] =	ssyncadd.s32 $0xFFFFC180  }
0x15a: {  	[tilespmem:s28], [sflag:$0x4] =	stream.indirect.gather [hbm4b:s0+s24], $0x80, s10, s24, $0xb8;
	[tilespmem:$0x1E880] =	vst v63  }
0x15b: {  	_ =	swait.ge [sflag:s29], $0x3E80  }
0x15c: {  	[sflag:s29] =	ssyncset.done $0x0  }
0x15d: {  	[sflag:s29] =	ssyncadd.s32 $0xFFFFC180  }
0x15e: {  	[spmem:s2] =	stream.indirect.scatter.add.f32 [tilespmem:s25], [sflag:$0x5], $0x80, s11, s24, $0xb8;
	[tilespmem:$0x1E880] =	vst v63  }
0x15f: {  	_ =	swait.ge [sflag:s20], $0x3E80  }
0x160: {  	[sflag:s20] =	ssyncset.done $0x0  }
0x161: {  	[sflag:s20] =	ssyncadd.s32 $0xFFFFC180  }
0x162: {  	[tilespmem:s25], [sflag:$0x3] =	stream.indirect.gather [hbm4b:s0+s24], $0x80, s16, s24, $0xb8;
	[tilespmem:$0x1E880] =	vst v63  }
0x163: {  	_ =	swait.ge [sflag:s31], $0x3E80  }
0x164: {  	[sflag:s31] =	ssyncset.done $0x0  }
0x165: {  	[sflag:s31] =	ssyncadd.s32 $0xFFFFC180  }
0x166: {  	[spmem:s2] =	stream.indirect.scatter.add.f32 [tilespmem:s28], [sflag:$0x5], $0x80, s17, s24, $0xb8;
	[tilespmem:$0x1E880] =	vst v63  }
0x167: {  	_ =	swait.ge [sflag:s20], $0x3E80  }
0x168: {  	[sflag:s20] =	ssyncset.done $0x0  }
0x169: {  	[sflag:s20] =	ssyncadd.s32 $0xFFFFC180  }
0x16a: {  	[tilespmem:s28], [sflag:$0x4] =	stream.indirect.gather [hbm4b:s0+s24], $0x80, s18, s24, $0xb8;
	[tilespmem:$0x1E880] =	vst v63  }
0x16b: {  	_ =	swait.ge [sflag:s29], $0x3E80  }
0x16c: {  	[sflag:s29] =	ssyncset.done $0x0  }
0x16d: {  	[sflag:s29] =	ssyncadd.s32 $0xFFFFC180  }
0x16e: {  	[spmem:s2] =	stream.indirect.scatter.add.f32 [tilespmem:s25], [sflag:$0x5], $0x80, s19, s24, $0xb8;
	[tilespmem:$0x1E880] =	vst v63  }
0x16f: {  	_ =	swait.ge [sflag:s20], $0x3E80  }
0x170: {  	[sflag:s20] =	ssyncset.done $0x0  }
0x171: {  	[sflag:s20] =	ssyncadd.s32 $0xFFFFC180  }
0x172: {  	[tilespmem:s25], [sflag:$0x3] =	stream.indirect.gather [hbm4b:s0+s24], $0x80, s5, s24, $0xb8;
	[tilespmem:$0x1E880] =	vst v63  }
0x173: {  	_ =	swait.ge [sflag:s31], $0x3E80  }
0x174: {  	[sflag:s31] =	ssyncset.done $0x0  }
0x175: {  	[sflag:s31] =	ssyncadd.s32 $0xFFFFC180  }
0x176: {  	[spmem:s2] =	stream.indirect.scatter.add.f32 [tilespmem:s28], [sflag:$0x5], $0x80, s1, s24, $0xb8;
	[tilespmem:$0x1E880] =	vst v63  }
0x177: {  	_ =	swait.ge [sflag:s20], $0x3E80  }
0x178: {  	[sflag:s20] =	ssyncset.done $0x0  }
0x179: {  	[sflag:s20] =	ssyncadd.s32 $0xFFFFC180  }
0x17a: {  	[tilespmem:s28], [sflag:$0x4] =	stream.indirect.gather [hbm4b:s0+s24], $0x80, s6, s24, $0xb8;
	[tilespmem:$0x1E880] =	vst v63  }
0x17b: {  	_ =	swait.ge [sflag:s29], $0x3E80  }
0x17c: {  	[sflag:s29] =	ssyncset.done $0x0  }
0x17d: {  	[sflag:s29] =	ssyncadd.s32 $0xFFFFC180  }
0x17e: {  	[spmem:s2] =	stream.indirect.scatter.add.f32 [tilespmem:s25], [sflag:$0x5], $0x80, s7, s24, $0xb8;
	[tilespmem:$0x1E880] =	vst v63  }
0x17f: {  	_ =	swait.ge [sflag:s20], $0x3E80  }
0x180: {  	[sflag:s20] =	ssyncset.done $0x0  }
0x181: {  	[sflag:s20] =	ssyncadd.s32 $0xFFFFC180  }
0x182: {  	_ =	swait.ge [sflag:s31], $0x3E80  }
0x183: {  	p1 =	por p2, p2;
	[sflag:s31] =	ssyncset.done $0x0  }
.Ltmp0:
0x184: {  	[sflag:s31] =	ssyncadd.s32 $0xFFFFC180;
	(pc) =	sbr.rel @p1 .LBB2_2-.Ltmp0, $4  }
0x185: {  	[spmem:s2] =	stream.indirect.scatter.add.f32 [tilespmem:s28], [sflag:$0x5], $0x80, s8, s24, $0xb8;
	[tilespmem:$0x1E880] =	vst v63  }
0x186: {  	_ =	swait.ge [sflag:s20], $0x3E80  }
0x187: {  	p2 =	por $0x0, $0x0;
	[sflag:s20] =	ssyncset.done $0x0  }
0x188: {  	s14 =	smov.u32 s26;
	s15 =	smov.u32 s30;
	[sflag:s20] =	ssyncadd.s32 $0xFFFFC180  }
0x189: {  	[bflag:$0x0] =	sbarrier.arrive $0xFFFF  }
0x18a: {  	s15 =	rddreg [dreg:$0x5]  }
0x18b: {  	s14 =	rddreg [dreg:$0xc]  }
0x18c: {  	s1 =	rddreg [dreg:$0xf]  }
0x18d: {  	[hbm:s14], [sflag:s15] =	dma.local [spmem:s1], $0x2700  }
0x18e: {  	_ =	swait.ge [sflag:s20], $0x2700  }
0x18f: {  	[sflag:s20] =	ssyncset.done $0x0;
	s14 =	rddreg [dreg:$0xd]  }
0x190: {  	s1 =	rddreg [dreg:$0x11];
	[sflag:s20] =	ssyncadd.s32 $0xFFFFD900  }
0x191: {  	[hbm:s14], [sflag:s15] =	dma.local @!p0 [spmem:s1], $0x100  }
0x192: {  	s14 =	simm.s32 @!p0 $0x5  }
0x193: {  	_ =	swait.ge @!p0 [sflag:s14], $0x100  }
0x194: {  	s5 =	rddreg [dreg:$0x10]  }
0x195: {  	s4 =	rddreg [dreg:$0xe];
	s5 =	sadd.s32 $0x1, s5  }
0x196: {  	p1 =	sne.s32 s5, s4  }
.Ltmp1:
0x197: {  	_ = 	snop;
	(pc) =	sbr.rel @p1 .LBB2_1-.Ltmp1, $3  }
0x198: {  	_ =	sdelay $0x1  }
0x199: {  	[sflag:s14] =	ssyncset.done @!p0 $0x0  }
0x19a: {  	[sflag:s14] =	ssyncadd.s32 @!p0 $0xFFFFFF00;
	s4 =	simm.s32 $0xC00  }
0x19b: {  	_ =	sfence.sel $0x180000  }
0x19c: {  	[bflag:$0x0] =	sbarrier.arrive $0xFFFF  }
0x19d: {  	_ =	strace $0x9000004A  }
0x19e: {  	[bflag:$0x2] =	sbarrier.arrive $0xFFFF  }
0x19f: {  	s0 =	rddreg [dreg:$0x3]  }
0x1a0: {  	s0 =	sadd.s32 @!p0 $0x100000, s0  }
0x1a1: {  	[sflag:s0] =	ssyncadd.tile.s32 @!p0 $0x1;
	_ =	shalt  }
.Lfunc_end2:
_tile_overlayer_lowered:
.L_overlay_start_2:
0x1a2: {  	(tag) =	ssettag $0x2  }
0x1a3: {  	s0 =	rddreg [dreg:$0x0];
	s2 =	stileid.u32  }
0x1a4: {  	s1 =	rddreg [dreg:$0x1];
	p0 =	sne.s32 s2, $0x0  }
0x1a5: {  	s3 =	rddreg [dreg:$0x2];
	[bflag:$0x3] =	sbarrier.arrive $0xFFFF;
	s2 =	simm.s32 @!p0 $0x1C05  }
0x1a6: {  	[timem:s3], [sflag:s2] =	dma.local @!p0 [hbm:s0], s1  }
0x1a7: {  	s0 =	simm.s32 @!p0 $0x5  }
0x1a8: {  	_ =	swait.ge @!p0 [sflag:s0], s1  }
0x1a9: {  	s1 =	ssub.s32 @!p0 $0x0, s1;
	[sflag:s0] =	ssyncset.done @!p0 $0x0  }
0x1aa: {  	[sflag:s0] =	ssyncadd.s32 @!p0 s1  }
0x1ab: {  	[bflag:$0x3] =	sbarrier.arrive $0xFFFF  }
0x1ac: {  	_ =	shalt  }

</sc_bundles>
